<compile_context>
chip_gen: v7x
topology: tpu7x:2x2x1
jax: 0.10.2.dev20260603
libtpu: 0.0.44.dev20260713+nightly
codegen_flags: <defaults>
</compile_context>

<pallas_src>
import functools

import jax
import jax.numpy as jnp
from jax import lax
from jax.experimental import pallas as pl
from jax.experimental.pallas import tpu as pltpu
from jax.experimental.pallas import tpu_sc as plsc


@functools.lru_cache(maxsize=None)
def _make_gather(V, D, Bt, S):
    info = plsc.get_sparse_core_info()
    NC, NS = info.num_cores, info.num_subcores
    NW = NC * NS
    assert Bt % NW == 0
    b_per_w = Bt // NW
    R = 4
    n_super = b_per_w // R
    assert b_per_w % R == 0 and n_super >= 2
    splits = []
    off = 0
    while off < S:
        n = min(128, S - off)
        splits.append((off, n))
        off += n

    mesh = plsc.VectorSubcoreMesh(core_axis_name="c", subcore_axis_name="s")

    @functools.partial(
        pl.kernel,
        mesh=mesh,
        compiler_params=pltpu.CompilerParams(use_tc_tiling_on_sc=False),
        out_type=jax.ShapeDtypeStruct((Bt, S, D), jnp.float32),
        scratch_types=[
            pltpu.VMEM((R, S), jnp.int32),
            pltpu.VMEM((R, S, D), jnp.float32),
            pltpu.SemaphoreType.DMA((R,)),
            pltpu.SemaphoreType.DMA((R,)),
            pltpu.SemaphoreType.DMA((R,)),
        ],
    )
    def gather_kernel(table_hbm, idx_hbm, out_hbm, idx_v, rows_v,
                      idx_sem, gat_sem, out_sem):
        wid = lax.axis_index("s") * NC + lax.axis_index("c")
        b0 = wid * b_per_w

        def start_idx(b, u):
            pltpu.async_copy(idx_hbm.at[b0 + b], idx_v.at[u], idx_sem.at[u])

        def wait_idx(u):
            pltpu.make_async_copy(
                idx_hbm.at[b0], idx_v.at[u], idx_sem.at[u]).wait()

        def fire(b, u):
            for (o, n) in splits:
                pltpu.async_copy(
                    table_hbm.at[idx_v.at[u, pl.ds(o, n)]],
                    rows_v.at[u, pl.ds(o, n)],
                    gat_sem.at[u])

        def wait_gat(u):
            pltpu.make_async_copy(
                out_hbm.at[b0], rows_v.at[u], gat_sem.at[u]).wait()

        def start_out(b, u):
            pltpu.async_copy(rows_v.at[u], out_hbm.at[b0 + b], out_sem.at[u])

        def wait_out(u):
            pltpu.make_async_copy(
                rows_v.at[u], out_hbm.at[b0], out_sem.at[u]).wait()

        for u in range(R):
            start_idx(u, u)
        for u in range(R):
            wait_idx(u)
            fire(u, u)
        for u in range(R):
            wait_gat(u)
            start_out(u, u)
            start_idx(R + u, u)

        def super_body(s, carry):
            c0 = s * R
            for u in range(R):
                wait_idx(u)
                wait_out(u)
                fire(c0 + u, u)
            for u in range(R):
                wait_gat(u)
                start_out(c0 + u, u)
                start_idx(c0 + R + u, u)
            return carry

        lax.fori_loop(1, n_super - 1, super_body, 0)

        cl = (n_super - 1) * R
        for u in range(R):
            wait_idx(u)
            wait_out(u)
            fire(cl + u, u)
        for u in range(R):
            wait_gat(u)
            start_out(cl + u, u)
        for u in range(R):
            wait_out(u)

    return gather_kernel


def kernel(src_seq, src_mask, emb_table):
    Bt, S = src_seq.shape
    V, D = emb_table.shape
    return _make_gather(V, D, Bt, S)(emb_table, src_seq)

# --- scband reference (transcript-rebuilt; emitter-appended) ---
"""Pipeline reference for scband-encoder-17583596110236 (READ-ONLY COPY).

The authoritative reference and input builder live on the scoring server;
editing this copy changes nothing except your own understanding.
"""

import jax, jax.numpy as jnp
import numpy as np

PAD_IDX = 0
VOCAB = 1000000
D_WORD_VEC = 64
BATCH = 4096
SEQ = 200


def setup_inputs(seed: int = 0) -> dict:
    key = jax.random.key(seed)
    k1, k2 = jax.random.split(key)
    src_seq = jax.random.randint(k1, (BATCH, SEQ), 0, VOCAB, dtype=jnp.int64 if jax.config.jax_enable_x64 else jnp.int32).astype(jnp.int32)
    src_mask = jnp.ones((BATCH, SEQ), dtype=bool)
    emb_table = jax.random.normal(k2, (VOCAB, D_WORD_VEC), dtype=jnp.float32)
    # padding_idx row is zero-initialized in nn.Embedding
    emb_table = emb_table.at[PAD_IDX].set(0.0)
    return {"src_seq": src_seq, "src_mask": src_mask, "emb_table": emb_table}


def reference(src_seq, src_mask, emb_table):
    # Encoder.forward: enc_output = self.src_word_emb(src_seq)
    # src_mask is accepted but unused by this module's forward.
    enc_output = jnp.take(emb_table, src_seq, axis=0)
    return enc_output

if __name__ == "__main__":
    import jax
    _d = setup_inputs()
    print(jax.jit(kernel)(*tuple(_d.values())))

</pallas_src>

<mosaic_0001>
#map = affine_map<(d0, d1) -> (0, 0)>
#map1 = affine_map<(d0, d1) -> (0, 0, 0)>
module attributes {stable_mosaic.version = 14 : i64} {
  func.func @gather_kernel(%arg0: i32, %arg1: i32, %arg2: memref<1000000x64xf32, #tpu.memory_space<hbm>>, %arg3: memref<4096x200xi32, #tpu.memory_space<hbm>>, %arg4: memref<4096x200x64xf32, #tpu.memory_space<hbm>>, %arg5: memref<4x200xi32, #tpu.memory_space<vmem>>, %arg6: memref<4x200x64xf32, #tpu.memory_space<vmem>>, %arg7: memref<4x!tpu.dma_semaphore, #tpu.memory_space<semaphore_mem>>, %arg8: memref<4x!tpu.dma_semaphore, #tpu.memory_space<semaphore_mem>>, %arg9: memref<4x!tpu.dma_semaphore, #tpu.memory_space<semaphore_mem>>) attributes {dimension_semantics = [#tpu.dimension_semantics<core_parallel>, #tpu.dimension_semantics<subcore_parallel>], iteration_bounds = array<i64: 2, 16>, scalar_prefetch = 0 : i64, scratch_operands = 5 : i64, tpu.core_type = #tpu.core_type<sc_vector_subcore>, window_params = [{transform_indices = #map}, {transform_indices = #map}, {transform_indices = #map1}]} {
    %mul3A = arith.constant 2 : i32
    %mul3A_0 = arith.muli %arg1, %mul3A : i32
    %add3A = arith.addi %mul3A_0, %arg0 : i32
    %mul3A_1 = arith.constant 128 : i32
    %mul3A_2 = arith.muli %add3A, %mul3A_1 : i32
    %add3A_3 = arith.constant 0 : i32
    %add3A_4 = arith.addi %mul3A_2, %add3A_3 : i32
    %dma_start3A = arith.constant 0 : i32
    %dma_start3A_5 = arith.constant 0 : i32
    %dma_start3A_6 = arith.constant 0 : i32
    %dma_start3A_7 = tpu.memref_slice %arg5[%dma_start3A, %dma_start3A_6] : memref<4x200xi32, #tpu.memory_space<vmem>> -> memref<1x200xi32, #tpu.memory_space<vmem>>
    %dma_start3A_8 = tpu.memref_squeeze %dma_start3A_7 : memref<1x200xi32, #tpu.memory_space<vmem>> -> memref<200xi32, #tpu.memory_space<vmem>>
    %dma_start3A_9 = arith.constant 0 : i32
    %dma_start3A_10 = tpu.memref_slice %arg3[%add3A_4, %dma_start3A_9] : memref<4096x200xi32, #tpu.memory_space<hbm>> -> memref<1x200xi32, #tpu.memory_space<hbm>>
    %dma_start3A_11 = tpu.memref_squeeze %dma_start3A_10 : memref<1x200xi32, #tpu.memory_space<hbm>> -> memref<200xi32, #tpu.memory_space<hbm>>
    %dma_start3A_12 = tpu.memref_slice %arg7[%dma_start3A_5] : memref<4x!tpu.dma_semaphore, #tpu.memory_space<semaphore_mem>> -> memref<1x!tpu.dma_semaphore, #tpu.memory_space<semaphore_mem>>
    %dma_start3A_13 = tpu.memref_squeeze %dma_start3A_12 : memref<1x!tpu.dma_semaphore, #tpu.memory_space<semaphore_mem>> -> memref<!tpu.dma_semaphore, #tpu.memory_space<semaphore_mem>>
    %dma_start3A_14 = arith.constant 0 : i32
    %dma_start3A_15 = tpu.memref_slice %arg5[%dma_start3A, %dma_start3A_14] : memref<4x200xi32, #tpu.memory_space<vmem>> -> memref<1x200xi32, #tpu.memory_space<vmem>>
    %dma_start3A_16 = tpu.memref_squeeze %dma_start3A_15 : memref<1x200xi32, #tpu.memory_space<vmem>> -> memref<200xi32, #tpu.memory_space<vmem>>
    %dma_start3A_17 = arith.constant 0 : i32
    %dma_start3A_18 = tpu.memref_slice %arg3[%add3A_4, %dma_start3A_17] : memref<4096x200xi32, #tpu.memory_space<hbm>> -> memref<1x200xi32, #tpu.memory_space<hbm>>
    %dma_start3A_19 = tpu.memref_squeeze %dma_start3A_18 : memref<1x200xi32, #tpu.memory_space<hbm>> -> memref<200xi32, #tpu.memory_space<hbm>>
    tpu.enqueue_dma source(%dma_start3A_19 : memref<200xi32, #tpu.memory_space<hbm>>) target(%dma_start3A_16 : memref<200xi32, #tpu.memory_space<vmem>>) target_semaphore(%dma_start3A_13 : memref<!tpu.dma_semaphore, #tpu.memory_space<semaphore_mem>>)
    %add3A_20 = arith.constant 1 : i32
    %add3A_21 = arith.addi %mul3A_2, %add3A_20 : i32
    %dma_start3A_22 = arith.constant 1 : i32
    %dma_start3A_23 = arith.constant 1 : i32
    %dma_start3A_24 = arith.constant 0 : i32
    %dma_start3A_25 = tpu.memref_slice %arg5[%dma_start3A_22, %dma_start3A_24] : memref<4x200xi32, #tpu.memory_space<vmem>> -> memref<1x200xi32, #tpu.memory_space<vmem>>
    %dma_start3A_26 = tpu.memref_squeeze %dma_start3A_25 : memref<1x200xi32, #tpu.memory_space<vmem>> -> memref<200xi32, #tpu.memory_space<vmem>>
    %dma_start3A_27 = arith.constant 0 : i32
    %dma_start3A_28 = tpu.memref_slice %arg3[%add3A_21, %dma_start3A_27] : memref<4096x200xi32, #tpu.memory_space<hbm>> -> memref<1x200xi32, #tpu.memory_space<hbm>>
    %dma_start3A_29 = tpu.memref_squeeze %dma_start3A_28 : memref<1x200xi32, #tpu.memory_space<hbm>> -> memref<200xi32, #tpu.memory_space<hbm>>
    %dma_start3A_30 = tpu.memref_slice %arg7[%dma_start3A_23] : memref<4x!tpu.dma_semaphore, #tpu.memory_space<semaphore_mem>> -> memref<1x!tpu.dma_semaphore, #tpu.memory_space<semaphore_mem>>
    %dma_start3A_31 = tpu.memref_squeeze %dma_start3A_30 : memref<1x!tpu.dma_semaphore, #tpu.memory_space<semaphore_mem>> -> memref<!tpu.dma_semaphore, #tpu.memory_space<semaphore_mem>>
    %dma_start3A_32 = arith.constant 0 : i32
    %dma_start3A_33 = tpu.memref_slice %arg5[%dma_start3A_22, %dma_start3A_32] : memref<4x200xi32, #tpu.memory_space<vmem>> -> memref<1x200xi32, #tpu.memory_space<vmem>>
    %dma_start3A_34 = tpu.memref_squeeze %dma_start3A_33 : memref<1x200xi32, #tpu.memory_space<vmem>> -> memref<200xi32, #tpu.memory_space<vmem>>
    %dma_start3A_35 = arith.constant 0 : i32
    %dma_start3A_36 = tpu.memref_slice %arg3[%add3A_21, %dma_start3A_35] : memref<4096x200xi32, #tpu.memory_space<hbm>> -> memref<1x200xi32, #tpu.memory_space<hbm>>
    %dma_start3A_37 = tpu.memref_squeeze %dma_start3A_36 : memref<1x200xi32, #tpu.memory_space<hbm>> -> memref<200xi32, #tpu.memory_space<hbm>>
    tpu.enqueue_dma source(%dma_start3A_37 : memref<200xi32, #tpu.memory_space<hbm>>) target(%dma_start3A_34 : memref<200xi32, #tpu.memory_space<vmem>>) target_semaphore(%dma_start3A_31 : memref<!tpu.dma_semaphore, #tpu.memory_space<semaphore_mem>>)
    %add3A_38 = arith.constant 2 : i32
    %add3A_39 = arith.addi %mul3A_2, %add3A_38 : i32
    %dma_start3A_40 = arith.constant 2 : i32
    %dma_start3A_41 = arith.constant 2 : i32
    %dma_start3A_42 = arith.constant 0 : i32
    %dma_start3A_43 = tpu.memref_slice %arg5[%dma_start3A_40, %dma_start3A_42] : memref<4x200xi32, #tpu.memory_space<vmem>> -> memref<1x200xi32, #tpu.memory_space<vmem>>
    %dma_start3A_44 = tpu.memref_squeeze %dma_start3A_43 : memref<1x200xi32, #tpu.memory_space<vmem>> -> memref<200xi32, #tpu.memory_space<vmem>>
    %dma_start3A_45 = arith.constant 0 : i32
    %dma_start3A_46 = tpu.memref_slice %arg3[%add3A_39, %dma_start3A_45] : memref<4096x200xi32, #tpu.memory_space<hbm>> -> memref<1x200xi32, #tpu.memory_space<hbm>>
    %dma_start3A_47 = tpu.memref_squeeze %dma_start3A_46 : memref<1x200xi32, #tpu.memory_space<hbm>> -> memref<200xi32, #tpu.memory_space<hbm>>
    %dma_start3A_48 = tpu.memref_slice %arg7[%dma_start3A_41] : memref<4x!tpu.dma_semaphore, #tpu.memory_space<semaphore_mem>> -> memref<1x!tpu.dma_semaphore, #tpu.memory_space<semaphore_mem>>
    %dma_start3A_49 = tpu.memref_squeeze %dma_start3A_48 : memref<1x!tpu.dma_semaphore, #tpu.memory_space<semaphore_mem>> -> memref<!tpu.dma_semaphore, #tpu.memory_space<semaphore_mem>>
    %dma_start3A_50 = arith.constant 0 : i32
    %dma_start3A_51 = tpu.memref_slice %arg5[%dma_start3A_40, %dma_start3A_50] : memref<4x200xi32, #tpu.memory_space<vmem>> -> memref<1x200xi32, #tpu.memory_space<vmem>>
    %dma_start3A_52 = tpu.memref_squeeze %dma_start3A_51 : memref<1x200xi32, #tpu.memory_space<vmem>> -> memref<200xi32, #tpu.memory_space<vmem>>
    %dma_start3A_53 = arith.constant 0 : i32
    %dma_start3A_54 = tpu.memref_slice %arg3[%add3A_39, %dma_start3A_53] : memref<4096x200xi32, #tpu.memory_space<hbm>> -> memref<1x200xi32, #tpu.memory_space<hbm>>
    %dma_start3A_55 = tpu.memref_squeeze %dma_start3A_54 : memref<1x200xi32, #tpu.memory_space<hbm>> -> memref<200xi32, #tpu.memory_space<hbm>>
    tpu.enqueue_dma source(%dma_start3A_55 : memref<200xi32, #tpu.memory_space<hbm>>) target(%dma_start3A_52 : memref<200xi32, #tpu.memory_space<vmem>>) target_semaphore(%dma_start3A_49 : memref<!tpu.dma_semaphore, #tpu.memory_space<semaphore_mem>>)
    %add3A_56 = arith.constant 3 : i32
    %add3A_57 = arith.addi %mul3A_2, %add3A_56 : i32
    %dma_start3A_58 = arith.constant 3 : i32
    %dma_start3A_59 = arith.constant 3 : i32
    %dma_start3A_60 = arith.constant 0 : i32
    %dma_start3A_61 = tpu.memref_slice %arg5[%dma_start3A_58, %dma_start3A_60] : memref<4x200xi32, #tpu.memory_space<vmem>> -> memref<1x200xi32, #tpu.memory_space<vmem>>
    %dma_start3A_62 = tpu.memref_squeeze %dma_start3A_61 : memref<1x200xi32, #tpu.memory_space<vmem>> -> memref<200xi32, #tpu.memory_space<vmem>>
    %dma_start3A_63 = arith.constant 0 : i32
    %dma_start3A_64 = tpu.memref_slice %arg3[%add3A_57, %dma_start3A_63] : memref<4096x200xi32, #tpu.memory_space<hbm>> -> memref<1x200xi32, #tpu.memory_space<hbm>>
    %dma_start3A_65 = tpu.memref_squeeze %dma_start3A_64 : memref<1x200xi32, #tpu.memory_space<hbm>> -> memref<200xi32, #tpu.memory_space<hbm>>
    %dma_start3A_66 = tpu.memref_slice %arg7[%dma_start3A_59] : memref<4x!tpu.dma_semaphore, #tpu.memory_space<semaphore_mem>> -> memref<1x!tpu.dma_semaphore, #tpu.memory_space<semaphore_mem>>
    %dma_start3A_67 = tpu.memref_squeeze %dma_start3A_66 : memref<1x!tpu.dma_semaphore, #tpu.memory_space<semaphore_mem>> -> memref<!tpu.dma_semaphore, #tpu.memory_space<semaphore_mem>>
    %dma_start3A_68 = arith.constant 0 : i32
    %dma_start3A_69 = tpu.memref_slice %arg5[%dma_start3A_58, %dma_start3A_68] : memref<4x200xi32, #tpu.memory_space<vmem>> -> memref<1x200xi32, #tpu.memory_space<vmem>>
    %dma_start3A_70 = tpu.memref_squeeze %dma_start3A_69 : memref<1x200xi32, #tpu.memory_space<vmem>> -> memref<200xi32, #tpu.memory_space<vmem>>
    %dma_start3A_71 = arith.constant 0 : i32
    %dma_start3A_72 = tpu.memref_slice %arg3[%add3A_57, %dma_start3A_71] : memref<4096x200xi32, #tpu.memory_space<hbm>> -> memref<1x200xi32, #tpu.memory_space<hbm>>
    %dma_start3A_73 = tpu.memref_squeeze %dma_start3A_72 : memref<1x200xi32, #tpu.memory_space<hbm>> -> memref<200xi32, #tpu.memory_space<hbm>>
    tpu.enqueue_dma source(%dma_start3A_73 : memref<200xi32, #tpu.memory_space<hbm>>) target(%dma_start3A_70 : memref<200xi32, #tpu.memory_space<vmem>>) target_semaphore(%dma_start3A_67 : memref<!tpu.dma_semaphore, #tpu.memory_space<semaphore_mem>>)
    %dma_wait3A = arith.constant 0 : i32
    %dma_wait3A_74 = arith.constant 0 : i32
    %dma_wait3A_75 = arith.constant 0 : i32
    %dma_wait3A_76 = tpu.memref_slice %arg5[%dma_wait3A, %dma_wait3A_75] : memref<4x200xi32, #tpu.memory_space<vmem>> -> memref<1x200xi32, #tpu.memory_space<vmem>>
    %dma_wait3A_77 = tpu.memref_squeeze %dma_wait3A_76 : memref<1x200xi32, #tpu.memory_space<vmem>> -> memref<200xi32, #tpu.memory_space<vmem>>
    %dma_wait3A_78 = arith.constant 0 : i32
    %dma_wait3A_79 = tpu.memref_slice %arg3[%mul3A_2, %dma_wait3A_78] : memref<4096x200xi32, #tpu.memory_space<hbm>> -> memref<1x200xi32, #tpu.memory_space<hbm>>
    %dma_wait3A_80 = tpu.memref_squeeze %dma_wait3A_79 : memref<1x200xi32, #tpu.memory_space<hbm>> -> memref<200xi32, #tpu.memory_space<hbm>>
    %dma_wait3A_81 = tpu.memref_slice %arg7[%dma_wait3A_74] : memref<4x!tpu.dma_semaphore, #tpu.memory_space<semaphore_mem>> -> memref<1x!tpu.dma_semaphore, #tpu.memory_space<semaphore_mem>>
    %dma_wait3A_82 = tpu.memref_squeeze %dma_wait3A_81 : memref<1x!tpu.dma_semaphore, #tpu.memory_space<semaphore_mem>> -> memref<!tpu.dma_semaphore, #tpu.memory_space<semaphore_mem>>
    %dma_wait3A_83 = arith.constant 0 : i32
    %dma_wait3A_84 = tpu.memref_slice %arg5[%dma_wait3A, %dma_wait3A_83] : memref<4x200xi32, #tpu.memory_space<vmem>> -> memref<1x200xi32, #tpu.memory_space<vmem>>
    %dma_wait3A_85 = tpu.memref_squeeze %dma_wait3A_84 : memref<1x200xi32, #tpu.memory_space<vmem>> -> memref<200xi32, #tpu.memory_space<vmem>>
    %dma_wait3A_86 = arith.constant 0 : i32
    %dma_wait3A_87 = tpu.memref_slice %arg3[%mul3A_2, %dma_wait3A_86] : memref<4096x200xi32, #tpu.memory_space<hbm>> -> memref<1x200xi32, #tpu.memory_space<hbm>>
    %dma_wait3A_88 = tpu.memref_squeeze %dma_wait3A_87 : memref<1x200xi32, #tpu.memory_space<hbm>> -> memref<200xi32, #tpu.memory_space<hbm>>
    tpu.wait_dma2 semaphore(%dma_wait3A_82 : memref<!tpu.dma_semaphore, #tpu.memory_space<semaphore_mem>>) src(%dma_wait3A_88 : memref<200xi32, #tpu.memory_space<hbm>>) dst(%dma_wait3A_85 : memref<200xi32, #tpu.memory_space<vmem>>)
    %dma_start3A_89 = arith.constant 0 : i32
    %dma_start3A_90 = arith.constant 0 : i32
    %dma_start3A_91 = arith.constant 0 : i32
    %dma_start3A_92 = arith.constant 0 : i32
    %dma_start3A_93 = arith.constant 0 : i32
    %dma_start3A_94 = tpu.memref_slice %arg6[%dma_start3A_90, %dma_start3A_92, %dma_start3A_93] : memref<4x200x64xf32, #tpu.memory_space<vmem>> -> memref<1x128x64xf32, #tpu.memory_space<vmem>>
    %dma_start3A_95 = tpu.memref_squeeze %dma_start3A_94 : memref<1x128x64xf32, #tpu.memory_space<vmem>> -> memref<128x64xf32, #tpu.memory_space<vmem>>
    %dma_start3A_96 = arith.constant 0 : i32
    %dma_start3A_97 = tpu.memref_slice %arg5[%dma_start3A_89, %dma_start3A_96] : memref<4x200xi32, #tpu.memory_space<vmem>> -> memref<1x128xi32, #tpu.memory_space<vmem>>
    %dma_start3A_98 = tpu.memref_squeeze %dma_start3A_97 : memref<1x128xi32, #tpu.memory_space<vmem>> -> memref<128xi32, #tpu.memory_space<vmem>>
    %dma_start3A_99 = arith.constant 0 : i32
    %dma_start3A_100 = arith.constant 0 : i32
    %dma_start3A_101 = tpu.memref_slice %arg2[%dma_start3A_99, %dma_start3A_100] : memref<1000000x64xf32, #tpu.memory_space<hbm>> -> memref<1000000x64xf32, #tpu.memory_space<hbm>>
    %dma_start3A_102 = tpu.memref_slice %arg8[%dma_start3A_91] : memref<4x!tpu.dma_semaphore, #tpu.memory_space<semaphore_mem>> -> memref<1x!tpu.dma_semaphore, #tpu.memory_space<semaphore_mem>>
    %dma_start3A_103 = tpu.memref_squeeze %dma_start3A_102 : memref<1x!tpu.dma_semaphore, #tpu.memory_space<semaphore_mem>> -> memref<!tpu.dma_semaphore, #tpu.memory_space<semaphore_mem>>
    tpu.enqueue_indirect_dma source(%dma_start3A_101 : memref<1000000x64xf32, #tpu.memory_space<hbm>>) target(%dma_start3A_95 : memref<128x64xf32, #tpu.memory_space<vmem>>) offsets(%dma_start3A_98 : memref<128xi32, #tpu.memory_space<vmem>>) semaphore(%dma_start3A_103 : memref<!tpu.dma_semaphore, #tpu.memory_space<semaphore_mem>>)
    %dma_start3A_104 = arith.constant 0 : i32
    %dma_start3A_105 = arith.constant 0 : i32
    %dma_start3A_106 = arith.constant 0 : i32
    %dma_start3A_107 = arith.constant 128 : i32
    %dma_start3A_108 = arith.constant 0 : i32
    %dma_start3A_109 = tpu.memref_slice %arg6[%dma_start3A_105, %dma_start3A_107, %dma_start3A_108] : memref<4x200x64xf32, #tpu.memory_space<vmem>> -> memref<1x72x64xf32, #tpu.memory_space<vmem>>
    %dma_start3A_110 = tpu.memref_squeeze %dma_start3A_109 : memref<1x72x64xf32, #tpu.memory_space<vmem>> -> memref<72x64xf32, #tpu.memory_space<vmem>>
    %dma_start3A_111 = arith.constant 128 : i32
    %dma_start3A_112 = tpu.memref_slice %arg5[%dma_start3A_104, %dma_start3A_111] : memref<4x200xi32, #tpu.memory_space<vmem>> -> memref<1x72xi32, #tpu.memory_space<vmem>>
    %dma_start3A_113 = tpu.memref_squeeze %dma_start3A_112 : memref<1x72xi32, #tpu.memory_space<vmem>> -> memref<72xi32, #tpu.memory_space<vmem>>
    %dma_start3A_114 = arith.constant 0 : i32
    %dma_start3A_115 = arith.constant 0 : i32
    %dma_start3A_116 = tpu.memref_slice %arg2[%dma_start3A_114, %dma_start3A_115] : memref<1000000x64xf32, #tpu.memory_space<hbm>> -> memref<1000000x64xf32, #tpu.memory_space<hbm>>
    %dma_start3A_117 = tpu.memref_slice %arg8[%dma_start3A_106] : memref<4x!tpu.dma_semaphore, #tpu.memory_space<semaphore_mem>> -> memref<1x!tpu.dma_semaphore, #tpu.memory_space<semaphore_mem>>
    %dma_start3A_118 = tpu.memref_squeeze %dma_start3A_117 : memref<1x!tpu.dma_semaphore, #tpu.memory_space<semaphore_mem>> -> memref<!tpu.dma_semaphore, #tpu.memory_space<semaphore_mem>>
    tpu.enqueue_indirect_dma source(%dma_start3A_116 : memref<1000000x64xf32, #tpu.memory_space<hbm>>) target(%dma_start3A_110 : memref<72x64xf32, #tpu.memory_space<vmem>>) offsets(%dma_start3A_113 : memref<72xi32, #tpu.memory_space<vmem>>) semaphore(%dma_start3A_118 : memref<!tpu.dma_semaphore, #tpu.memory_space<semaphore_mem>>)
    %dma_wait3A_119 = arith.constant 1 : i32
    %dma_wait3A_120 = arith.constant 1 : i32
    %dma_wait3A_121 = arith.constant 0 : i32
    %dma_wait3A_122 = tpu.memref_slice %arg5[%dma_wait3A_119, %dma_wait3A_121] : memref<4x200xi32, #tpu.memory_space<vmem>> -> memref<1x200xi32, #tpu.memory_space<vmem>>
    %dma_wait3A_123 = tpu.memref_squeeze %dma_wait3A_122 : memref<1x200xi32, #tpu.memory_space<vmem>> -> memref<200xi32, #tpu.memory_space<vmem>>
    %dma_wait3A_124 = arith.constant 0 : i32
    %dma_wait3A_125 = tpu.memref_slice %arg3[%mul3A_2, %dma_wait3A_124] : memref<4096x200xi32, #tpu.memory_space<hbm>> -> memref<1x200xi32, #tpu.memory_space<hbm>>
    %dma_wait3A_126 = tpu.memref_squeeze %dma_wait3A_125 : memref<1x200xi32, #tpu.memory_space<hbm>> -> memref<200xi32, #tpu.memory_space<hbm>>
    %dma_wait3A_127 = tpu.memref_slice %arg7[%dma_wait3A_120] : memref<4x!tpu.dma_semaphore, #tpu.memory_space<semaphore_mem>> -> memref<1x!tpu.dma_semaphore, #tpu.memory_space<semaphore_mem>>
    %dma_wait3A_128 = tpu.memref_squeeze %dma_wait3A_127 : memref<1x!tpu.dma_semaphore, #tpu.memory_space<semaphore_mem>> -> memref<!tpu.dma_semaphore, #tpu.memory_space<semaphore_mem>>
    %dma_wait3A_129 = arith.constant 0 : i32
    %dma_wait3A_130 = tpu.memref_slice %arg5[%dma_wait3A_119, %dma_wait3A_129] : memref<4x200xi32, #tpu.memory_space<vmem>> -> memref<1x200xi32, #tpu.memory_space<vmem>>
    %dma_wait3A_131 = tpu.memref_squeeze %dma_wait3A_130 : memref<1x200xi32, #tpu.memory_space<vmem>> -> memref<200xi32, #tpu.memory_space<vmem>>
    %dma_wait3A_132 = arith.constant 0 : i32
    %dma_wait3A_133 = tpu.memref_slice %arg3[%mul3A_2, %dma_wait3A_132] : memref<4096x200xi32, #tpu.memory_space<hbm>> -> memref<1x200xi32, #tpu.memory_space<hbm>>
    %dma_wait3A_134 = tpu.memref_squeeze %dma_wait3A_133 : memref<1x200xi32, #tpu.memory_space<hbm>> -> memref<200xi32, #tpu.memory_space<hbm>>
    tpu.wait_dma2 semaphore(%dma_wait3A_128 : memref<!tpu.dma_semaphore, #tpu.memory_space<semaphore_mem>>) src(%dma_wait3A_134 : memref<200xi32, #tpu.memory_space<hbm>>) dst(%dma_wait3A_131 : memref<200xi32, #tpu.memory_space<vmem>>)
    %dma_start3A_135 = arith.constant 1 : i32
    %dma_start3A_136 = arith.constant 1 : i32
    %dma_start3A_137 = arith.constant 1 : i32
    %dma_start3A_138 = arith.constant 0 : i32
    %dma_start3A_139 = arith.constant 0 : i32
    %dma_start3A_140 = tpu.memref_slice %arg6[%dma_start3A_136, %dma_start3A_138, %dma_start3A_139] : memref<4x200x64xf32, #tpu.memory_space<vmem>> -> memref<1x128x64xf32, #tpu.memory_space<vmem>>
    %dma_start3A_141 = tpu.memref_squeeze %dma_start3A_140 : memref<1x128x64xf32, #tpu.memory_space<vmem>> -> memref<128x64xf32, #tpu.memory_space<vmem>>
    %dma_start3A_142 = arith.constant 0 : i32
    %dma_start3A_143 = tpu.memref_slice %arg5[%dma_start3A_135, %dma_start3A_142] : memref<4x200xi32, #tpu.memory_space<vmem>> -> memref<1x128xi32, #tpu.memory_space<vmem>>
    %dma_start3A_144 = tpu.memref_squeeze %dma_start3A_143 : memref<1x128xi32, #tpu.memory_space<vmem>> -> memref<128xi32, #tpu.memory_space<vmem>>
    %dma_start3A_145 = arith.constant 0 : i32
    %dma_start3A_146 = arith.constant 0 : i32
    %dma_start3A_147 = tpu.memref_slice %arg2[%dma_start3A_145, %dma_start3A_146] : memref<1000000x64xf32, #tpu.memory_space<hbm>> -> memref<1000000x64xf32, #tpu.memory_space<hbm>>
    %dma_start3A_148 = tpu.memref_slice %arg8[%dma_start3A_137] : memref<4x!tpu.dma_semaphore, #tpu.memory_space<semaphore_mem>> -> memref<1x!tpu.dma_semaphore, #tpu.memory_space<semaphore_mem>>
    %dma_start3A_149 = tpu.memref_squeeze %dma_start3A_148 : memref<1x!tpu.dma_semaphore, #tpu.memory_space<semaphore_mem>> -> memref<!tpu.dma_semaphore, #tpu.memory_space<semaphore_mem>>
    tpu.enqueue_indirect_dma source(%dma_start3A_147 : memref<1000000x64xf32, #tpu.memory_space<hbm>>) target(%dma_start3A_141 : memref<128x64xf32, #tpu.memory_space<vmem>>) offsets(%dma_start3A_144 : memref<128xi32, #tpu.memory_space<vmem>>) semaphore(%dma_start3A_149 : memref<!tpu.dma_semaphore, #tpu.memory_space<semaphore_mem>>)
    %dma_start3A_150 = arith.constant 1 : i32
    %dma_start3A_151 = arith.constant 1 : i32
    %dma_start3A_152 = arith.constant 1 : i32
    %dma_start3A_153 = arith.constant 128 : i32
    %dma_start3A_154 = arith.constant 0 : i32
    %dma_start3A_155 = tpu.memref_slice %arg6[%dma_start3A_151, %dma_start3A_153, %dma_start3A_154] : memref<4x200x64xf32, #tpu.memory_space<vmem>> -> memref<1x72x64xf32, #tpu.memory_space<vmem>>
    %dma_start3A_156 = tpu.memref_squeeze %dma_start3A_155 : memref<1x72x64xf32, #tpu.memory_space<vmem>> -> memref<72x64xf32, #tpu.memory_space<vmem>>
    %dma_start3A_157 = arith.constant 128 : i32
    %dma_start3A_158 = tpu.memref_slice %arg5[%dma_start3A_150, %dma_start3A_157] : memref<4x200xi32, #tpu.memory_space<vmem>> -> memref<1x72xi32, #tpu.memory_space<vmem>>
    %dma_start3A_159 = tpu.memref_squeeze %dma_start3A_158 : memref<1x72xi32, #tpu.memory_space<vmem>> -> memref<72xi32, #tpu.memory_space<vmem>>
    %dma_start3A_160 = arith.constant 0 : i32
    %dma_start3A_161 = arith.constant 0 : i32
    %dma_start3A_162 = tpu.memref_slice %arg2[%dma_start3A_160, %dma_start3A_161] : memref<1000000x64xf32, #tpu.memory_space<hbm>> -> memref<1000000x64xf32, #tpu.memory_space<hbm>>
    %dma_start3A_163 = tpu.memref_slice %arg8[%dma_start3A_152] : memref<4x!tpu.dma_semaphore, #tpu.memory_space<semaphore_mem>> -> memref<1x!tpu.dma_semaphore, #tpu.memory_space<semaphore_mem>>
    %dma_start3A_164 = tpu.memref_squeeze %dma_start3A_163 : memref<1x!tpu.dma_semaphore, #tpu.memory_space<semaphore_mem>> -> memref<!tpu.dma_semaphore, #tpu.memory_space<semaphore_mem>>
    tpu.enqueue_indirect_dma source(%dma_start3A_162 : memref<1000000x64xf32, #tpu.memory_space<hbm>>) target(%dma_start3A_156 : memref<72x64xf32, #tpu.memory_space<vmem>>) offsets(%dma_start3A_159 : memref<72xi32, #tpu.memory_space<vmem>>) semaphore(%dma_start3A_164 : memref<!tpu.dma_semaphore, #tpu.memory_space<semaphore_mem>>)
    %dma_wait3A_165 = arith.constant 2 : i32
    %dma_wait3A_166 = arith.constant 2 : i32
    %dma_wait3A_167 = arith.constant 0 : i32
    %dma_wait3A_168 = tpu.memref_slice %arg5[%dma_wait3A_165, %dma_wait3A_167] : memref<4x200xi32, #tpu.memory_space<vmem>> -> memref<1x200xi32, #tpu.memory_space<vmem>>
    %dma_wait3A_169 = tpu.memref_squeeze %dma_wait3A_168 : memref<1x200xi32, #tpu.memory_space<vmem>> -> memref<200xi32, #tpu.memory_space<vmem>>
    %dma_wait3A_170 = arith.constant 0 : i32
    %dma_wait3A_171 = tpu.memref_slice %arg3[%mul3A_2, %dma_wait3A_170] : memref<4096x200xi32, #tpu.memory_space<hbm>> -> memref<1x200xi32, #tpu.memory_space<hbm>>
    %dma_wait3A_172 = tpu.memref_squeeze %dma_wait3A_171 : memref<1x200xi32, #tpu.memory_space<hbm>> -> memref<200xi32, #tpu.memory_space<hbm>>
    %dma_wait3A_173 = tpu.memref_slice %arg7[%dma_wait3A_166] : memref<4x!tpu.dma_semaphore, #tpu.memory_space<semaphore_mem>> -> memref<1x!tpu.dma_semaphore, #tpu.memory_space<semaphore_mem>>
    %dma_wait3A_174 = tpu.memref_squeeze %dma_wait3A_173 : memref<1x!tpu.dma_semaphore, #tpu.memory_space<semaphore_mem>> -> memref<!tpu.dma_semaphore, #tpu.memory_space<semaphore_mem>>
    %dma_wait3A_175 = arith.constant 0 : i32
    %dma_wait3A_176 = tpu.memref_slice %arg5[%dma_wait3A_165, %dma_wait3A_175] : memref<4x200xi32, #tpu.memory_space<vmem>> -> memref<1x200xi32, #tpu.memory_space<vmem>>
    %dma_wait3A_177 = tpu.memref_squeeze %dma_wait3A_176 : memref<1x200xi32, #tpu.memory_space<vmem>> -> memref<200xi32, #tpu.memory_space<vmem>>
    %dma_wait3A_178 = arith.constant 0 : i32
    %dma_wait3A_179 = tpu.memref_slice %arg3[%mul3A_2, %dma_wait3A_178] : memref<4096x200xi32, #tpu.memory_space<hbm>> -> memref<1x200xi32, #tpu.memory_space<hbm>>
    %dma_wait3A_180 = tpu.memref_squeeze %dma_wait3A_179 : memref<1x200xi32, #tpu.memory_space<hbm>> -> memref<200xi32, #tpu.memory_space<hbm>>
    tpu.wait_dma2 semaphore(%dma_wait3A_174 : memref<!tpu.dma_semaphore, #tpu.memory_space<semaphore_mem>>) src(%dma_wait3A_180 : memref<200xi32, #tpu.memory_space<hbm>>) dst(%dma_wait3A_177 : memref<200xi32, #tpu.memory_space<vmem>>)
    %dma_start3A_181 = arith.constant 2 : i32
    %dma_start3A_182 = arith.constant 2 : i32
    %dma_start3A_183 = arith.constant 2 : i32
    %dma_start3A_184 = arith.constant 0 : i32
    %dma_start3A_185 = arith.constant 0 : i32
    %dma_start3A_186 = tpu.memref_slice %arg6[%dma_start3A_182, %dma_start3A_184, %dma_start3A_185] : memref<4x200x64xf32, #tpu.memory_space<vmem>> -> memref<1x128x64xf32, #tpu.memory_space<vmem>>
    %dma_start3A_187 = tpu.memref_squeeze %dma_start3A_186 : memref<1x128x64xf32, #tpu.memory_space<vmem>> -> memref<128x64xf32, #tpu.memory_space<vmem>>
    %dma_start3A_188 = arith.constant 0 : i32
    %dma_start3A_189 = tpu.memref_slice %arg5[%dma_start3A_181, %dma_start3A_188] : memref<4x200xi32, #tpu.memory_space<vmem>> -> memref<1x128xi32, #tpu.memory_space<vmem>>
    %dma_start3A_190 = tpu.memref_squeeze %dma_start3A_189 : memref<1x128xi32, #tpu.memory_space<vmem>> -> memref<128xi32, #tpu.memory_space<vmem>>
    %dma_start3A_191 = arith.constant 0 : i32
    %dma_start3A_192 = arith.constant 0 : i32
    %dma_start3A_193 = tpu.memref_slice %arg2[%dma_start3A_191, %dma_start3A_192] : memref<1000000x64xf32, #tpu.memory_space<hbm>> -> memref<1000000x64xf32, #tpu.memory_space<hbm>>
    %dma_start3A_194 = tpu.memref_slice %arg8[%dma_start3A_183] : memref<4x!tpu.dma_semaphore, #tpu.memory_space<semaphore_mem>> -> memref<1x!tpu.dma_semaphore, #tpu.memory_space<semaphore_mem>>
    %dma_start3A_195 = tpu.memref_squeeze %dma_start3A_194 : memref<1x!tpu.dma_semaphore, #tpu.memory_space<semaphore_mem>> -> memref<!tpu.dma_semaphore, #tpu.memory_space<semaphore_mem>>
    tpu.enqueue_indirect_dma source(%dma_start3A_193 : memref<1000000x64xf32, #tpu.memory_space<hbm>>) target(%dma_start3A_187 : memref<128x64xf32, #tpu.memory_space<vmem>>) offsets(%dma_start3A_190 : memref<128xi32, #tpu.memory_space<vmem>>) semaphore(%dma_start3A_195 : memref<!tpu.dma_semaphore, #tpu.memory_space<semaphore_mem>>)
    %dma_start3A_196 = arith.constant 2 : i32
    %dma_start3A_197 = arith.constant 2 : i32
    %dma_start3A_198 = arith.constant 2 : i32
    %dma_start3A_199 = arith.constant 128 : i32
    %dma_start3A_200 = arith.constant 0 : i32
    %dma_start3A_201 = tpu.memref_slice %arg6[%dma_start3A_197, %dma_start3A_199, %dma_start3A_200] : memref<4x200x64xf32, #tpu.memory_space<vmem>> -> memref<1x72x64xf32, #tpu.memory_space<vmem>>
    %dma_start3A_202 = tpu.memref_squeeze %dma_start3A_201 : memref<1x72x64xf32, #tpu.memory_space<vmem>> -> memref<72x64xf32, #tpu.memory_space<vmem>>
    %dma_start3A_203 = arith.constant 128 : i32
    %dma_start3A_204 = tpu.memref_slice %arg5[%dma_start3A_196, %dma_start3A_203] : memref<4x200xi32, #tpu.memory_space<vmem>> -> memref<1x72xi32, #tpu.memory_space<vmem>>
    %dma_start3A_205 = tpu.memref_squeeze %dma_start3A_204 : memref<1x72xi32, #tpu.memory_space<vmem>> -> memref<72xi32, #tpu.memory_space<vmem>>
    %dma_start3A_206 = arith.constant 0 : i32
    %dma_start3A_207 = arith.constant 0 : i32
    %dma_start3A_208 = tpu.memref_slice %arg2[%dma_start3A_206, %dma_start3A_207] : memref<1000000x64xf32, #tpu.memory_space<hbm>> -> memref<1000000x64xf32, #tpu.memory_space<hbm>>
    %dma_start3A_209 = tpu.memref_slice %arg8[%dma_start3A_198] : memref<4x!tpu.dma_semaphore, #tpu.memory_space<semaphore_mem>> -> memref<1x!tpu.dma_semaphore, #tpu.memory_space<semaphore_mem>>
    %dma_start3A_210 = tpu.memref_squeeze %dma_start3A_209 : memref<1x!tpu.dma_semaphore, #tpu.memory_space<semaphore_mem>> -> memref<!tpu.dma_semaphore, #tpu.memory_space<semaphore_mem>>
    tpu.enqueue_indirect_dma source(%dma_start3A_208 : memref<1000000x64xf32, #tpu.memory_space<hbm>>) target(%dma_start3A_202 : memref<72x64xf32, #tpu.memory_space<vmem>>) offsets(%dma_start3A_205 : memref<72xi32, #tpu.memory_space<vmem>>) semaphore(%dma_start3A_210 : memref<!tpu.dma_semaphore, #tpu.memory_space<semaphore_mem>>)
    %dma_wait3A_211 = arith.constant 3 : i32
    %dma_wait3A_212 = arith.constant 3 : i32
    %dma_wait3A_213 = arith.constant 0 : i32
    %dma_wait3A_214 = tpu.memref_slice %arg5[%dma_wait3A_211, %dma_wait3A_213] : memref<4x200xi32, #tpu.memory_space<vmem>> -> memref<1x200xi32, #tpu.memory_space<vmem>>
    %dma_wait3A_215 = tpu.memref_squeeze %dma_wait3A_214 : memref<1x200xi32, #tpu.memory_space<vmem>> -> memref<200xi32, #tpu.memory_space<vmem>>
    %dma_wait3A_216 = arith.constant 0 : i32
    %dma_wait3A_217 = tpu.memref_slice %arg3[%mul3A_2, %dma_wait3A_216] : memref<4096x200xi32, #tpu.memory_space<hbm>> -> memref<1x200xi32, #tpu.memory_space<hbm>>
    %dma_wait3A_218 = tpu.memref_squeeze %dma_wait3A_217 : memref<1x200xi32, #tpu.memory_space<hbm>> -> memref<200xi32, #tpu.memory_space<hbm>>
    %dma_wait3A_219 = tpu.memref_slice %arg7[%dma_wait3A_212] : memref<4x!tpu.dma_semaphore, #tpu.memory_space<semaphore_mem>> -> memref<1x!tpu.dma_semaphore, #tpu.memory_space<semaphore_mem>>
    %dma_wait3A_220 = tpu.memref_squeeze %dma_wait3A_219 : memref<1x!tpu.dma_semaphore, #tpu.memory_space<semaphore_mem>> -> memref<!tpu.dma_semaphore, #tpu.memory_space<semaphore_mem>>
    %dma_wait3A_221 = arith.constant 0 : i32
    %dma_wait3A_222 = tpu.memref_slice %arg5[%dma_wait3A_211, %dma_wait3A_221] : memref<4x200xi32, #tpu.memory_space<vmem>> -> memref<1x200xi32, #tpu.memory_space<vmem>>
    %dma_wait3A_223 = tpu.memref_squeeze %dma_wait3A_222 : memref<1x200xi32, #tpu.memory_space<vmem>> -> memref<200xi32, #tpu.memory_space<vmem>>
    %dma_wait3A_224 = arith.constant 0 : i32
    %dma_wait3A_225 = tpu.memref_slice %arg3[%mul3A_2, %dma_wait3A_224] : memref<4096x200xi32, #tpu.memory_space<hbm>> -> memref<1x200xi32, #tpu.memory_space<hbm>>
    %dma_wait3A_226 = tpu.memref_squeeze %dma_wait3A_225 : memref<1x200xi32, #tpu.memory_space<hbm>> -> memref<200xi32, #tpu.memory_space<hbm>>
    tpu.wait_dma2 semaphore(%dma_wait3A_220 : memref<!tpu.dma_semaphore, #tpu.memory_space<semaphore_mem>>) src(%dma_wait3A_226 : memref<200xi32, #tpu.memory_space<hbm>>) dst(%dma_wait3A_223 : memref<200xi32, #tpu.memory_space<vmem>>)
    %dma_start3A_227 = arith.constant 3 : i32
    %dma_start3A_228 = arith.constant 3 : i32
    %dma_start3A_229 = arith.constant 3 : i32
    %dma_start3A_230 = arith.constant 0 : i32
    %dma_start3A_231 = arith.constant 0 : i32
    %dma_start3A_232 = tpu.memref_slice %arg6[%dma_start3A_228, %dma_start3A_230, %dma_start3A_231] : memref<4x200x64xf32, #tpu.memory_space<vmem>> -> memref<1x128x64xf32, #tpu.memory_space<vmem>>
    %dma_start3A_233 = tpu.memref_squeeze %dma_start3A_232 : memref<1x128x64xf32, #tpu.memory_space<vmem>> -> memref<128x64xf32, #tpu.memory_space<vmem>>
    %dma_start3A_234 = arith.constant 0 : i32
    %dma_start3A_235 = tpu.memref_slice %arg5[%dma_start3A_227, %dma_start3A_234] : memref<4x200xi32, #tpu.memory_space<vmem>> -> memref<1x128xi32, #tpu.memory_space<vmem>>
    %dma_start3A_236 = tpu.memref_squeeze %dma_start3A_235 : memref<1x128xi32, #tpu.memory_space<vmem>> -> memref<128xi32, #tpu.memory_space<vmem>>
    %dma_start3A_237 = arith.constant 0 : i32
    %dma_start3A_238 = arith.constant 0 : i32
    %dma_start3A_239 = tpu.memref_slice %arg2[%dma_start3A_237, %dma_start3A_238] : memref<1000000x64xf32, #tpu.memory_space<hbm>> -> memref<1000000x64xf32, #tpu.memory_space<hbm>>
    %dma_start3A_240 = tpu.memref_slice %arg8[%dma_start3A_229] : memref<4x!tpu.dma_semaphore, #tpu.memory_space<semaphore_mem>> -> memref<1x!tpu.dma_semaphore, #tpu.memory_space<semaphore_mem>>
    %dma_start3A_241 = tpu.memref_squeeze %dma_start3A_240 : memref<1x!tpu.dma_semaphore, #tpu.memory_space<semaphore_mem>> -> memref<!tpu.dma_semaphore, #tpu.memory_space<semaphore_mem>>
    tpu.enqueue_indirect_dma source(%dma_start3A_239 : memref<1000000x64xf32, #tpu.memory_space<hbm>>) target(%dma_start3A_233 : memref<128x64xf32, #tpu.memory_space<vmem>>) offsets(%dma_start3A_236 : memref<128xi32, #tpu.memory_space<vmem>>) semaphore(%dma_start3A_241 : memref<!tpu.dma_semaphore, #tpu.memory_space<semaphore_mem>>)
    %dma_start3A_242 = arith.constant 3 : i32
    %dma_start3A_243 = arith.constant 3 : i32
    %dma_start3A_244 = arith.constant 3 : i32
    %dma_start3A_245 = arith.constant 128 : i32
    %dma_start3A_246 = arith.constant 0 : i32
    %dma_start3A_247 = tpu.memref_slice %arg6[%dma_start3A_243, %dma_start3A_245, %dma_start3A_246] : memref<4x200x64xf32, #tpu.memory_space<vmem>> -> memref<1x72x64xf32, #tpu.memory_space<vmem>>
    %dma_start3A_248 = tpu.memref_squeeze %dma_start3A_247 : memref<1x72x64xf32, #tpu.memory_space<vmem>> -> memref<72x64xf32, #tpu.memory_space<vmem>>
    %dma_start3A_249 = arith.constant 128 : i32
    %dma_start3A_250 = tpu.memref_slice %arg5[%dma_start3A_242, %dma_start3A_249] : memref<4x200xi32, #tpu.memory_space<vmem>> -> memref<1x72xi32, #tpu.memory_space<vmem>>
    %dma_start3A_251 = tpu.memref_squeeze %dma_start3A_250 : memref<1x72xi32, #tpu.memory_space<vmem>> -> memref<72xi32, #tpu.memory_space<vmem>>
    %dma_start3A_252 = arith.constant 0 : i32
    %dma_start3A_253 = arith.constant 0 : i32
    %dma_start3A_254 = tpu.memref_slice %arg2[%dma_start3A_252, %dma_start3A_253] : memref<1000000x64xf32, #tpu.memory_space<hbm>> -> memref<1000000x64xf32, #tpu.memory_space<hbm>>
    %dma_start3A_255 = tpu.memref_slice %arg8[%dma_start3A_244] : memref<4x!tpu.dma_semaphore, #tpu.memory_space<semaphore_mem>> -> memref<1x!tpu.dma_semaphore, #tpu.memory_space<semaphore_mem>>
    %dma_start3A_256 = tpu.memref_squeeze %dma_start3A_255 : memref<1x!tpu.dma_semaphore, #tpu.memory_space<semaphore_mem>> -> memref<!tpu.dma_semaphore, #tpu.memory_space<semaphore_mem>>
    tpu.enqueue_indirect_dma source(%dma_start3A_254 : memref<1000000x64xf32, #tpu.memory_space<hbm>>) target(%dma_start3A_248 : memref<72x64xf32, #tpu.memory_space<vmem>>) offsets(%dma_start3A_251 : memref<72xi32, #tpu.memory_space<vmem>>) semaphore(%dma_start3A_256 : memref<!tpu.dma_semaphore, #tpu.memory_space<semaphore_mem>>)
    %dma_wait3A_257 = arith.constant 0 : i32
    %dma_wait3A_258 = arith.constant 0 : i32
    %dma_wait3A_259 = arith.constant 0 : i32
    %dma_wait3A_260 = arith.constant 0 : i32
    %dma_wait3A_261 = tpu.memref_slice %arg6[%dma_wait3A_257, %dma_wait3A_259, %dma_wait3A_260] : memref<4x200x64xf32, #tpu.memory_space<vmem>> -> memref<1x200x64xf32, #tpu.memory_space<vmem>>
    %dma_wait3A_262 = tpu.memref_squeeze %dma_wait3A_261 : memref<1x200x64xf32, #tpu.memory_space<vmem>> -> memref<200x64xf32, #tpu.memory_space<vmem>>
    %dma_wait3A_263 = arith.constant 0 : i32
    %dma_wait3A_264 = arith.constant 0 : i32
    %dma_wait3A_265 = tpu.memref_slice %arg4[%mul3A_2, %dma_wait3A_263, %dma_wait3A_264] : memref<4096x200x64xf32, #tpu.memory_space<hbm>> -> memref<1x200x64xf32, #tpu.memory_space<hbm>>
    %dma_wait3A_266 = tpu.memref_squeeze %dma_wait3A_265 : memref<1x200x64xf32, #tpu.memory_space<hbm>> -> memref<200x64xf32, #tpu.memory_space<hbm>>
    %dma_wait3A_267 = tpu.memref_slice %arg8[%dma_wait3A_258] : memref<4x!tpu.dma_semaphore, #tpu.memory_space<semaphore_mem>> -> memref<1x!tpu.dma_semaphore, #tpu.memory_space<semaphore_mem>>
    %dma_wait3A_268 = tpu.memref_squeeze %dma_wait3A_267 : memref<1x!tpu.dma_semaphore, #tpu.memory_space<semaphore_mem>> -> memref<!tpu.dma_semaphore, #tpu.memory_space<semaphore_mem>>
    %dma_wait3A_269 = arith.constant 0 : i32
    %dma_wait3A_270 = arith.constant 0 : i32
    %dma_wait3A_271 = tpu.memref_slice %arg6[%dma_wait3A_257, %dma_wait3A_269, %dma_wait3A_270] : memref<4x200x64xf32, #tpu.memory_space<vmem>> -> memref<1x200x64xf32, #tpu.memory_space<vmem>>
    %dma_wait3A_272 = tpu.memref_squeeze %dma_wait3A_271 : memref<1x200x64xf32, #tpu.memory_space<vmem>> -> memref<200x64xf32, #tpu.memory_space<vmem>>
    %dma_wait3A_273 = arith.constant 0 : i32
    %dma_wait3A_274 = arith.constant 0 : i32
    %dma_wait3A_275 = tpu.memref_slice %arg4[%mul3A_2, %dma_wait3A_273, %dma_wait3A_274] : memref<4096x200x64xf32, #tpu.memory_space<hbm>> -> memref<1x200x64xf32, #tpu.memory_space<hbm>>
    %dma_wait3A_276 = tpu.memref_squeeze %dma_wait3A_275 : memref<1x200x64xf32, #tpu.memory_space<hbm>> -> memref<200x64xf32, #tpu.memory_space<hbm>>
    tpu.wait_dma2 semaphore(%dma_wait3A_268 : memref<!tpu.dma_semaphore, #tpu.memory_space<semaphore_mem>>) src(%dma_wait3A_276 : memref<200x64xf32, #tpu.memory_space<hbm>>) dst(%dma_wait3A_272 : memref<200x64xf32, #tpu.memory_space<vmem>>)
    %add3A_277 = arith.constant 0 : i32
    %add3A_278 = arith.addi %mul3A_2, %add3A_277 : i32
    %dma_start3A_279 = arith.constant 0 : i32
    %dma_start3A_280 = arith.constant 0 : i32
    %dma_start3A_281 = arith.constant 0 : i32
    %dma_start3A_282 = arith.constant 0 : i32
    %dma_start3A_283 = tpu.memref_slice %arg6[%dma_start3A_279, %dma_start3A_281, %dma_start3A_282] : memref<4x200x64xf32, #tpu.memory_space<vmem>> -> memref<1x200x64xf32, #tpu.memory_space<vmem>>
    %dma_start3A_284 = tpu.memref_squeeze %dma_start3A_283 : memref<1x200x64xf32, #tpu.memory_space<vmem>> -> memref<200x64xf32, #tpu.memory_space<vmem>>
    %dma_start3A_285 = arith.constant 0 : i32
    %dma_start3A_286 = arith.constant 0 : i32
    %dma_start3A_287 = tpu.memref_slice %arg4[%add3A_278, %dma_start3A_285, %dma_start3A_286] : memref<4096x200x64xf32, #tpu.memory_space<hbm>> -> memref<1x200x64xf32, #tpu.memory_space<hbm>>
    %dma_start3A_288 = tpu.memref_squeeze %dma_start3A_287 : memref<1x200x64xf32, #tpu.memory_space<hbm>> -> memref<200x64xf32, #tpu.memory_space<hbm>>
    %dma_start3A_289 = tpu.memref_slice %arg9[%dma_start3A_280] : memref<4x!tpu.dma_semaphore, #tpu.memory_space<semaphore_mem>> -> memref<1x!tpu.dma_semaphore, #tpu.memory_space<semaphore_mem>>
    %dma_start3A_290 = tpu.memref_squeeze %dma_start3A_289 : memref<1x!tpu.dma_semaphore, #tpu.memory_space<semaphore_mem>> -> memref<!tpu.dma_semaphore, #tpu.memory_space<semaphore_mem>>
    %dma_start3A_291 = arith.constant 0 : i32
    %dma_start3A_292 = arith.constant 0 : i32
    %dma_start3A_293 = tpu.memref_slice %arg4[%add3A_278, %dma_start3A_291, %dma_start3A_292] : memref<4096x200x64xf32, #tpu.memory_space<hbm>> -> memref<1x200x64xf32, #tpu.memory_space<hbm>>
    %dma_start3A_294 = tpu.memref_squeeze %dma_start3A_293 : memref<1x200x64xf32, #tpu.memory_space<hbm>> -> memref<200x64xf32, #tpu.memory_space<hbm>>
    %dma_start3A_295 = arith.constant 0 : i32
    %dma_start3A_296 = arith.constant 0 : i32
    %dma_start3A_297 = tpu.memref_slice %arg6[%dma_start3A_279, %dma_start3A_295, %dma_start3A_296] : memref<4x200x64xf32, #tpu.memory_space<vmem>> -> memref<1x200x64xf32, #tpu.memory_space<vmem>>
    %dma_start3A_298 = tpu.memref_squeeze %dma_start3A_297 : memref<1x200x64xf32, #tpu.memory_space<vmem>> -> memref<200x64xf32, #tpu.memory_space<vmem>>
    tpu.enqueue_dma source(%dma_start3A_298 : memref<200x64xf32, #tpu.memory_space<vmem>>) target(%dma_start3A_294 : memref<200x64xf32, #tpu.memory_space<hbm>>) target_semaphore(%dma_start3A_290 : memref<!tpu.dma_semaphore, #tpu.memory_space<semaphore_mem>>)
    %add3A_299 = arith.constant 4 : i32
    %add3A_300 = arith.addi %mul3A_2, %add3A_299 : i32
    %dma_start3A_301 = arith.constant 0 : i32
    %dma_start3A_302 = arith.constant 0 : i32
    %dma_start3A_303 = arith.constant 0 : i32
    %dma_start3A_304 = tpu.memref_slice %arg5[%dma_start3A_301, %dma_start3A_303] : memref<4x200xi32, #tpu.memory_space<vmem>> -> memref<1x200xi32, #tpu.memory_space<vmem>>
    %dma_start3A_305 = tpu.memref_squeeze %dma_start3A_304 : memref<1x200xi32, #tpu.memory_space<vmem>> -> memref<200xi32, #tpu.memory_space<vmem>>
    %dma_start3A_306 = arith.constant 0 : i32
    %dma_start3A_307 = tpu.memref_slice %arg3[%add3A_300, %dma_start3A_306] : memref<4096x200xi32, #tpu.memory_space<hbm>> -> memref<1x200xi32, #tpu.memory_space<hbm>>
    %dma_start3A_308 = tpu.memref_squeeze %dma_start3A_307 : memref<1x200xi32, #tpu.memory_space<hbm>> -> memref<200xi32, #tpu.memory_space<hbm>>
    %dma_start3A_309 = tpu.memref_slice %arg7[%dma_start3A_302] : memref<4x!tpu.dma_semaphore, #tpu.memory_space<semaphore_mem>> -> memref<1x!tpu.dma_semaphore, #tpu.memory_space<semaphore_mem>>
    %dma_start3A_310 = tpu.memref_squeeze %dma_start3A_309 : memref<1x!tpu.dma_semaphore, #tpu.memory_space<semaphore_mem>> -> memref<!tpu.dma_semaphore, #tpu.memory_space<semaphore_mem>>
    %dma_start3A_311 = arith.constant 0 : i32
    %dma_start3A_312 = tpu.memref_slice %arg5[%dma_start3A_301, %dma_start3A_311] : memref<4x200xi32, #tpu.memory_space<vmem>> -> memref<1x200xi32, #tpu.memory_space<vmem>>
    %dma_start3A_313 = tpu.memref_squeeze %dma_start3A_312 : memref<1x200xi32, #tpu.memory_space<vmem>> -> memref<200xi32, #tpu.memory_space<vmem>>
    %dma_start3A_314 = arith.constant 0 : i32
    %dma_start3A_315 = tpu.memref_slice %arg3[%add3A_300, %dma_start3A_314] : memref<4096x200xi32, #tpu.memory_space<hbm>> -> memref<1x200xi32, #tpu.memory_space<hbm>>
    %dma_start3A_316 = tpu.memref_squeeze %dma_start3A_315 : memref<1x200xi32, #tpu.memory_space<hbm>> -> memref<200xi32, #tpu.memory_space<hbm>>
    tpu.enqueue_dma source(%dma_start3A_316 : memref<200xi32, #tpu.memory_space<hbm>>) target(%dma_start3A_313 : memref<200xi32, #tpu.memory_space<vmem>>) target_semaphore(%dma_start3A_310 : memref<!tpu.dma_semaphore, #tpu.memory_space<semaphore_mem>>)
    %dma_wait3A_317 = arith.constant 1 : i32
    %dma_wait3A_318 = arith.constant 1 : i32
    %dma_wait3A_319 = arith.constant 0 : i32
    %dma_wait3A_320 = arith.constant 0 : i32
    %dma_wait3A_321 = tpu.memref_slice %arg6[%dma_wait3A_317, %dma_wait3A_319, %dma_wait3A_320] : memref<4x200x64xf32, #tpu.memory_space<vmem>> -> memref<1x200x64xf32, #tpu.memory_space<vmem>>
    %dma_wait3A_322 = tpu.memref_squeeze %dma_wait3A_321 : memref<1x200x64xf32, #tpu.memory_space<vmem>> -> memref<200x64xf32, #tpu.memory_space<vmem>>
    %dma_wait3A_323 = arith.constant 0 : i32
    %dma_wait3A_324 = arith.constant 0 : i32
    %dma_wait3A_325 = tpu.memref_slice %arg4[%mul3A_2, %dma_wait3A_323, %dma_wait3A_324] : memref<4096x200x64xf32, #tpu.memory_space<hbm>> -> memref<1x200x64xf32, #tpu.memory_space<hbm>>
    %dma_wait3A_326 = tpu.memref_squeeze %dma_wait3A_325 : memref<1x200x64xf32, #tpu.memory_space<hbm>> -> memref<200x64xf32, #tpu.memory_space<hbm>>
    %dma_wait3A_327 = tpu.memref_slice %arg8[%dma_wait3A_318] : memref<4x!tpu.dma_semaphore, #tpu.memory_space<semaphore_mem>> -> memref<1x!tpu.dma_semaphore, #tpu.memory_space<semaphore_mem>>
    %dma_wait3A_328 = tpu.memref_squeeze %dma_wait3A_327 : memref<1x!tpu.dma_semaphore, #tpu.memory_space<semaphore_mem>> -> memref<!tpu.dma_semaphore, #tpu.memory_space<semaphore_mem>>
    %dma_wait3A_329 = arith.constant 0 : i32
    %dma_wait3A_330 = arith.constant 0 : i32
    %dma_wait3A_331 = tpu.memref_slice %arg6[%dma_wait3A_317, %dma_wait3A_329, %dma_wait3A_330] : memref<4x200x64xf32, #tpu.memory_space<vmem>> -> memref<1x200x64xf32, #tpu.memory_space<vmem>>
    %dma_wait3A_332 = tpu.memref_squeeze %dma_wait3A_331 : memref<1x200x64xf32, #tpu.memory_space<vmem>> -> memref<200x64xf32, #tpu.memory_space<vmem>>
    %dma_wait3A_333 = arith.constant 0 : i32
    %dma_wait3A_334 = arith.constant 0 : i32
    %dma_wait3A_335 = tpu.memref_slice %arg4[%mul3A_2, %dma_wait3A_333, %dma_wait3A_334] : memref<4096x200x64xf32, #tpu.memory_space<hbm>> -> memref<1x200x64xf32, #tpu.memory_space<hbm>>
    %dma_wait3A_336 = tpu.memref_squeeze %dma_wait3A_335 : memref<1x200x64xf32, #tpu.memory_space<hbm>> -> memref<200x64xf32, #tpu.memory_space<hbm>>
    tpu.wait_dma2 semaphore(%dma_wait3A_328 : memref<!tpu.dma_semaphore, #tpu.memory_space<semaphore_mem>>) src(%dma_wait3A_336 : memref<200x64xf32, #tpu.memory_space<hbm>>) dst(%dma_wait3A_332 : memref<200x64xf32, #tpu.memory_space<vmem>>)
    %add3A_337 = arith.constant 1 : i32
    %add3A_338 = arith.addi %mul3A_2, %add3A_337 : i32
    %dma_start3A_339 = arith.constant 1 : i32
    %dma_start3A_340 = arith.constant 1 : i32
    %dma_start3A_341 = arith.constant 0 : i32
    %dma_start3A_342 = arith.constant 0 : i32
    %dma_start3A_343 = tpu.memref_slice %arg6[%dma_start3A_339, %dma_start3A_341, %dma_start3A_342] : memref<4x200x64xf32, #tpu.memory_space<vmem>> -> memref<1x200x64xf32, #tpu.memory_space<vmem>>
    %dma_start3A_344 = tpu.memref_squeeze %dma_start3A_343 : memref<1x200x64xf32, #tpu.memory_space<vmem>> -> memref<200x64xf32, #tpu.memory_space<vmem>>
    %dma_start3A_345 = arith.constant 0 : i32
    %dma_start3A_346 = arith.constant 0 : i32
    %dma_start3A_347 = tpu.memref_slice %arg4[%add3A_338, %dma_start3A_345, %dma_start3A_346] : memref<4096x200x64xf32, #tpu.memory_space<hbm>> -> memref<1x200x64xf32, #tpu.memory_space<hbm>>
    %dma_start3A_348 = tpu.memref_squeeze %dma_start3A_347 : memref<1x200x64xf32, #tpu.memory_space<hbm>> -> memref<200x64xf32, #tpu.memory_space<hbm>>
    %dma_start3A_349 = tpu.memref_slice %arg9[%dma_start3A_340] : memref<4x!tpu.dma_semaphore, #tpu.memory_space<semaphore_mem>> -> memref<1x!tpu.dma_semaphore, #tpu.memory_space<semaphore_mem>>
    %dma_start3A_350 = tpu.memref_squeeze %dma_start3A_349 : memref<1x!tpu.dma_semaphore, #tpu.memory_space<semaphore_mem>> -> memref<!tpu.dma_semaphore, #tpu.memory_space<semaphore_mem>>
    %dma_start3A_351 = arith.constant 0 : i32
    %dma_start3A_352 = arith.constant 0 : i32
    %dma_start3A_353 = tpu.memref_slice %arg4[%add3A_338, %dma_start3A_351, %dma_start3A_352] : memref<4096x200x64xf32, #tpu.memory_space<hbm>> -> memref<1x200x64xf32, #tpu.memory_space<hbm>>
    %dma_start3A_354 = tpu.memref_squeeze %dma_start3A_353 : memref<1x200x64xf32, #tpu.memory_space<hbm>> -> memref<200x64xf32, #tpu.memory_space<hbm>>
    %dma_start3A_355 = arith.constant 0 : i32
    %dma_start3A_356 = arith.constant 0 : i32
    %dma_start3A_357 = tpu.memref_slice %arg6[%dma_start3A_339, %dma_start3A_355, %dma_start3A_356] : memref<4x200x64xf32, #tpu.memory_space<vmem>> -> memref<1x200x64xf32, #tpu.memory_space<vmem>>
    %dma_start3A_358 = tpu.memref_squeeze %dma_start3A_357 : memref<1x200x64xf32, #tpu.memory_space<vmem>> -> memref<200x64xf32, #tpu.memory_space<vmem>>
    tpu.enqueue_dma source(%dma_start3A_358 : memref<200x64xf32, #tpu.memory_space<vmem>>) target(%dma_start3A_354 : memref<200x64xf32, #tpu.memory_space<hbm>>) target_semaphore(%dma_start3A_350 : memref<!tpu.dma_semaphore, #tpu.memory_space<semaphore_mem>>)
    %add3A_359 = arith.constant 5 : i32
    %add3A_360 = arith.addi %mul3A_2, %add3A_359 : i32
    %dma_start3A_361 = arith.constant 1 : i32
    %dma_start3A_362 = arith.constant 1 : i32
    %dma_start3A_363 = arith.constant 0 : i32
    %dma_start3A_364 = tpu.memref_slice %arg5[%dma_start3A_361, %dma_start3A_363] : memref<4x200xi32, #tpu.memory_space<vmem>> -> memref<1x200xi32, #tpu.memory_space<vmem>>
    %dma_start3A_365 = tpu.memref_squeeze %dma_start3A_364 : memref<1x200xi32, #tpu.memory_space<vmem>> -> memref<200xi32, #tpu.memory_space<vmem>>
    %dma_start3A_366 = arith.constant 0 : i32
    %dma_start3A_367 = tpu.memref_slice %arg3[%add3A_360, %dma_start3A_366] : memref<4096x200xi32, #tpu.memory_space<hbm>> -> memref<1x200xi32, #tpu.memory_space<hbm>>
    %dma_start3A_368 = tpu.memref_squeeze %dma_start3A_367 : memref<1x200xi32, #tpu.memory_space<hbm>> -> memref<200xi32, #tpu.memory_space<hbm>>
    %dma_start3A_369 = tpu.memref_slice %arg7[%dma_start3A_362] : memref<4x!tpu.dma_semaphore, #tpu.memory_space<semaphore_mem>> -> memref<1x!tpu.dma_semaphore, #tpu.memory_space<semaphore_mem>>
    %dma_start3A_370 = tpu.memref_squeeze %dma_start3A_369 : memref<1x!tpu.dma_semaphore, #tpu.memory_space<semaphore_mem>> -> memref<!tpu.dma_semaphore, #tpu.memory_space<semaphore_mem>>
    %dma_start3A_371 = arith.constant 0 : i32
    %dma_start3A_372 = tpu.memref_slice %arg5[%dma_start3A_361, %dma_start3A_371] : memref<4x200xi32, #tpu.memory_space<vmem>> -> memref<1x200xi32, #tpu.memory_space<vmem>>
    %dma_start3A_373 = tpu.memref_squeeze %dma_start3A_372 : memref<1x200xi32, #tpu.memory_space<vmem>> -> memref<200xi32, #tpu.memory_space<vmem>>
    %dma_start3A_374 = arith.constant 0 : i32
    %dma_start3A_375 = tpu.memref_slice %arg3[%add3A_360, %dma_start3A_374] : memref<4096x200xi32, #tpu.memory_space<hbm>> -> memref<1x200xi32, #tpu.memory_space<hbm>>
    %dma_start3A_376 = tpu.memref_squeeze %dma_start3A_375 : memref<1x200xi32, #tpu.memory_space<hbm>> -> memref<200xi32, #tpu.memory_space<hbm>>
    tpu.enqueue_dma source(%dma_start3A_376 : memref<200xi32, #tpu.memory_space<hbm>>) target(%dma_start3A_373 : memref<200xi32, #tpu.memory_space<vmem>>) target_semaphore(%dma_start3A_370 : memref<!tpu.dma_semaphore, #tpu.memory_space<semaphore_mem>>)
    %dma_wait3A_377 = arith.constant 2 : i32
    %dma_wait3A_378 = arith.constant 2 : i32
    %dma_wait3A_379 = arith.constant 0 : i32
    %dma_wait3A_380 = arith.constant 0 : i32
    %dma_wait3A_381 = tpu.memref_slice %arg6[%dma_wait3A_377, %dma_wait3A_379, %dma_wait3A_380] : memref<4x200x64xf32, #tpu.memory_space<vmem>> -> memref<1x200x64xf32, #tpu.memory_space<vmem>>
    %dma_wait3A_382 = tpu.memref_squeeze %dma_wait3A_381 : memref<1x200x64xf32, #tpu.memory_space<vmem>> -> memref<200x64xf32, #tpu.memory_space<vmem>>
    %dma_wait3A_383 = arith.constant 0 : i32
    %dma_wait3A_384 = arith.constant 0 : i32
    %dma_wait3A_385 = tpu.memref_slice %arg4[%mul3A_2, %dma_wait3A_383, %dma_wait3A_384] : memref<4096x200x64xf32, #tpu.memory_space<hbm>> -> memref<1x200x64xf32, #tpu.memory_space<hbm>>
    %dma_wait3A_386 = tpu.memref_squeeze %dma_wait3A_385 : memref<1x200x64xf32, #tpu.memory_space<hbm>> -> memref<200x64xf32, #tpu.memory_space<hbm>>
    %dma_wait3A_387 = tpu.memref_slice %arg8[%dma_wait3A_378] : memref<4x!tpu.dma_semaphore, #tpu.memory_space<semaphore_mem>> -> memref<1x!tpu.dma_semaphore, #tpu.memory_space<semaphore_mem>>
    %dma_wait3A_388 = tpu.memref_squeeze %dma_wait3A_387 : memref<1x!tpu.dma_semaphore, #tpu.memory_space<semaphore_mem>> -> memref<!tpu.dma_semaphore, #tpu.memory_space<semaphore_mem>>
    %dma_wait3A_389 = arith.constant 0 : i32
    %dma_wait3A_390 = arith.constant 0 : i32
    %dma_wait3A_391 = tpu.memref_slice %arg6[%dma_wait3A_377, %dma_wait3A_389, %dma_wait3A_390] : memref<4x200x64xf32, #tpu.memory_space<vmem>> -> memref<1x200x64xf32, #tpu.memory_space<vmem>>
    %dma_wait3A_392 = tpu.memref_squeeze %dma_wait3A_391 : memref<1x200x64xf32, #tpu.memory_space<vmem>> -> memref<200x64xf32, #tpu.memory_space<vmem>>
    %dma_wait3A_393 = arith.constant 0 : i32
    %dma_wait3A_394 = arith.constant 0 : i32
    %dma_wait3A_395 = tpu.memref_slice %arg4[%mul3A_2, %dma_wait3A_393, %dma_wait3A_394] : memref<4096x200x64xf32, #tpu.memory_space<hbm>> -> memref<1x200x64xf32, #tpu.memory_space<hbm>>
    %dma_wait3A_396 = tpu.memref_squeeze %dma_wait3A_395 : memref<1x200x64xf32, #tpu.memory_space<hbm>> -> memref<200x64xf32, #tpu.memory_space<hbm>>
    tpu.wait_dma2 semaphore(%dma_wait3A_388 : memref<!tpu.dma_semaphore, #tpu.memory_space<semaphore_mem>>) src(%dma_wait3A_396 : memref<200x64xf32, #tpu.memory_space<hbm>>) dst(%dma_wait3A_392 : memref<200x64xf32, #tpu.memory_space<vmem>>)
    %add3A_397 = arith.constant 2 : i32
    %add3A_398 = arith.addi %mul3A_2, %add3A_397 : i32
    %dma_start3A_399 = arith.constant 2 : i32
    %dma_start3A_400 = arith.constant 2 : i32
    %dma_start3A_401 = arith.constant 0 : i32
    %dma_start3A_402 = arith.constant 0 : i32
    %dma_start3A_403 = tpu.memref_slice %arg6[%dma_start3A_399, %dma_start3A_401, %dma_start3A_402] : memref<4x200x64xf32, #tpu.memory_space<vmem>> -> memref<1x200x64xf32, #tpu.memory_space<vmem>>
    %dma_start3A_404 = tpu.memref_squeeze %dma_start3A_403 : memref<1x200x64xf32, #tpu.memory_space<vmem>> -> memref<200x64xf32, #tpu.memory_space<vmem>>
    %dma_start3A_405 = arith.constant 0 : i32
    %dma_start3A_406 = arith.constant 0 : i32
    %dma_start3A_407 = tpu.memref_slice %arg4[%add3A_398, %dma_start3A_405, %dma_start3A_406] : memref<4096x200x64xf32, #tpu.memory_space<hbm>> -> memref<1x200x64xf32, #tpu.memory_space<hbm>>
    %dma_start3A_408 = tpu.memref_squeeze %dma_start3A_407 : memref<1x200x64xf32, #tpu.memory_space<hbm>> -> memref<200x64xf32, #tpu.memory_space<hbm>>
    %dma_start3A_409 = tpu.memref_slice %arg9[%dma_start3A_400] : memref<4x!tpu.dma_semaphore, #tpu.memory_space<semaphore_mem>> -> memref<1x!tpu.dma_semaphore, #tpu.memory_space<semaphore_mem>>
    %dma_start3A_410 = tpu.memref_squeeze %dma_start3A_409 : memref<1x!tpu.dma_semaphore, #tpu.memory_space<semaphore_mem>> -> memref<!tpu.dma_semaphore, #tpu.memory_space<semaphore_mem>>
    %dma_start3A_411 = arith.constant 0 : i32
    %dma_start3A_412 = arith.constant 0 : i32
    %dma_start3A_413 = tpu.memref_slice %arg4[%add3A_398, %dma_start3A_411, %dma_start3A_412] : memref<4096x200x64xf32, #tpu.memory_space<hbm>> -> memref<1x200x64xf32, #tpu.memory_space<hbm>>
    %dma_start3A_414 = tpu.memref_squeeze %dma_start3A_413 : memref<1x200x64xf32, #tpu.memory_space<hbm>> -> memref<200x64xf32, #tpu.memory_space<hbm>>
    %dma_start3A_415 = arith.constant 0 : i32
    %dma_start3A_416 = arith.constant 0 : i32
    %dma_start3A_417 = tpu.memref_slice %arg6[%dma_start3A_399, %dma_start3A_415, %dma_start3A_416] : memref<4x200x64xf32, #tpu.memory_space<vmem>> -> memref<1x200x64xf32, #tpu.memory_space<vmem>>
    %dma_start3A_418 = tpu.memref_squeeze %dma_start3A_417 : memref<1x200x64xf32, #tpu.memory_space<vmem>> -> memref<200x64xf32, #tpu.memory_space<vmem>>
    tpu.enqueue_dma source(%dma_start3A_418 : memref<200x64xf32, #tpu.memory_space<vmem>>) target(%dma_start3A_414 : memref<200x64xf32, #tpu.memory_space<hbm>>) target_semaphore(%dma_start3A_410 : memref<!tpu.dma_semaphore, #tpu.memory_space<semaphore_mem>>)
    %add3A_419 = arith.constant 6 : i32
    %add3A_420 = arith.addi %mul3A_2, %add3A_419 : i32
    %dma_start3A_421 = arith.constant 2 : i32
    %dma_start3A_422 = arith.constant 2 : i32
    %dma_start3A_423 = arith.constant 0 : i32
    %dma_start3A_424 = tpu.memref_slice %arg5[%dma_start3A_421, %dma_start3A_423] : memref<4x200xi32, #tpu.memory_space<vmem>> -> memref<1x200xi32, #tpu.memory_space<vmem>>
    %dma_start3A_425 = tpu.memref_squeeze %dma_start3A_424 : memref<1x200xi32, #tpu.memory_space<vmem>> -> memref<200xi32, #tpu.memory_space<vmem>>
    %dma_start3A_426 = arith.constant 0 : i32
    %dma_start3A_427 = tpu.memref_slice %arg3[%add3A_420, %dma_start3A_426] : memref<4096x200xi32, #tpu.memory_space<hbm>> -> memref<1x200xi32, #tpu.memory_space<hbm>>
    %dma_start3A_428 = tpu.memref_squeeze %dma_start3A_427 : memref<1x200xi32, #tpu.memory_space<hbm>> -> memref<200xi32, #tpu.memory_space<hbm>>
    %dma_start3A_429 = tpu.memref_slice %arg7[%dma_start3A_422] : memref<4x!tpu.dma_semaphore, #tpu.memory_space<semaphore_mem>> -> memref<1x!tpu.dma_semaphore, #tpu.memory_space<semaphore_mem>>
    %dma_start3A_430 = tpu.memref_squeeze %dma_start3A_429 : memref<1x!tpu.dma_semaphore, #tpu.memory_space<semaphore_mem>> -> memref<!tpu.dma_semaphore, #tpu.memory_space<semaphore_mem>>
    %dma_start3A_431 = arith.constant 0 : i32
    %dma_start3A_432 = tpu.memref_slice %arg5[%dma_start3A_421, %dma_start3A_431] : memref<4x200xi32, #tpu.memory_space<vmem>> -> memref<1x200xi32, #tpu.memory_space<vmem>>
    %dma_start3A_433 = tpu.memref_squeeze %dma_start3A_432 : memref<1x200xi32, #tpu.memory_space<vmem>> -> memref<200xi32, #tpu.memory_space<vmem>>
    %dma_start3A_434 = arith.constant 0 : i32
    %dma_start3A_435 = tpu.memref_slice %arg3[%add3A_420, %dma_start3A_434] : memref<4096x200xi32, #tpu.memory_space<hbm>> -> memref<1x200xi32, #tpu.memory_space<hbm>>
    %dma_start3A_436 = tpu.memref_squeeze %dma_start3A_435 : memref<1x200xi32, #tpu.memory_space<hbm>> -> memref<200xi32, #tpu.memory_space<hbm>>
    tpu.enqueue_dma source(%dma_start3A_436 : memref<200xi32, #tpu.memory_space<hbm>>) target(%dma_start3A_433 : memref<200xi32, #tpu.memory_space<vmem>>) target_semaphore(%dma_start3A_430 : memref<!tpu.dma_semaphore, #tpu.memory_space<semaphore_mem>>)
    %dma_wait3A_437 = arith.constant 3 : i32
    %dma_wait3A_438 = arith.constant 3 : i32
    %dma_wait3A_439 = arith.constant 0 : i32
    %dma_wait3A_440 = arith.constant 0 : i32
    %dma_wait3A_441 = tpu.memref_slice %arg6[%dma_wait3A_437, %dma_wait3A_439, %dma_wait3A_440] : memref<4x200x64xf32, #tpu.memory_space<vmem>> -> memref<1x200x64xf32, #tpu.memory_space<vmem>>
    %dma_wait3A_442 = tpu.memref_squeeze %dma_wait3A_441 : memref<1x200x64xf32, #tpu.memory_space<vmem>> -> memref<200x64xf32, #tpu.memory_space<vmem>>
    %dma_wait3A_443 = arith.constant 0 : i32
    %dma_wait3A_444 = arith.constant 0 : i32
    %dma_wait3A_445 = tpu.memref_slice %arg4[%mul3A_2, %dma_wait3A_443, %dma_wait3A_444] : memref<4096x200x64xf32, #tpu.memory_space<hbm>> -> memref<1x200x64xf32, #tpu.memory_space<hbm>>
    %dma_wait3A_446 = tpu.memref_squeeze %dma_wait3A_445 : memref<1x200x64xf32, #tpu.memory_space<hbm>> -> memref<200x64xf32, #tpu.memory_space<hbm>>
    %dma_wait3A_447 = tpu.memref_slice %arg8[%dma_wait3A_438] : memref<4x!tpu.dma_semaphore, #tpu.memory_space<semaphore_mem>> -> memref<1x!tpu.dma_semaphore, #tpu.memory_space<semaphore_mem>>
    %dma_wait3A_448 = tpu.memref_squeeze %dma_wait3A_447 : memref<1x!tpu.dma_semaphore, #tpu.memory_space<semaphore_mem>> -> memref<!tpu.dma_semaphore, #tpu.memory_space<semaphore_mem>>
    %dma_wait3A_449 = arith.constant 0 : i32
    %dma_wait3A_450 = arith.constant 0 : i32
    %dma_wait3A_451 = tpu.memref_slice %arg6[%dma_wait3A_437, %dma_wait3A_449, %dma_wait3A_450] : memref<4x200x64xf32, #tpu.memory_space<vmem>> -> memref<1x200x64xf32, #tpu.memory_space<vmem>>
    %dma_wait3A_452 = tpu.memref_squeeze %dma_wait3A_451 : memref<1x200x64xf32, #tpu.memory_space<vmem>> -> memref<200x64xf32, #tpu.memory_space<vmem>>
    %dma_wait3A_453 = arith.constant 0 : i32
    %dma_wait3A_454 = arith.constant 0 : i32
    %dma_wait3A_455 = tpu.memref_slice %arg4[%mul3A_2, %dma_wait3A_453, %dma_wait3A_454] : memref<4096x200x64xf32, #tpu.memory_space<hbm>> -> memref<1x200x64xf32, #tpu.memory_space<hbm>>
    %dma_wait3A_456 = tpu.memref_squeeze %dma_wait3A_455 : memref<1x200x64xf32, #tpu.memory_space<hbm>> -> memref<200x64xf32, #tpu.memory_space<hbm>>
    tpu.wait_dma2 semaphore(%dma_wait3A_448 : memref<!tpu.dma_semaphore, #tpu.memory_space<semaphore_mem>>) src(%dma_wait3A_456 : memref<200x64xf32, #tpu.memory_space<hbm>>) dst(%dma_wait3A_452 : memref<200x64xf32, #tpu.memory_space<vmem>>)
    %add3A_457 = arith.constant 3 : i32
    %add3A_458 = arith.addi %mul3A_2, %add3A_457 : i32
    %dma_start3A_459 = arith.constant 3 : i32
    %dma_start3A_460 = arith.constant 3 : i32
    %dma_start3A_461 = arith.constant 0 : i32
    %dma_start3A_462 = arith.constant 0 : i32
    %dma_start3A_463 = tpu.memref_slice %arg6[%dma_start3A_459, %dma_start3A_461, %dma_start3A_462] : memref<4x200x64xf32, #tpu.memory_space<vmem>> -> memref<1x200x64xf32, #tpu.memory_space<vmem>>
    %dma_start3A_464 = tpu.memref_squeeze %dma_start3A_463 : memref<1x200x64xf32, #tpu.memory_space<vmem>> -> memref<200x64xf32, #tpu.memory_space<vmem>>
    %dma_start3A_465 = arith.constant 0 : i32
    %dma_start3A_466 = arith.constant 0 : i32
    %dma_start3A_467 = tpu.memref_slice %arg4[%add3A_458, %dma_start3A_465, %dma_start3A_466] : memref<4096x200x64xf32, #tpu.memory_space<hbm>> -> memref<1x200x64xf32, #tpu.memory_space<hbm>>
    %dma_start3A_468 = tpu.memref_squeeze %dma_start3A_467 : memref<1x200x64xf32, #tpu.memory_space<hbm>> -> memref<200x64xf32, #tpu.memory_space<hbm>>
    %dma_start3A_469 = tpu.memref_slice %arg9[%dma_start3A_460] : memref<4x!tpu.dma_semaphore, #tpu.memory_space<semaphore_mem>> -> memref<1x!tpu.dma_semaphore, #tpu.memory_space<semaphore_mem>>
    %dma_start3A_470 = tpu.memref_squeeze %dma_start3A_469 : memref<1x!tpu.dma_semaphore, #tpu.memory_space<semaphore_mem>> -> memref<!tpu.dma_semaphore, #tpu.memory_space<semaphore_mem>>
    %dma_start3A_471 = arith.constant 0 : i32
    %dma_start3A_472 = arith.constant 0 : i32
    %dma_start3A_473 = tpu.memref_slice %arg4[%add3A_458, %dma_start3A_471, %dma_start3A_472] : memref<4096x200x64xf32, #tpu.memory_space<hbm>> -> memref<1x200x64xf32, #tpu.memory_space<hbm>>
    %dma_start3A_474 = tpu.memref_squeeze %dma_start3A_473 : memref<1x200x64xf32, #tpu.memory_space<hbm>> -> memref<200x64xf32, #tpu.memory_space<hbm>>
    %dma_start3A_475 = arith.constant 0 : i32
    %dma_start3A_476 = arith.constant 0 : i32
    %dma_start3A_477 = tpu.memref_slice %arg6[%dma_start3A_459, %dma_start3A_475, %dma_start3A_476] : memref<4x200x64xf32, #tpu.memory_space<vmem>> -> memref<1x200x64xf32, #tpu.memory_space<vmem>>
    %dma_start3A_478 = tpu.memref_squeeze %dma_start3A_477 : memref<1x200x64xf32, #tpu.memory_space<vmem>> -> memref<200x64xf32, #tpu.memory_space<vmem>>
    tpu.enqueue_dma source(%dma_start3A_478 : memref<200x64xf32, #tpu.memory_space<vmem>>) target(%dma_start3A_474 : memref<200x64xf32, #tpu.memory_space<hbm>>) target_semaphore(%dma_start3A_470 : memref<!tpu.dma_semaphore, #tpu.memory_space<semaphore_mem>>)
    %add3A_479 = arith.constant 7 : i32
    %add3A_480 = arith.addi %mul3A_2, %add3A_479 : i32
    %dma_start3A_481 = arith.constant 3 : i32
    %dma_start3A_482 = arith.constant 3 : i32
    %dma_start3A_483 = arith.constant 0 : i32
    %dma_start3A_484 = tpu.memref_slice %arg5[%dma_start3A_481, %dma_start3A_483] : memref<4x200xi32, #tpu.memory_space<vmem>> -> memref<1x200xi32, #tpu.memory_space<vmem>>
    %dma_start3A_485 = tpu.memref_squeeze %dma_start3A_484 : memref<1x200xi32, #tpu.memory_space<vmem>> -> memref<200xi32, #tpu.memory_space<vmem>>
    %dma_start3A_486 = arith.constant 0 : i32
    %dma_start3A_487 = tpu.memref_slice %arg3[%add3A_480, %dma_start3A_486] : memref<4096x200xi32, #tpu.memory_space<hbm>> -> memref<1x200xi32, #tpu.memory_space<hbm>>
    %dma_start3A_488 = tpu.memref_squeeze %dma_start3A_487 : memref<1x200xi32, #tpu.memory_space<hbm>> -> memref<200xi32, #tpu.memory_space<hbm>>
    %dma_start3A_489 = tpu.memref_slice %arg7[%dma_start3A_482] : memref<4x!tpu.dma_semaphore, #tpu.memory_space<semaphore_mem>> -> memref<1x!tpu.dma_semaphore, #tpu.memory_space<semaphore_mem>>
    %dma_start3A_490 = tpu.memref_squeeze %dma_start3A_489 : memref<1x!tpu.dma_semaphore, #tpu.memory_space<semaphore_mem>> -> memref<!tpu.dma_semaphore, #tpu.memory_space<semaphore_mem>>
    %dma_start3A_491 = arith.constant 0 : i32
    %dma_start3A_492 = tpu.memref_slice %arg5[%dma_start3A_481, %dma_start3A_491] : memref<4x200xi32, #tpu.memory_space<vmem>> -> memref<1x200xi32, #tpu.memory_space<vmem>>
    %dma_start3A_493 = tpu.memref_squeeze %dma_start3A_492 : memref<1x200xi32, #tpu.memory_space<vmem>> -> memref<200xi32, #tpu.memory_space<vmem>>
    %dma_start3A_494 = arith.constant 0 : i32
    %dma_start3A_495 = tpu.memref_slice %arg3[%add3A_480, %dma_start3A_494] : memref<4096x200xi32, #tpu.memory_space<hbm>> -> memref<1x200xi32, #tpu.memory_space<hbm>>
    %dma_start3A_496 = tpu.memref_squeeze %dma_start3A_495 : memref<1x200xi32, #tpu.memory_space<hbm>> -> memref<200xi32, #tpu.memory_space<hbm>>
    tpu.enqueue_dma source(%dma_start3A_496 : memref<200xi32, #tpu.memory_space<hbm>>) target(%dma_start3A_493 : memref<200xi32, #tpu.memory_space<vmem>>) target_semaphore(%dma_start3A_490 : memref<!tpu.dma_semaphore, #tpu.memory_space<semaphore_mem>>)
    %scan3A = arith.constant 0 : i32
    %scan3A_497 = arith.constant 1 : i32
    %scan3A_498 = arith.constant 30 : i32
    %scan3A_499 = arith.addi %scan3A_497, %scan3A_498 : i32
    %scan3A_500 = arith.constant 1 : i32
    scf.for %scan3A_1014 = %scan3A_497 to %scan3A_499 step %scan3A_500  : i32 {
      %mul3A_1015 = arith.constant 4 : i32
      %mul3A_1016 = arith.muli %scan3A_1014, %mul3A_1015 : i32
      %dma_wait3A_1017 = arith.constant 0 : i32
      %dma_wait3A_1018 = arith.constant 0 : i32
      %dma_wait3A_1019 = arith.constant 0 : i32
      %dma_wait3A_1020 = tpu.memref_slice %arg5[%dma_wait3A_1017, %dma_wait3A_1019] : memref<4x200xi32, #tpu.memory_space<vmem>> -> memref<1x200xi32, #tpu.memory_space<vmem>>
      %dma_wait3A_1021 = tpu.memref_squeeze %dma_wait3A_1020 : memref<1x200xi32, #tpu.memory_space<vmem>> -> memref<200xi32, #tpu.memory_space<vmem>>
      %dma_wait3A_1022 = arith.constant 0 : i32
      %dma_wait3A_1023 = tpu.memref_slice %arg3[%mul3A_2, %dma_wait3A_1022] : memref<4096x200xi32, #tpu.memory_space<hbm>> -> memref<1x200xi32, #tpu.memory_space<hbm>>
      %dma_wait3A_1024 = tpu.memref_squeeze %dma_wait3A_1023 : memref<1x200xi32, #tpu.memory_space<hbm>> -> memref<200xi32, #tpu.memory_space<hbm>>
      %dma_wait3A_1025 = tpu.memref_slice %arg7[%dma_wait3A_1018] : memref<4x!tpu.dma_semaphore, #tpu.memory_space<semaphore_mem>> -> memref<1x!tpu.dma_semaphore, #tpu.memory_space<semaphore_mem>>
      %dma_wait3A_1026 = tpu.memref_squeeze %dma_wait3A_1025 : memref<1x!tpu.dma_semaphore, #tpu.memory_space<semaphore_mem>> -> memref<!tpu.dma_semaphore, #tpu.memory_space<semaphore_mem>>
      %dma_wait3A_1027 = arith.constant 0 : i32
      %dma_wait3A_1028 = tpu.memref_slice %arg5[%dma_wait3A_1017, %dma_wait3A_1027] : memref<4x200xi32, #tpu.memory_space<vmem>> -> memref<1x200xi32, #tpu.memory_space<vmem>>
      %dma_wait3A_1029 = tpu.memref_squeeze %dma_wait3A_1028 : memref<1x200xi32, #tpu.memory_space<vmem>> -> memref<200xi32, #tpu.memory_space<vmem>>
      %dma_wait3A_1030 = arith.constant 0 : i32
      %dma_wait3A_1031 = tpu.memref_slice %arg3[%mul3A_2, %dma_wait3A_1030] : memref<4096x200xi32, #tpu.memory_space<hbm>> -> memref<1x200xi32, #tpu.memory_space<hbm>>
      %dma_wait3A_1032 = tpu.memref_squeeze %dma_wait3A_1031 : memref<1x200xi32, #tpu.memory_space<hbm>> -> memref<200xi32, #tpu.memory_space<hbm>>
      tpu.wait_dma2 semaphore(%dma_wait3A_1026 : memref<!tpu.dma_semaphore, #tpu.memory_space<semaphore_mem>>) src(%dma_wait3A_1032 : memref<200xi32, #tpu.memory_space<hbm>>) dst(%dma_wait3A_1029 : memref<200xi32, #tpu.memory_space<vmem>>)
      %dma_wait3A_1033 = arith.constant 0 : i32
      %dma_wait3A_1034 = arith.constant 0 : i32
      %dma_wait3A_1035 = arith.constant 0 : i32
      %dma_wait3A_1036 = arith.constant 0 : i32
      %dma_wait3A_1037 = tpu.memref_slice %arg6[%dma_wait3A_1033, %dma_wait3A_1035, %dma_wait3A_1036] : memref<4x200x64xf32, #tpu.memory_space<vmem>> -> memref<1x200x64xf32, #tpu.memory_space<vmem>>
      %dma_wait3A_1038 = tpu.memref_squeeze %dma_wait3A_1037 : memref<1x200x64xf32, #tpu.memory_space<vmem>> -> memref<200x64xf32, #tpu.memory_space<vmem>>
      %dma_wait3A_1039 = arith.constant 0 : i32
      %dma_wait3A_1040 = arith.constant 0 : i32
      %dma_wait3A_1041 = tpu.memref_slice %arg4[%mul3A_2, %dma_wait3A_1039, %dma_wait3A_1040] : memref<4096x200x64xf32, #tpu.memory_space<hbm>> -> memref<1x200x64xf32, #tpu.memory_space<hbm>>
      %dma_wait3A_1042 = tpu.memref_squeeze %dma_wait3A_1041 : memref<1x200x64xf32, #tpu.memory_space<hbm>> -> memref<200x64xf32, #tpu.memory_space<hbm>>
      %dma_wait3A_1043 = tpu.memref_slice %arg9[%dma_wait3A_1034] : memref<4x!tpu.dma_semaphore, #tpu.memory_space<semaphore_mem>> -> memref<1x!tpu.dma_semaphore, #tpu.memory_space<semaphore_mem>>
      %dma_wait3A_1044 = tpu.memref_squeeze %dma_wait3A_1043 : memref<1x!tpu.dma_semaphore, #tpu.memory_space<semaphore_mem>> -> memref<!tpu.dma_semaphore, #tpu.memory_space<semaphore_mem>>
      %dma_wait3A_1045 = arith.constant 0 : i32
      %dma_wait3A_1046 = arith.constant 0 : i32
      %dma_wait3A_1047 = tpu.memref_slice %arg4[%mul3A_2, %dma_wait3A_1045, %dma_wait3A_1046] : memref<4096x200x64xf32, #tpu.memory_space<hbm>> -> memref<1x200x64xf32, #tpu.memory_space<hbm>>
      %dma_wait3A_1048 = tpu.memref_squeeze %dma_wait3A_1047 : memref<1x200x64xf32, #tpu.memory_space<hbm>> -> memref<200x64xf32, #tpu.memory_space<hbm>>
      %dma_wait3A_1049 = arith.constant 0 : i32
      %dma_wait3A_1050 = arith.constant 0 : i32
      %dma_wait3A_1051 = tpu.memref_slice %arg6[%dma_wait3A_1033, %dma_wait3A_1049, %dma_wait3A_1050] : memref<4x200x64xf32, #tpu.memory_space<vmem>> -> memref<1x200x64xf32, #tpu.memory_space<vmem>>
      %dma_wait3A_1052 = tpu.memref_squeeze %dma_wait3A_1051 : memref<1x200x64xf32, #tpu.memory_space<vmem>> -> memref<200x64xf32, #tpu.memory_space<vmem>>
      tpu.wait_dma2 semaphore(%dma_wait3A_1044 : memref<!tpu.dma_semaphore, #tpu.memory_space<semaphore_mem>>) src(%dma_wait3A_1052 : memref<200x64xf32, #tpu.memory_space<vmem>>) dst(%dma_wait3A_1048 : memref<200x64xf32, #tpu.memory_space<hbm>>)
      %add3A_1053 = arith.constant 0 : i32
      %add3A_1054 = arith.addi %mul3A_1016, %add3A_1053 : i32
      %dma_start3A_1055 = arith.constant 0 : i32
      %dma_start3A_1056 = arith.constant 0 : i32
      %dma_start3A_1057 = arith.constant 0 : i32
      %dma_start3A_1058 = arith.constant 0 : i32
      %dma_start3A_1059 = arith.constant 0 : i32
      %dma_start3A_1060 = tpu.memref_slice %arg6[%dma_start3A_1056, %dma_start3A_1058, %dma_start3A_1059] : memref<4x200x64xf32, #tpu.memory_space<vmem>> -> memref<1x128x64xf32, #tpu.memory_space<vmem>>
      %dma_start3A_1061 = tpu.memref_squeeze %dma_start3A_1060 : memref<1x128x64xf32, #tpu.memory_space<vmem>> -> memref<128x64xf32, #tpu.memory_space<vmem>>
      %dma_start3A_1062 = arith.constant 0 : i32
      %dma_start3A_1063 = tpu.memref_slice %arg5[%dma_start3A_1055, %dma_start3A_1062] : memref<4x200xi32, #tpu.memory_space<vmem>> -> memref<1x128xi32, #tpu.memory_space<vmem>>
      %dma_start3A_1064 = tpu.memref_squeeze %dma_start3A_1063 : memref<1x128xi32, #tpu.memory_space<vmem>> -> memref<128xi32, #tpu.memory_space<vmem>>
      %dma_start3A_1065 = arith.constant 0 : i32
      %dma_start3A_1066 = arith.constant 0 : i32
      %dma_start3A_1067 = tpu.memref_slice %arg2[%dma_start3A_1065, %dma_start3A_1066] : memref<1000000x64xf32, #tpu.memory_space<hbm>> -> memref<1000000x64xf32, #tpu.memory_space<hbm>>
      %dma_start3A_1068 = tpu.memref_slice %arg8[%dma_start3A_1057] : memref<4x!tpu.dma_semaphore, #tpu.memory_space<semaphore_mem>> -> memref<1x!tpu.dma_semaphore, #tpu.memory_space<semaphore_mem>>
      %dma_start3A_1069 = tpu.memref_squeeze %dma_start3A_1068 : memref<1x!tpu.dma_semaphore, #tpu.memory_space<semaphore_mem>> -> memref<!tpu.dma_semaphore, #tpu.memory_space<semaphore_mem>>
      tpu.enqueue_indirect_dma source(%dma_start3A_1067 : memref<1000000x64xf32, #tpu.memory_space<hbm>>) target(%dma_start3A_1061 : memref<128x64xf32, #tpu.memory_space<vmem>>) offsets(%dma_start3A_1064 : memref<128xi32, #tpu.memory_space<vmem>>) semaphore(%dma_start3A_1069 : memref<!tpu.dma_semaphore, #tpu.memory_space<semaphore_mem>>)
      %dma_start3A_1070 = arith.constant 0 : i32
      %dma_start3A_1071 = arith.constant 0 : i32
      %dma_start3A_1072 = arith.constant 0 : i32
      %dma_start3A_1073 = arith.constant 128 : i32
      %dma_start3A_1074 = arith.constant 0 : i32
      %dma_start3A_1075 = tpu.memref_slice %arg6[%dma_start3A_1071, %dma_start3A_1073, %dma_start3A_1074] : memref<4x200x64xf32, #tpu.memory_space<vmem>> -> memref<1x72x64xf32, #tpu.memory_space<vmem>>
      %dma_start3A_1076 = tpu.memref_squeeze %dma_start3A_1075 : memref<1x72x64xf32, #tpu.memory_space<vmem>> -> memref<72x64xf32, #tpu.memory_space<vmem>>
      %dma_start3A_1077 = arith.constant 128 : i32
      %dma_start3A_1078 = tpu.memref_slice %arg5[%dma_start3A_1070, %dma_start3A_1077] : memref<4x200xi32, #tpu.memory_space<vmem>> -> memref<1x72xi32, #tpu.memory_space<vmem>>
      %dma_start3A_1079 = tpu.memref_squeeze %dma_start3A_1078 : memref<1x72xi32, #tpu.memory_space<vmem>> -> memref<72xi32, #tpu.memory_space<vmem>>
      %dma_start3A_1080 = arith.constant 0 : i32
      %dma_start3A_1081 = arith.constant 0 : i32
      %dma_start3A_1082 = tpu.memref_slice %arg2[%dma_start3A_1080, %dma_start3A_1081] : memref<1000000x64xf32, #tpu.memory_space<hbm>> -> memref<1000000x64xf32, #tpu.memory_space<hbm>>
      %dma_start3A_1083 = tpu.memref_slice %arg8[%dma_start3A_1072] : memref<4x!tpu.dma_semaphore, #tpu.memory_space<semaphore_mem>> -> memref<1x!tpu.dma_semaphore, #tpu.memory_space<semaphore_mem>>
      %dma_start3A_1084 = tpu.memref_squeeze %dma_start3A_1083 : memref<1x!tpu.dma_semaphore, #tpu.memory_space<semaphore_mem>> -> memref<!tpu.dma_semaphore, #tpu.memory_space<semaphore_mem>>
      tpu.enqueue_indirect_dma source(%dma_start3A_1082 : memref<1000000x64xf32, #tpu.memory_space<hbm>>) target(%dma_start3A_1076 : memref<72x64xf32, #tpu.memory_space<vmem>>) offsets(%dma_start3A_1079 : memref<72xi32, #tpu.memory_space<vmem>>) semaphore(%dma_start3A_1084 : memref<!tpu.dma_semaphore, #tpu.memory_space<semaphore_mem>>)
      %dma_wait3A_1085 = arith.constant 1 : i32
      %dma_wait3A_1086 = arith.constant 1 : i32
      %dma_wait3A_1087 = arith.constant 0 : i32
      %dma_wait3A_1088 = tpu.memref_slice %arg5[%dma_wait3A_1085, %dma_wait3A_1087] : memref<4x200xi32, #tpu.memory_space<vmem>> -> memref<1x200xi32, #tpu.memory_space<vmem>>
      %dma_wait3A_1089 = tpu.memref_squeeze %dma_wait3A_1088 : memref<1x200xi32, #tpu.memory_space<vmem>> -> memref<200xi32, #tpu.memory_space<vmem>>
      %dma_wait3A_1090 = arith.constant 0 : i32
      %dma_wait3A_1091 = tpu.memref_slice %arg3[%mul3A_2, %dma_wait3A_1090] : memref<4096x200xi32, #tpu.memory_space<hbm>> -> memref<1x200xi32, #tpu.memory_space<hbm>>
      %dma_wait3A_1092 = tpu.memref_squeeze %dma_wait3A_1091 : memref<1x200xi32, #tpu.memory_space<hbm>> -> memref<200xi32, #tpu.memory_space<hbm>>
      %dma_wait3A_1093 = tpu.memref_slice %arg7[%dma_wait3A_1086] : memref<4x!tpu.dma_semaphore, #tpu.memory_space<semaphore_mem>> -> memref<1x!tpu.dma_semaphore, #tpu.memory_space<semaphore_mem>>
      %dma_wait3A_1094 = tpu.memref_squeeze %dma_wait3A_1093 : memref<1x!tpu.dma_semaphore, #tpu.memory_space<semaphore_mem>> -> memref<!tpu.dma_semaphore, #tpu.memory_space<semaphore_mem>>
      %dma_wait3A_1095 = arith.constant 0 : i32
      %dma_wait3A_1096 = tpu.memref_slice %arg5[%dma_wait3A_1085, %dma_wait3A_1095] : memref<4x200xi32, #tpu.memory_space<vmem>> -> memref<1x200xi32, #tpu.memory_space<vmem>>
      %dma_wait3A_1097 = tpu.memref_squeeze %dma_wait3A_1096 : memref<1x200xi32, #tpu.memory_space<vmem>> -> memref<200xi32, #tpu.memory_space<vmem>>
      %dma_wait3A_1098 = arith.constant 0 : i32
      %dma_wait3A_1099 = tpu.memref_slice %arg3[%mul3A_2, %dma_wait3A_1098] : memref<4096x200xi32, #tpu.memory_space<hbm>> -> memref<1x200xi32, #tpu.memory_space<hbm>>
      %dma_wait3A_1100 = tpu.memref_squeeze %dma_wait3A_1099 : memref<1x200xi32, #tpu.memory_space<hbm>> -> memref<200xi32, #tpu.memory_space<hbm>>
      tpu.wait_dma2 semaphore(%dma_wait3A_1094 : memref<!tpu.dma_semaphore, #tpu.memory_space<semaphore_mem>>) src(%dma_wait3A_1100 : memref<200xi32, #tpu.memory_space<hbm>>) dst(%dma_wait3A_1097 : memref<200xi32, #tpu.memory_space<vmem>>)
      %dma_wait3A_1101 = arith.constant 1 : i32
      %dma_wait3A_1102 = arith.constant 1 : i32
      %dma_wait3A_1103 = arith.constant 0 : i32
      %dma_wait3A_1104 = arith.constant 0 : i32
      %dma_wait3A_1105 = tpu.memref_slice %arg6[%dma_wait3A_1101, %dma_wait3A_1103, %dma_wait3A_1104] : memref<4x200x64xf32, #tpu.memory_space<vmem>> -> memref<1x200x64xf32, #tpu.memory_space<vmem>>
      %dma_wait3A_1106 = tpu.memref_squeeze %dma_wait3A_1105 : memref<1x200x64xf32, #tpu.memory_space<vmem>> -> memref<200x64xf32, #tpu.memory_space<vmem>>
      %dma_wait3A_1107 = arith.constant 0 : i32
      %dma_wait3A_1108 = arith.constant 0 : i32
      %dma_wait3A_1109 = tpu.memref_slice %arg4[%mul3A_2, %dma_wait3A_1107, %dma_wait3A_1108] : memref<4096x200x64xf32, #tpu.memory_space<hbm>> -> memref<1x200x64xf32, #tpu.memory_space<hbm>>
      %dma_wait3A_1110 = tpu.memref_squeeze %dma_wait3A_1109 : memref<1x200x64xf32, #tpu.memory_space<hbm>> -> memref<200x64xf32, #tpu.memory_space<hbm>>
      %dma_wait3A_1111 = tpu.memref_slice %arg9[%dma_wait3A_1102] : memref<4x!tpu.dma_semaphore, #tpu.memory_space<semaphore_mem>> -> memref<1x!tpu.dma_semaphore, #tpu.memory_space<semaphore_mem>>
      %dma_wait3A_1112 = tpu.memref_squeeze %dma_wait3A_1111 : memref<1x!tpu.dma_semaphore, #tpu.memory_space<semaphore_mem>> -> memref<!tpu.dma_semaphore, #tpu.memory_space<semaphore_mem>>
      %dma_wait3A_1113 = arith.constant 0 : i32
      %dma_wait3A_1114 = arith.constant 0 : i32
      %dma_wait3A_1115 = tpu.memref_slice %arg4[%mul3A_2, %dma_wait3A_1113, %dma_wait3A_1114] : memref<4096x200x64xf32, #tpu.memory_space<hbm>> -> memref<1x200x64xf32, #tpu.memory_space<hbm>>
      %dma_wait3A_1116 = tpu.memref_squeeze %dma_wait3A_1115 : memref<1x200x64xf32, #tpu.memory_space<hbm>> -> memref<200x64xf32, #tpu.memory_space<hbm>>
      %dma_wait3A_1117 = arith.constant 0 : i32
      %dma_wait3A_1118 = arith.constant 0 : i32
      %dma_wait3A_1119 = tpu.memref_slice %arg6[%dma_wait3A_1101, %dma_wait3A_1117, %dma_wait3A_1118] : memref<4x200x64xf32, #tpu.memory_space<vmem>> -> memref<1x200x64xf32, #tpu.memory_space<vmem>>
      %dma_wait3A_1120 = tpu.memref_squeeze %dma_wait3A_1119 : memref<1x200x64xf32, #tpu.memory_space<vmem>> -> memref<200x64xf32, #tpu.memory_space<vmem>>
      tpu.wait_dma2 semaphore(%dma_wait3A_1112 : memref<!tpu.dma_semaphore, #tpu.memory_space<semaphore_mem>>) src(%dma_wait3A_1120 : memref<200x64xf32, #tpu.memory_space<vmem>>) dst(%dma_wait3A_1116 : memref<200x64xf32, #tpu.memory_space<hbm>>)
      %add3A_1121 = arith.constant 1 : i32
      %add3A_1122 = arith.addi %mul3A_1016, %add3A_1121 : i32
      %dma_start3A_1123 = arith.constant 1 : i32
      %dma_start3A_1124 = arith.constant 1 : i32
      %dma_start3A_1125 = arith.constant 1 : i32
      %dma_start3A_1126 = arith.constant 0 : i32
      %dma_start3A_1127 = arith.constant 0 : i32
      %dma_start3A_1128 = tpu.memref_slice %arg6[%dma_start3A_1124, %dma_start3A_1126, %dma_start3A_1127] : memref<4x200x64xf32, #tpu.memory_space<vmem>> -> memref<1x128x64xf32, #tpu.memory_space<vmem>>
      %dma_start3A_1129 = tpu.memref_squeeze %dma_start3A_1128 : memref<1x128x64xf32, #tpu.memory_space<vmem>> -> memref<128x64xf32, #tpu.memory_space<vmem>>
      %dma_start3A_1130 = arith.constant 0 : i32
      %dma_start3A_1131 = tpu.memref_slice %arg5[%dma_start3A_1123, %dma_start3A_1130] : memref<4x200xi32, #tpu.memory_space<vmem>> -> memref<1x128xi32, #tpu.memory_space<vmem>>
      %dma_start3A_1132 = tpu.memref_squeeze %dma_start3A_1131 : memref<1x128xi32, #tpu.memory_space<vmem>> -> memref<128xi32, #tpu.memory_space<vmem>>
      %dma_start3A_1133 = arith.constant 0 : i32
      %dma_start3A_1134 = arith.constant 0 : i32
      %dma_start3A_1135 = tpu.memref_slice %arg2[%dma_start3A_1133, %dma_start3A_1134] : memref<1000000x64xf32, #tpu.memory_space<hbm>> -> memref<1000000x64xf32, #tpu.memory_space<hbm>>
      %dma_start3A_1136 = tpu.memref_slice %arg8[%dma_start3A_1125] : memref<4x!tpu.dma_semaphore, #tpu.memory_space<semaphore_mem>> -> memref<1x!tpu.dma_semaphore, #tpu.memory_space<semaphore_mem>>
      %dma_start3A_1137 = tpu.memref_squeeze %dma_start3A_1136 : memref<1x!tpu.dma_semaphore, #tpu.memory_space<semaphore_mem>> -> memref<!tpu.dma_semaphore, #tpu.memory_space<semaphore_mem>>
      tpu.enqueue_indirect_dma source(%dma_start3A_1135 : memref<1000000x64xf32, #tpu.memory_space<hbm>>) target(%dma_start3A_1129 : memref<128x64xf32, #tpu.memory_space<vmem>>) offsets(%dma_start3A_1132 : memref<128xi32, #tpu.memory_space<vmem>>) semaphore(%dma_start3A_1137 : memref<!tpu.dma_semaphore, #tpu.memory_space<semaphore_mem>>)
      %dma_start3A_1138 = arith.constant 1 : i32
      %dma_start3A_1139 = arith.constant 1 : i32
      %dma_start3A_1140 = arith.constant 1 : i32
      %dma_start3A_1141 = arith.constant 128 : i32
      %dma_start3A_1142 = arith.constant 0 : i32
      %dma_start3A_1143 = tpu.memref_slice %arg6[%dma_start3A_1139, %dma_start3A_1141, %dma_start3A_1142] : memref<4x200x64xf32, #tpu.memory_space<vmem>> -> memref<1x72x64xf32, #tpu.memory_space<vmem>>
      %dma_start3A_1144 = tpu.memref_squeeze %dma_start3A_1143 : memref<1x72x64xf32, #tpu.memory_space<vmem>> -> memref<72x64xf32, #tpu.memory_space<vmem>>
      %dma_start3A_1145 = arith.constant 128 : i32
      %dma_start3A_1146 = tpu.memref_slice %arg5[%dma_start3A_1138, %dma_start3A_1145] : memref<4x200xi32, #tpu.memory_space<vmem>> -> memref<1x72xi32, #tpu.memory_space<vmem>>
      %dma_start3A_1147 = tpu.memref_squeeze %dma_start3A_1146 : memref<1x72xi32, #tpu.memory_space<vmem>> -> memref<72xi32, #tpu.memory_space<vmem>>
      %dma_start3A_1148 = arith.constant 0 : i32
      %dma_start3A_1149 = arith.constant 0 : i32
      %dma_start3A_1150 = tpu.memref_slice %arg2[%dma_start3A_1148, %dma_start3A_1149] : memref<1000000x64xf32, #tpu.memory_space<hbm>> -> memref<1000000x64xf32, #tpu.memory_space<hbm>>
      %dma_start3A_1151 = tpu.memref_slice %arg8[%dma_start3A_1140] : memref<4x!tpu.dma_semaphore, #tpu.memory_space<semaphore_mem>> -> memref<1x!tpu.dma_semaphore, #tpu.memory_space<semaphore_mem>>
      %dma_start3A_1152 = tpu.memref_squeeze %dma_start3A_1151 : memref<1x!tpu.dma_semaphore, #tpu.memory_space<semaphore_mem>> -> memref<!tpu.dma_semaphore, #tpu.memory_space<semaphore_mem>>
      tpu.enqueue_indirect_dma source(%dma_start3A_1150 : memref<1000000x64xf32, #tpu.memory_space<hbm>>) target(%dma_start3A_1144 : memref<72x64xf32, #tpu.memory_space<vmem>>) offsets(%dma_start3A_1147 : memref<72xi32, #tpu.memory_space<vmem>>) semaphore(%dma_start3A_1152 : memref<!tpu.dma_semaphore, #tpu.memory_space<semaphore_mem>>)
      %dma_wait3A_1153 = arith.constant 2 : i32
      %dma_wait3A_1154 = arith.constant 2 : i32
      %dma_wait3A_1155 = arith.constant 0 : i32
      %dma_wait3A_1156 = tpu.memref_slice %arg5[%dma_wait3A_1153, %dma_wait3A_1155] : memref<4x200xi32, #tpu.memory_space<vmem>> -> memref<1x200xi32, #tpu.memory_space<vmem>>
      %dma_wait3A_1157 = tpu.memref_squeeze %dma_wait3A_1156 : memref<1x200xi32, #tpu.memory_space<vmem>> -> memref<200xi32, #tpu.memory_space<vmem>>
      %dma_wait3A_1158 = arith.constant 0 : i32
      %dma_wait3A_1159 = tpu.memref_slice %arg3[%mul3A_2, %dma_wait3A_1158] : memref<4096x200xi32, #tpu.memory_space<hbm>> -> memref<1x200xi32, #tpu.memory_space<hbm>>
      %dma_wait3A_1160 = tpu.memref_squeeze %dma_wait3A_1159 : memref<1x200xi32, #tpu.memory_space<hbm>> -> memref<200xi32, #tpu.memory_space<hbm>>
      %dma_wait3A_1161 = tpu.memref_slice %arg7[%dma_wait3A_1154] : memref<4x!tpu.dma_semaphore, #tpu.memory_space<semaphore_mem>> -> memref<1x!tpu.dma_semaphore, #tpu.memory_space<semaphore_mem>>
      %dma_wait3A_1162 = tpu.memref_squeeze %dma_wait3A_1161 : memref<1x!tpu.dma_semaphore, #tpu.memory_space<semaphore_mem>> -> memref<!tpu.dma_semaphore, #tpu.memory_space<semaphore_mem>>
      %dma_wait3A_1163 = arith.constant 0 : i32
      %dma_wait3A_1164 = tpu.memref_slice %arg5[%dma_wait3A_1153, %dma_wait3A_1163] : memref<4x200xi32, #tpu.memory_space<vmem>> -> memref<1x200xi32, #tpu.memory_space<vmem>>
      %dma_wait3A_1165 = tpu.memref_squeeze %dma_wait3A_1164 : memref<1x200xi32, #tpu.memory_space<vmem>> -> memref<200xi32, #tpu.memory_space<vmem>>
      %dma_wait3A_1166 = arith.constant 0 : i32
      %dma_wait3A_1167 = tpu.memref_slice %arg3[%mul3A_2, %dma_wait3A_1166] : memref<4096x200xi32, #tpu.memory_space<hbm>> -> memref<1x200xi32, #tpu.memory_space<hbm>>
      %dma_wait3A_1168 = tpu.memref_squeeze %dma_wait3A_1167 : memref<1x200xi32, #tpu.memory_space<hbm>> -> memref<200xi32, #tpu.memory_space<hbm>>
      tpu.wait_dma2 semaphore(%dma_wait3A_1162 : memref<!tpu.dma_semaphore, #tpu.memory_space<semaphore_mem>>) src(%dma_wait3A_1168 : memref<200xi32, #tpu.memory_space<hbm>>) dst(%dma_wait3A_1165 : memref<200xi32, #tpu.memory_space<vmem>>)
      %dma_wait3A_1169 = arith.constant 2 : i32
      %dma_wait3A_1170 = arith.constant 2 : i32
      %dma_wait3A_1171 = arith.constant 0 : i32
      %dma_wait3A_1172 = arith.constant 0 : i32
      %dma_wait3A_1173 = tpu.memref_slice %arg6[%dma_wait3A_1169, %dma_wait3A_1171, %dma_wait3A_1172] : memref<4x200x64xf32, #tpu.memory_space<vmem>> -> memref<1x200x64xf32, #tpu.memory_space<vmem>>
      %dma_wait3A_1174 = tpu.memref_squeeze %dma_wait3A_1173 : memref<1x200x64xf32, #tpu.memory_space<vmem>> -> memref<200x64xf32, #tpu.memory_space<vmem>>
      %dma_wait3A_1175 = arith.constant 0 : i32
      %dma_wait3A_1176 = arith.constant 0 : i32
      %dma_wait3A_1177 = tpu.memref_slice %arg4[%mul3A_2, %dma_wait3A_1175, %dma_wait3A_1176] : memref<4096x200x64xf32, #tpu.memory_space<hbm>> -> memref<1x200x64xf32, #tpu.memory_space<hbm>>
      %dma_wait3A_1178 = tpu.memref_squeeze %dma_wait3A_1177 : memref<1x200x64xf32, #tpu.memory_space<hbm>> -> memref<200x64xf32, #tpu.memory_space<hbm>>
      %dma_wait3A_1179 = tpu.memref_slice %arg9[%dma_wait3A_1170] : memref<4x!tpu.dma_semaphore, #tpu.memory_space<semaphore_mem>> -> memref<1x!tpu.dma_semaphore, #tpu.memory_space<semaphore_mem>>
      %dma_wait3A_1180 = tpu.memref_squeeze %dma_wait3A_1179 : memref<1x!tpu.dma_semaphore, #tpu.memory_space<semaphore_mem>> -> memref<!tpu.dma_semaphore, #tpu.memory_space<semaphore_mem>>
      %dma_wait3A_1181 = arith.constant 0 : i32
      %dma_wait3A_1182 = arith.constant 0 : i32
      %dma_wait3A_1183 = tpu.memref_slice %arg4[%mul3A_2, %dma_wait3A_1181, %dma_wait3A_1182] : memref<4096x200x64xf32, #tpu.memory_space<hbm>> -> memref<1x200x64xf32, #tpu.memory_space<hbm>>
      %dma_wait3A_1184 = tpu.memref_squeeze %dma_wait3A_1183 : memref<1x200x64xf32, #tpu.memory_space<hbm>> -> memref<200x64xf32, #tpu.memory_space<hbm>>
      %dma_wait3A_1185 = arith.constant 0 : i32
      %dma_wait3A_1186 = arith.constant 0 : i32
      %dma_wait3A_1187 = tpu.memref_slice %arg6[%dma_wait3A_1169, %dma_wait3A_1185, %dma_wait3A_1186] : memref<4x200x64xf32, #tpu.memory_space<vmem>> -> memref<1x200x64xf32, #tpu.memory_space<vmem>>
      %dma_wait3A_1188 = tpu.memref_squeeze %dma_wait3A_1187 : memref<1x200x64xf32, #tpu.memory_space<vmem>> -> memref<200x64xf32, #tpu.memory_space<vmem>>
      tpu.wait_dma2 semaphore(%dma_wait3A_1180 : memref<!tpu.dma_semaphore, #tpu.memory_space<semaphore_mem>>) src(%dma_wait3A_1188 : memref<200x64xf32, #tpu.memory_space<vmem>>) dst(%dma_wait3A_1184 : memref<200x64xf32, #tpu.memory_space<hbm>>)
      %add3A_1189 = arith.constant 2 : i32
      %add3A_1190 = arith.addi %mul3A_1016, %add3A_1189 : i32
      %dma_start3A_1191 = arith.constant 2 : i32
      %dma_start3A_1192 = arith.constant 2 : i32
      %dma_start3A_1193 = arith.constant 2 : i32
      %dma_start3A_1194 = arith.constant 0 : i32
      %dma_start3A_1195 = arith.constant 0 : i32
      %dma_start3A_1196 = tpu.memref_slice %arg6[%dma_start3A_1192, %dma_start3A_1194, %dma_start3A_1195] : memref<4x200x64xf32, #tpu.memory_space<vmem>> -> memref<1x128x64xf32, #tpu.memory_space<vmem>>
      %dma_start3A_1197 = tpu.memref_squeeze %dma_start3A_1196 : memref<1x128x64xf32, #tpu.memory_space<vmem>> -> memref<128x64xf32, #tpu.memory_space<vmem>>
      %dma_start3A_1198 = arith.constant 0 : i32
      %dma_start3A_1199 = tpu.memref_slice %arg5[%dma_start3A_1191, %dma_start3A_1198] : memref<4x200xi32, #tpu.memory_space<vmem>> -> memref<1x128xi32, #tpu.memory_space<vmem>>
      %dma_start3A_1200 = tpu.memref_squeeze %dma_start3A_1199 : memref<1x128xi32, #tpu.memory_space<vmem>> -> memref<128xi32, #tpu.memory_space<vmem>>
      %dma_start3A_1201 = arith.constant 0 : i32
      %dma_start3A_1202 = arith.constant 0 : i32
      %dma_start3A_1203 = tpu.memref_slice %arg2[%dma_start3A_1201, %dma_start3A_1202] : memref<1000000x64xf32, #tpu.memory_space<hbm>> -> memref<1000000x64xf32, #tpu.memory_space<hbm>>
      %dma_start3A_1204 = tpu.memref_slice %arg8[%dma_start3A_1193] : memref<4x!tpu.dma_semaphore, #tpu.memory_space<semaphore_mem>> -> memref<1x!tpu.dma_semaphore, #tpu.memory_space<semaphore_mem>>
      %dma_start3A_1205 = tpu.memref_squeeze %dma_start3A_1204 : memref<1x!tpu.dma_semaphore, #tpu.memory_space<semaphore_mem>> -> memref<!tpu.dma_semaphore, #tpu.memory_space<semaphore_mem>>
      tpu.enqueue_indirect_dma source(%dma_start3A_1203 : memref<1000000x64xf32, #tpu.memory_space<hbm>>) target(%dma_start3A_1197 : memref<128x64xf32, #tpu.memory_space<vmem>>) offsets(%dma_start3A_1200 : memref<128xi32, #tpu.memory_space<vmem>>) semaphore(%dma_start3A_1205 : memref<!tpu.dma_semaphore, #tpu.memory_space<semaphore_mem>>)
      %dma_start3A_1206 = arith.constant 2 : i32
      %dma_start3A_1207 = arith.constant 2 : i32
      %dma_start3A_1208 = arith.constant 2 : i32
      %dma_start3A_1209 = arith.constant 128 : i32
      %dma_start3A_1210 = arith.constant 0 : i32
      %dma_start3A_1211 = tpu.memref_slice %arg6[%dma_start3A_1207, %dma_start3A_1209, %dma_start3A_1210] : memref<4x200x64xf32, #tpu.memory_space<vmem>> -> memref<1x72x64xf32, #tpu.memory_space<vmem>>
      %dma_start3A_1212 = tpu.memref_squeeze %dma_start3A_1211 : memref<1x72x64xf32, #tpu.memory_space<vmem>> -> memref<72x64xf32, #tpu.memory_space<vmem>>
      %dma_start3A_1213 = arith.constant 128 : i32
      %dma_start3A_1214 = tpu.memref_slice %arg5[%dma_start3A_1206, %dma_start3A_1213] : memref<4x200xi32, #tpu.memory_space<vmem>> -> memref<1x72xi32, #tpu.memory_space<vmem>>
      %dma_start3A_1215 = tpu.memref_squeeze %dma_start3A_1214 : memref<1x72xi32, #tpu.memory_space<vmem>> -> memref<72xi32, #tpu.memory_space<vmem>>
      %dma_start3A_1216 = arith.constant 0 : i32
      %dma_start3A_1217 = arith.constant 0 : i32
      %dma_start3A_1218 = tpu.memref_slice %arg2[%dma_start3A_1216, %dma_start3A_1217] : memref<1000000x64xf32, #tpu.memory_space<hbm>> -> memref<1000000x64xf32, #tpu.memory_space<hbm>>
      %dma_start3A_1219 = tpu.memref_slice %arg8[%dma_start3A_1208] : memref<4x!tpu.dma_semaphore, #tpu.memory_space<semaphore_mem>> -> memref<1x!tpu.dma_semaphore, #tpu.memory_space<semaphore_mem>>
      %dma_start3A_1220 = tpu.memref_squeeze %dma_start3A_1219 : memref<1x!tpu.dma_semaphore, #tpu.memory_space<semaphore_mem>> -> memref<!tpu.dma_semaphore, #tpu.memory_space<semaphore_mem>>
      tpu.enqueue_indirect_dma source(%dma_start3A_1218 : memref<1000000x64xf32, #tpu.memory_space<hbm>>) target(%dma_start3A_1212 : memref<72x64xf32, #tpu.memory_space<vmem>>) offsets(%dma_start3A_1215 : memref<72xi32, #tpu.memory_space<vmem>>) semaphore(%dma_start3A_1220 : memref<!tpu.dma_semaphore, #tpu.memory_space<semaphore_mem>>)
      %dma_wait3A_1221 = arith.constant 3 : i32
      %dma_wait3A_1222 = arith.constant 3 : i32
      %dma_wait3A_1223 = arith.constant 0 : i32
      %dma_wait3A_1224 = tpu.memref_slice %arg5[%dma_wait3A_1221, %dma_wait3A_1223] : memref<4x200xi32, #tpu.memory_space<vmem>> -> memref<1x200xi32, #tpu.memory_space<vmem>>
      %dma_wait3A_1225 = tpu.memref_squeeze %dma_wait3A_1224 : memref<1x200xi32, #tpu.memory_space<vmem>> -> memref<200xi32, #tpu.memory_space<vmem>>
      %dma_wait3A_1226 = arith.constant 0 : i32
      %dma_wait3A_1227 = tpu.memref_slice %arg3[%mul3A_2, %dma_wait3A_1226] : memref<4096x200xi32, #tpu.memory_space<hbm>> -> memref<1x200xi32, #tpu.memory_space<hbm>>
      %dma_wait3A_1228 = tpu.memref_squeeze %dma_wait3A_1227 : memref<1x200xi32, #tpu.memory_space<hbm>> -> memref<200xi32, #tpu.memory_space<hbm>>
      %dma_wait3A_1229 = tpu.memref_slice %arg7[%dma_wait3A_1222] : memref<4x!tpu.dma_semaphore, #tpu.memory_space<semaphore_mem>> -> memref<1x!tpu.dma_semaphore, #tpu.memory_space<semaphore_mem>>
      %dma_wait3A_1230 = tpu.memref_squeeze %dma_wait3A_1229 : memref<1x!tpu.dma_semaphore, #tpu.memory_space<semaphore_mem>> -> memref<!tpu.dma_semaphore, #tpu.memory_space<semaphore_mem>>
      %dma_wait3A_1231 = arith.constant 0 : i32
      %dma_wait3A_1232 = tpu.memref_slice %arg5[%dma_wait3A_1221, %dma_wait3A_1231] : memref<4x200xi32, #tpu.memory_space<vmem>> -> memref<1x200xi32, #tpu.memory_space<vmem>>
      %dma_wait3A_1233 = tpu.memref_squeeze %dma_wait3A_1232 : memref<1x200xi32, #tpu.memory_space<vmem>> -> memref<200xi32, #tpu.memory_space<vmem>>
      %dma_wait3A_1234 = arith.constant 0 : i32
      %dma_wait3A_1235 = tpu.memref_slice %arg3[%mul3A_2, %dma_wait3A_1234] : memref<4096x200xi32, #tpu.memory_space<hbm>> -> memref<1x200xi32, #tpu.memory_space<hbm>>
      %dma_wait3A_1236 = tpu.memref_squeeze %dma_wait3A_1235 : memref<1x200xi32, #tpu.memory_space<hbm>> -> memref<200xi32, #tpu.memory_space<hbm>>
      tpu.wait_dma2 semaphore(%dma_wait3A_1230 : memref<!tpu.dma_semaphore, #tpu.memory_space<semaphore_mem>>) src(%dma_wait3A_1236 : memref<200xi32, #tpu.memory_space<hbm>>) dst(%dma_wait3A_1233 : memref<200xi32, #tpu.memory_space<vmem>>)
      %dma_wait3A_1237 = arith.constant 3 : i32
      %dma_wait3A_1238 = arith.constant 3 : i32
      %dma_wait3A_1239 = arith.constant 0 : i32
      %dma_wait3A_1240 = arith.constant 0 : i32
      %dma_wait3A_1241 = tpu.memref_slice %arg6[%dma_wait3A_1237, %dma_wait3A_1239, %dma_wait3A_1240] : memref<4x200x64xf32, #tpu.memory_space<vmem>> -> memref<1x200x64xf32, #tpu.memory_space<vmem>>
      %dma_wait3A_1242 = tpu.memref_squeeze %dma_wait3A_1241 : memref<1x200x64xf32, #tpu.memory_space<vmem>> -> memref<200x64xf32, #tpu.memory_space<vmem>>
      %dma_wait3A_1243 = arith.constant 0 : i32
      %dma_wait3A_1244 = arith.constant 0 : i32
      %dma_wait3A_1245 = tpu.memref_slice %arg4[%mul3A_2, %dma_wait3A_1243, %dma_wait3A_1244] : memref<4096x200x64xf32, #tpu.memory_space<hbm>> -> memref<1x200x64xf32, #tpu.memory_space<hbm>>
      %dma_wait3A_1246 = tpu.memref_squeeze %dma_wait3A_1245 : memref<1x200x64xf32, #tpu.memory_space<hbm>> -> memref<200x64xf32, #tpu.memory_space<hbm>>
      %dma_wait3A_1247 = tpu.memref_slice %arg9[%dma_wait3A_1238] : memref<4x!tpu.dma_semaphore, #tpu.memory_space<semaphore_mem>> -> memref<1x!tpu.dma_semaphore, #tpu.memory_space<semaphore_mem>>
      %dma_wait3A_1248 = tpu.memref_squeeze %dma_wait3A_1247 : memref<1x!tpu.dma_semaphore, #tpu.memory_space<semaphore_mem>> -> memref<!tpu.dma_semaphore, #tpu.memory_space<semaphore_mem>>
      %dma_wait3A_1249 = arith.constant 0 : i32
      %dma_wait3A_1250 = arith.constant 0 : i32
      %dma_wait3A_1251 = tpu.memref_slice %arg4[%mul3A_2, %dma_wait3A_1249, %dma_wait3A_1250] : memref<4096x200x64xf32, #tpu.memory_space<hbm>> -> memref<1x200x64xf32, #tpu.memory_space<hbm>>
      %dma_wait3A_1252 = tpu.memref_squeeze %dma_wait3A_1251 : memref<1x200x64xf32, #tpu.memory_space<hbm>> -> memref<200x64xf32, #tpu.memory_space<hbm>>
      %dma_wait3A_1253 = arith.constant 0 : i32
      %dma_wait3A_1254 = arith.constant 0 : i32
      %dma_wait3A_1255 = tpu.memref_slice %arg6[%dma_wait3A_1237, %dma_wait3A_1253, %dma_wait3A_1254] : memref<4x200x64xf32, #tpu.memory_space<vmem>> -> memref<1x200x64xf32, #tpu.memory_space<vmem>>
      %dma_wait3A_1256 = tpu.memref_squeeze %dma_wait3A_1255 : memref<1x200x64xf32, #tpu.memory_space<vmem>> -> memref<200x64xf32, #tpu.memory_space<vmem>>
      tpu.wait_dma2 semaphore(%dma_wait3A_1248 : memref<!tpu.dma_semaphore, #tpu.memory_space<semaphore_mem>>) src(%dma_wait3A_1256 : memref<200x64xf32, #tpu.memory_space<vmem>>) dst(%dma_wait3A_1252 : memref<200x64xf32, #tpu.memory_space<hbm>>)
      %add3A_1257 = arith.constant 3 : i32
      %add3A_1258 = arith.addi %mul3A_1016, %add3A_1257 : i32
      %dma_start3A_1259 = arith.constant 3 : i32
      %dma_start3A_1260 = arith.constant 3 : i32
      %dma_start3A_1261 = arith.constant 3 : i32
      %dma_start3A_1262 = arith.constant 0 : i32
      %dma_start3A_1263 = arith.constant 0 : i32
      %dma_start3A_1264 = tpu.memref_slice %arg6[%dma_start3A_1260, %dma_start3A_1262, %dma_start3A_1263] : memref<4x200x64xf32, #tpu.memory_space<vmem>> -> memref<1x128x64xf32, #tpu.memory_space<vmem>>
      %dma_start3A_1265 = tpu.memref_squeeze %dma_start3A_1264 : memref<1x128x64xf32, #tpu.memory_space<vmem>> -> memref<128x64xf32, #tpu.memory_space<vmem>>
      %dma_start3A_1266 = arith.constant 0 : i32
      %dma_start3A_1267 = tpu.memref_slice %arg5[%dma_start3A_1259, %dma_start3A_1266] : memref<4x200xi32, #tpu.memory_space<vmem>> -> memref<1x128xi32, #tpu.memory_space<vmem>>
      %dma_start3A_1268 = tpu.memref_squeeze %dma_start3A_1267 : memref<1x128xi32, #tpu.memory_space<vmem>> -> memref<128xi32, #tpu.memory_space<vmem>>
      %dma_start3A_1269 = arith.constant 0 : i32
      %dma_start3A_1270 = arith.constant 0 : i32
      %dma_start3A_1271 = tpu.memref_slice %arg2[%dma_start3A_1269, %dma_start3A_1270] : memref<1000000x64xf32, #tpu.memory_space<hbm>> -> memref<1000000x64xf32, #tpu.memory_space<hbm>>
      %dma_start3A_1272 = tpu.memref_slice %arg8[%dma_start3A_1261] : memref<4x!tpu.dma_semaphore, #tpu.memory_space<semaphore_mem>> -> memref<1x!tpu.dma_semaphore, #tpu.memory_space<semaphore_mem>>
      %dma_start3A_1273 = tpu.memref_squeeze %dma_start3A_1272 : memref<1x!tpu.dma_semaphore, #tpu.memory_space<semaphore_mem>> -> memref<!tpu.dma_semaphore, #tpu.memory_space<semaphore_mem>>
      tpu.enqueue_indirect_dma source(%dma_start3A_1271 : memref<1000000x64xf32, #tpu.memory_space<hbm>>) target(%dma_start3A_1265 : memref<128x64xf32, #tpu.memory_space<vmem>>) offsets(%dma_start3A_1268 : memref<128xi32, #tpu.memory_space<vmem>>) semaphore(%dma_start3A_1273 : memref<!tpu.dma_semaphore, #tpu.memory_space<semaphore_mem>>)
      %dma_start3A_1274 = arith.constant 3 : i32
      %dma_start3A_1275 = arith.constant 3 : i32
      %dma_start3A_1276 = arith.constant 3 : i32
      %dma_start3A_1277 = arith.constant 128 : i32
      %dma_start3A_1278 = arith.constant 0 : i32
      %dma_start3A_1279 = tpu.memref_slice %arg6[%dma_start3A_1275, %dma_start3A_1277, %dma_start3A_1278] : memref<4x200x64xf32, #tpu.memory_space<vmem>> -> memref<1x72x64xf32, #tpu.memory_space<vmem>>
      %dma_start3A_1280 = tpu.memref_squeeze %dma_start3A_1279 : memref<1x72x64xf32, #tpu.memory_space<vmem>> -> memref<72x64xf32, #tpu.memory_space<vmem>>
      %dma_start3A_1281 = arith.constant 128 : i32
      %dma_start3A_1282 = tpu.memref_slice %arg5[%dma_start3A_1274, %dma_start3A_1281] : memref<4x200xi32, #tpu.memory_space<vmem>> -> memref<1x72xi32, #tpu.memory_space<vmem>>
      %dma_start3A_1283 = tpu.memref_squeeze %dma_start3A_1282 : memref<1x72xi32, #tpu.memory_space<vmem>> -> memref<72xi32, #tpu.memory_space<vmem>>
      %dma_start3A_1284 = arith.constant 0 : i32
      %dma_start3A_1285 = arith.constant 0 : i32
      %dma_start3A_1286 = tpu.memref_slice %arg2[%dma_start3A_1284, %dma_start3A_1285] : memref<1000000x64xf32, #tpu.memory_space<hbm>> -> memref<1000000x64xf32, #tpu.memory_space<hbm>>
      %dma_start3A_1287 = tpu.memref_slice %arg8[%dma_start3A_1276] : memref<4x!tpu.dma_semaphore, #tpu.memory_space<semaphore_mem>> -> memref<1x!tpu.dma_semaphore, #tpu.memory_space<semaphore_mem>>
      %dma_start3A_1288 = tpu.memref_squeeze %dma_start3A_1287 : memref<1x!tpu.dma_semaphore, #tpu.memory_space<semaphore_mem>> -> memref<!tpu.dma_semaphore, #tpu.memory_space<semaphore_mem>>
      tpu.enqueue_indirect_dma source(%dma_start3A_1286 : memref<1000000x64xf32, #tpu.memory_space<hbm>>) target(%dma_start3A_1280 : memref<72x64xf32, #tpu.memory_space<vmem>>) offsets(%dma_start3A_1283 : memref<72xi32, #tpu.memory_space<vmem>>) semaphore(%dma_start3A_1288 : memref<!tpu.dma_semaphore, #tpu.memory_space<semaphore_mem>>)
      %dma_wait3A_1289 = arith.constant 0 : i32
      %dma_wait3A_1290 = arith.constant 0 : i32
      %dma_wait3A_1291 = arith.constant 0 : i32
      %dma_wait3A_1292 = arith.constant 0 : i32
      %dma_wait3A_1293 = tpu.memref_slice %arg6[%dma_wait3A_1289, %dma_wait3A_1291, %dma_wait3A_1292] : memref<4x200x64xf32, #tpu.memory_space<vmem>> -> memref<1x200x64xf32, #tpu.memory_space<vmem>>
      %dma_wait3A_1294 = tpu.memref_squeeze %dma_wait3A_1293 : memref<1x200x64xf32, #tpu.memory_space<vmem>> -> memref<200x64xf32, #tpu.memory_space<vmem>>
      %dma_wait3A_1295 = arith.constant 0 : i32
      %dma_wait3A_1296 = arith.constant 0 : i32
      %dma_wait3A_1297 = tpu.memref_slice %arg4[%mul3A_2, %dma_wait3A_1295, %dma_wait3A_1296] : memref<4096x200x64xf32, #tpu.memory_space<hbm>> -> memref<1x200x64xf32, #tpu.memory_space<hbm>>
      %dma_wait3A_1298 = tpu.memref_squeeze %dma_wait3A_1297 : memref<1x200x64xf32, #tpu.memory_space<hbm>> -> memref<200x64xf32, #tpu.memory_space<hbm>>
      %dma_wait3A_1299 = tpu.memref_slice %arg8[%dma_wait3A_1290] : memref<4x!tpu.dma_semaphore, #tpu.memory_space<semaphore_mem>> -> memref<1x!tpu.dma_semaphore, #tpu.memory_space<semaphore_mem>>
      %dma_wait3A_1300 = tpu.memref_squeeze %dma_wait3A_1299 : memref<1x!tpu.dma_semaphore, #tpu.memory_space<semaphore_mem>> -> memref<!tpu.dma_semaphore, #tpu.memory_space<semaphore_mem>>
      %dma_wait3A_1301 = arith.constant 0 : i32
      %dma_wait3A_1302 = arith.constant 0 : i32
      %dma_wait3A_1303 = tpu.memref_slice %arg6[%dma_wait3A_1289, %dma_wait3A_1301, %dma_wait3A_1302] : memref<4x200x64xf32, #tpu.memory_space<vmem>> -> memref<1x200x64xf32, #tpu.memory_space<vmem>>
      %dma_wait3A_1304 = tpu.memref_squeeze %dma_wait3A_1303 : memref<1x200x64xf32, #tpu.memory_space<vmem>> -> memref<200x64xf32, #tpu.memory_space<vmem>>
      %dma_wait3A_1305 = arith.constant 0 : i32
      %dma_wait3A_1306 = arith.constant 0 : i32
      %dma_wait3A_1307 = tpu.memref_slice %arg4[%mul3A_2, %dma_wait3A_1305, %dma_wait3A_1306] : memref<4096x200x64xf32, #tpu.memory_space<hbm>> -> memref<1x200x64xf32, #tpu.memory_space<hbm>>
      %dma_wait3A_1308 = tpu.memref_squeeze %dma_wait3A_1307 : memref<1x200x64xf32, #tpu.memory_space<hbm>> -> memref<200x64xf32, #tpu.memory_space<hbm>>
      tpu.wait_dma2 semaphore(%dma_wait3A_1300 : memref<!tpu.dma_semaphore, #tpu.memory_space<semaphore_mem>>) src(%dma_wait3A_1308 : memref<200x64xf32, #tpu.memory_space<hbm>>) dst(%dma_wait3A_1304 : memref<200x64xf32, #tpu.memory_space<vmem>>)
      %add3A_1309 = arith.constant 0 : i32
      %add3A_1310 = arith.addi %mul3A_1016, %add3A_1309 : i32
      %add3A_1311 = arith.addi %mul3A_2, %add3A_1310 : i32
      %dma_start3A_1312 = arith.constant 0 : i32
      %dma_start3A_1313 = arith.constant 0 : i32
      %dma_start3A_1314 = arith.constant 0 : i32
      %dma_start3A_1315 = arith.constant 0 : i32
      %dma_start3A_1316 = tpu.memref_slice %arg6[%dma_start3A_1312, %dma_start3A_1314, %dma_start3A_1315] : memref<4x200x64xf32, #tpu.memory_space<vmem>> -> memref<1x200x64xf32, #tpu.memory_space<vmem>>
      %dma_start3A_1317 = tpu.memref_squeeze %dma_start3A_1316 : memref<1x200x64xf32, #tpu.memory_space<vmem>> -> memref<200x64xf32, #tpu.memory_space<vmem>>
      %dma_start3A_1318 = arith.constant 0 : i32
      %dma_start3A_1319 = arith.constant 0 : i32
      %dma_start3A_1320 = tpu.memref_slice %arg4[%add3A_1311, %dma_start3A_1318, %dma_start3A_1319] : memref<4096x200x64xf32, #tpu.memory_space<hbm>> -> memref<1x200x64xf32, #tpu.memory_space<hbm>>
      %dma_start3A_1321 = tpu.memref_squeeze %dma_start3A_1320 : memref<1x200x64xf32, #tpu.memory_space<hbm>> -> memref<200x64xf32, #tpu.memory_space<hbm>>
      %dma_start3A_1322 = tpu.memref_slice %arg9[%dma_start3A_1313] : memref<4x!tpu.dma_semaphore, #tpu.memory_space<semaphore_mem>> -> memref<1x!tpu.dma_semaphore, #tpu.memory_space<semaphore_mem>>
      %dma_start3A_1323 = tpu.memref_squeeze %dma_start3A_1322 : memref<1x!tpu.dma_semaphore, #tpu.memory_space<semaphore_mem>> -> memref<!tpu.dma_semaphore, #tpu.memory_space<semaphore_mem>>
      %dma_start3A_1324 = arith.constant 0 : i32
      %dma_start3A_1325 = arith.constant 0 : i32
      %dma_start3A_1326 = tpu.memref_slice %arg4[%add3A_1311, %dma_start3A_1324, %dma_start3A_1325] : memref<4096x200x64xf32, #tpu.memory_space<hbm>> -> memref<1x200x64xf32, #tpu.memory_space<hbm>>
      %dma_start3A_1327 = tpu.memref_squeeze %dma_start3A_1326 : memref<1x200x64xf32, #tpu.memory_space<hbm>> -> memref<200x64xf32, #tpu.memory_space<hbm>>
      %dma_start3A_1328 = arith.constant 0 : i32
      %dma_start3A_1329 = arith.constant 0 : i32
      %dma_start3A_1330 = tpu.memref_slice %arg6[%dma_start3A_1312, %dma_start3A_1328, %dma_start3A_1329] : memref<4x200x64xf32, #tpu.memory_space<vmem>> -> memref<1x200x64xf32, #tpu.memory_space<vmem>>
      %dma_start3A_1331 = tpu.memref_squeeze %dma_start3A_1330 : memref<1x200x64xf32, #tpu.memory_space<vmem>> -> memref<200x64xf32, #tpu.memory_space<vmem>>
      tpu.enqueue_dma source(%dma_start3A_1331 : memref<200x64xf32, #tpu.memory_space<vmem>>) target(%dma_start3A_1327 : memref<200x64xf32, #tpu.memory_space<hbm>>) target_semaphore(%dma_start3A_1323 : memref<!tpu.dma_semaphore, #tpu.memory_space<semaphore_mem>>)
      %add3A_1332 = arith.constant 4 : i32
      %add3A_1333 = arith.addi %mul3A_1016, %add3A_1332 : i32
      %add3A_1334 = arith.constant 0 : i32
      %add3A_1335 = arith.addi %add3A_1333, %add3A_1334 : i32
      %add3A_1336 = arith.addi %mul3A_2, %add3A_1335 : i32
      %dma_start3A_1337 = arith.constant 0 : i32
      %dma_start3A_1338 = arith.constant 0 : i32
      %dma_start3A_1339 = arith.constant 0 : i32
      %dma_start3A_1340 = tpu.memref_slice %arg5[%dma_start3A_1337, %dma_start3A_1339] : memref<4x200xi32, #tpu.memory_space<vmem>> -> memref<1x200xi32, #tpu.memory_space<vmem>>
      %dma_start3A_1341 = tpu.memref_squeeze %dma_start3A_1340 : memref<1x200xi32, #tpu.memory_space<vmem>> -> memref<200xi32, #tpu.memory_space<vmem>>
      %dma_start3A_1342 = arith.constant 0 : i32
      %dma_start3A_1343 = tpu.memref_slice %arg3[%add3A_1336, %dma_start3A_1342] : memref<4096x200xi32, #tpu.memory_space<hbm>> -> memref<1x200xi32, #tpu.memory_space<hbm>>
      %dma_start3A_1344 = tpu.memref_squeeze %dma_start3A_1343 : memref<1x200xi32, #tpu.memory_space<hbm>> -> memref<200xi32, #tpu.memory_space<hbm>>
      %dma_start3A_1345 = tpu.memref_slice %arg7[%dma_start3A_1338] : memref<4x!tpu.dma_semaphore, #tpu.memory_space<semaphore_mem>> -> memref<1x!tpu.dma_semaphore, #tpu.memory_space<semaphore_mem>>
      %dma_start3A_1346 = tpu.memref_squeeze %dma_start3A_1345 : memref<1x!tpu.dma_semaphore, #tpu.memory_space<semaphore_mem>> -> memref<!tpu.dma_semaphore, #tpu.memory_space<semaphore_mem>>
      %dma_start3A_1347 = arith.constant 0 : i32
      %dma_start3A_1348 = tpu.memref_slice %arg5[%dma_start3A_1337, %dma_start3A_1347] : memref<4x200xi32, #tpu.memory_space<vmem>> -> memref<1x200xi32, #tpu.memory_space<vmem>>
      %dma_start3A_1349 = tpu.memref_squeeze %dma_start3A_1348 : memref<1x200xi32, #tpu.memory_space<vmem>> -> memref<200xi32, #tpu.memory_space<vmem>>
      %dma_start3A_1350 = arith.constant 0 : i32
      %dma_start3A_1351 = tpu.memref_slice %arg3[%add3A_1336, %dma_start3A_1350] : memref<4096x200xi32, #tpu.memory_space<hbm>> -> memref<1x200xi32, #tpu.memory_space<hbm>>
      %dma_start3A_1352 = tpu.memref_squeeze %dma_start3A_1351 : memref<1x200xi32, #tpu.memory_space<hbm>> -> memref<200xi32, #tpu.memory_space<hbm>>
      tpu.enqueue_dma source(%dma_start3A_1352 : memref<200xi32, #tpu.memory_space<hbm>>) target(%dma_start3A_1349 : memref<200xi32, #tpu.memory_space<vmem>>) target_semaphore(%dma_start3A_1346 : memref<!tpu.dma_semaphore, #tpu.memory_space<semaphore_mem>>)
      %dma_wait3A_1353 = arith.constant 1 : i32
      %dma_wait3A_1354 = arith.constant 1 : i32
      %dma_wait3A_1355 = arith.constant 0 : i32
      %dma_wait3A_1356 = arith.constant 0 : i32
      %dma_wait3A_1357 = tpu.memref_slice %arg6[%dma_wait3A_1353, %dma_wait3A_1355, %dma_wait3A_1356] : memref<4x200x64xf32, #tpu.memory_space<vmem>> -> memref<1x200x64xf32, #tpu.memory_space<vmem>>
      %dma_wait3A_1358 = tpu.memref_squeeze %dma_wait3A_1357 : memref<1x200x64xf32, #tpu.memory_space<vmem>> -> memref<200x64xf32, #tpu.memory_space<vmem>>
      %dma_wait3A_1359 = arith.constant 0 : i32
      %dma_wait3A_1360 = arith.constant 0 : i32
      %dma_wait3A_1361 = tpu.memref_slice %arg4[%mul3A_2, %dma_wait3A_1359, %dma_wait3A_1360] : memref<4096x200x64xf32, #tpu.memory_space<hbm>> -> memref<1x200x64xf32, #tpu.memory_space<hbm>>
      %dma_wait3A_1362 = tpu.memref_squeeze %dma_wait3A_1361 : memref<1x200x64xf32, #tpu.memory_space<hbm>> -> memref<200x64xf32, #tpu.memory_space<hbm>>
      %dma_wait3A_1363 = tpu.memref_slice %arg8[%dma_wait3A_1354] : memref<4x!tpu.dma_semaphore, #tpu.memory_space<semaphore_mem>> -> memref<1x!tpu.dma_semaphore, #tpu.memory_space<semaphore_mem>>
      %dma_wait3A_1364 = tpu.memref_squeeze %dma_wait3A_1363 : memref<1x!tpu.dma_semaphore, #tpu.memory_space<semaphore_mem>> -> memref<!tpu.dma_semaphore, #tpu.memory_space<semaphore_mem>>
      %dma_wait3A_1365 = arith.constant 0 : i32
      %dma_wait3A_1366 = arith.constant 0 : i32
      %dma_wait3A_1367 = tpu.memref_slice %arg6[%dma_wait3A_1353, %dma_wait3A_1365, %dma_wait3A_1366] : memref<4x200x64xf32, #tpu.memory_space<vmem>> -> memref<1x200x64xf32, #tpu.memory_space<vmem>>
      %dma_wait3A_1368 = tpu.memref_squeeze %dma_wait3A_1367 : memref<1x200x64xf32, #tpu.memory_space<vmem>> -> memref<200x64xf32, #tpu.memory_space<vmem>>
      %dma_wait3A_1369 = arith.constant 0 : i32
      %dma_wait3A_1370 = arith.constant 0 : i32
      %dma_wait3A_1371 = tpu.memref_slice %arg4[%mul3A_2, %dma_wait3A_1369, %dma_wait3A_1370] : memref<4096x200x64xf32, #tpu.memory_space<hbm>> -> memref<1x200x64xf32, #tpu.memory_space<hbm>>
      %dma_wait3A_1372 = tpu.memref_squeeze %dma_wait3A_1371 : memref<1x200x64xf32, #tpu.memory_space<hbm>> -> memref<200x64xf32, #tpu.memory_space<hbm>>
      tpu.wait_dma2 semaphore(%dma_wait3A_1364 : memref<!tpu.dma_semaphore, #tpu.memory_space<semaphore_mem>>) src(%dma_wait3A_1372 : memref<200x64xf32, #tpu.memory_space<hbm>>) dst(%dma_wait3A_1368 : memref<200x64xf32, #tpu.memory_space<vmem>>)
      %add3A_1373 = arith.constant 1 : i32
      %add3A_1374 = arith.addi %mul3A_1016, %add3A_1373 : i32
      %add3A_1375 = arith.addi %mul3A_2, %add3A_1374 : i32
      %dma_start3A_1376 = arith.constant 1 : i32
      %dma_start3A_1377 = arith.constant 1 : i32
      %dma_start3A_1378 = arith.constant 0 : i32
      %dma_start3A_1379 = arith.constant 0 : i32
      %dma_start3A_1380 = tpu.memref_slice %arg6[%dma_start3A_1376, %dma_start3A_1378, %dma_start3A_1379] : memref<4x200x64xf32, #tpu.memory_space<vmem>> -> memref<1x200x64xf32, #tpu.memory_space<vmem>>
      %dma_start3A_1381 = tpu.memref_squeeze %dma_start3A_1380 : memref<1x200x64xf32, #tpu.memory_space<vmem>> -> memref<200x64xf32, #tpu.memory_space<vmem>>
      %dma_start3A_1382 = arith.constant 0 : i32
      %dma_start3A_1383 = arith.constant 0 : i32
      %dma_start3A_1384 = tpu.memref_slice %arg4[%add3A_1375, %dma_start3A_1382, %dma_start3A_1383] : memref<4096x200x64xf32, #tpu.memory_space<hbm>> -> memref<1x200x64xf32, #tpu.memory_space<hbm>>
      %dma_start3A_1385 = tpu.memref_squeeze %dma_start3A_1384 : memref<1x200x64xf32, #tpu.memory_space<hbm>> -> memref<200x64xf32, #tpu.memory_space<hbm>>
      %dma_start3A_1386 = tpu.memref_slice %arg9[%dma_start3A_1377] : memref<4x!tpu.dma_semaphore, #tpu.memory_space<semaphore_mem>> -> memref<1x!tpu.dma_semaphore, #tpu.memory_space<semaphore_mem>>
      %dma_start3A_1387 = tpu.memref_squeeze %dma_start3A_1386 : memref<1x!tpu.dma_semaphore, #tpu.memory_space<semaphore_mem>> -> memref<!tpu.dma_semaphore, #tpu.memory_space<semaphore_mem>>
      %dma_start3A_1388 = arith.constant 0 : i32
      %dma_start3A_1389 = arith.constant 0 : i32
      %dma_start3A_1390 = tpu.memref_slice %arg4[%add3A_1375, %dma_start3A_1388, %dma_start3A_1389] : memref<4096x200x64xf32, #tpu.memory_space<hbm>> -> memref<1x200x64xf32, #tpu.memory_space<hbm>>
      %dma_start3A_1391 = tpu.memref_squeeze %dma_start3A_1390 : memref<1x200x64xf32, #tpu.memory_space<hbm>> -> memref<200x64xf32, #tpu.memory_space<hbm>>
      %dma_start3A_1392 = arith.constant 0 : i32
      %dma_start3A_1393 = arith.constant 0 : i32
      %dma_start3A_1394 = tpu.memref_slice %arg6[%dma_start3A_1376, %dma_start3A_1392, %dma_start3A_1393] : memref<4x200x64xf32, #tpu.memory_space<vmem>> -> memref<1x200x64xf32, #tpu.memory_space<vmem>>
      %dma_start3A_1395 = tpu.memref_squeeze %dma_start3A_1394 : memref<1x200x64xf32, #tpu.memory_space<vmem>> -> memref<200x64xf32, #tpu.memory_space<vmem>>
      tpu.enqueue_dma source(%dma_start3A_1395 : memref<200x64xf32, #tpu.memory_space<vmem>>) target(%dma_start3A_1391 : memref<200x64xf32, #tpu.memory_space<hbm>>) target_semaphore(%dma_start3A_1387 : memref<!tpu.dma_semaphore, #tpu.memory_space<semaphore_mem>>)
      %add3A_1396 = arith.constant 4 : i32
      %add3A_1397 = arith.addi %mul3A_1016, %add3A_1396 : i32
      %add3A_1398 = arith.constant 1 : i32
      %add3A_1399 = arith.addi %add3A_1397, %add3A_1398 : i32
      %add3A_1400 = arith.addi %mul3A_2, %add3A_1399 : i32
      %dma_start3A_1401 = arith.constant 1 : i32
      %dma_start3A_1402 = arith.constant 1 : i32
      %dma_start3A_1403 = arith.constant 0 : i32
      %dma_start3A_1404 = tpu.memref_slice %arg5[%dma_start3A_1401, %dma_start3A_1403] : memref<4x200xi32, #tpu.memory_space<vmem>> -> memref<1x200xi32, #tpu.memory_space<vmem>>
      %dma_start3A_1405 = tpu.memref_squeeze %dma_start3A_1404 : memref<1x200xi32, #tpu.memory_space<vmem>> -> memref<200xi32, #tpu.memory_space<vmem>>
      %dma_start3A_1406 = arith.constant 0 : i32
      %dma_start3A_1407 = tpu.memref_slice %arg3[%add3A_1400, %dma_start3A_1406] : memref<4096x200xi32, #tpu.memory_space<hbm>> -> memref<1x200xi32, #tpu.memory_space<hbm>>
      %dma_start3A_1408 = tpu.memref_squeeze %dma_start3A_1407 : memref<1x200xi32, #tpu.memory_space<hbm>> -> memref<200xi32, #tpu.memory_space<hbm>>
      %dma_start3A_1409 = tpu.memref_slice %arg7[%dma_start3A_1402] : memref<4x!tpu.dma_semaphore, #tpu.memory_space<semaphore_mem>> -> memref<1x!tpu.dma_semaphore, #tpu.memory_space<semaphore_mem>>
      %dma_start3A_1410 = tpu.memref_squeeze %dma_start3A_1409 : memref<1x!tpu.dma_semaphore, #tpu.memory_space<semaphore_mem>> -> memref<!tpu.dma_semaphore, #tpu.memory_space<semaphore_mem>>
      %dma_start3A_1411 = arith.constant 0 : i32
      %dma_start3A_1412 = tpu.memref_slice %arg5[%dma_start3A_1401, %dma_start3A_1411] : memref<4x200xi32, #tpu.memory_space<vmem>> -> memref<1x200xi32, #tpu.memory_space<vmem>>
      %dma_start3A_1413 = tpu.memref_squeeze %dma_start3A_1412 : memref<1x200xi32, #tpu.memory_space<vmem>> -> memref<200xi32, #tpu.memory_space<vmem>>
      %dma_start3A_1414 = arith.constant 0 : i32
      %dma_start3A_1415 = tpu.memref_slice %arg3[%add3A_1400, %dma_start3A_1414] : memref<4096x200xi32, #tpu.memory_space<hbm>> -> memref<1x200xi32, #tpu.memory_space<hbm>>
      %dma_start3A_1416 = tpu.memref_squeeze %dma_start3A_1415 : memref<1x200xi32, #tpu.memory_space<hbm>> -> memref<200xi32, #tpu.memory_space<hbm>>
      tpu.enqueue_dma source(%dma_start3A_1416 : memref<200xi32, #tpu.memory_space<hbm>>) target(%dma_start3A_1413 : memref<200xi32, #tpu.memory_space<vmem>>) target_semaphore(%dma_start3A_1410 : memref<!tpu.dma_semaphore, #tpu.memory_space<semaphore_mem>>)
      %dma_wait3A_1417 = arith.constant 2 : i32
      %dma_wait3A_1418 = arith.constant 2 : i32
      %dma_wait3A_1419 = arith.constant 0 : i32
      %dma_wait3A_1420 = arith.constant 0 : i32
      %dma_wait3A_1421 = tpu.memref_slice %arg6[%dma_wait3A_1417, %dma_wait3A_1419, %dma_wait3A_1420] : memref<4x200x64xf32, #tpu.memory_space<vmem>> -> memref<1x200x64xf32, #tpu.memory_space<vmem>>
      %dma_wait3A_1422 = tpu.memref_squeeze %dma_wait3A_1421 : memref<1x200x64xf32, #tpu.memory_space<vmem>> -> memref<200x64xf32, #tpu.memory_space<vmem>>
      %dma_wait3A_1423 = arith.constant 0 : i32
      %dma_wait3A_1424 = arith.constant 0 : i32
      %dma_wait3A_1425 = tpu.memref_slice %arg4[%mul3A_2, %dma_wait3A_1423, %dma_wait3A_1424] : memref<4096x200x64xf32, #tpu.memory_space<hbm>> -> memref<1x200x64xf32, #tpu.memory_space<hbm>>
      %dma_wait3A_1426 = tpu.memref_squeeze %dma_wait3A_1425 : memref<1x200x64xf32, #tpu.memory_space<hbm>> -> memref<200x64xf32, #tpu.memory_space<hbm>>
      %dma_wait3A_1427 = tpu.memref_slice %arg8[%dma_wait3A_1418] : memref<4x!tpu.dma_semaphore, #tpu.memory_space<semaphore_mem>> -> memref<1x!tpu.dma_semaphore, #tpu.memory_space<semaphore_mem>>
      %dma_wait3A_1428 = tpu.memref_squeeze %dma_wait3A_1427 : memref<1x!tpu.dma_semaphore, #tpu.memory_space<semaphore_mem>> -> memref<!tpu.dma_semaphore, #tpu.memory_space<semaphore_mem>>
      %dma_wait3A_1429 = arith.constant 0 : i32
      %dma_wait3A_1430 = arith.constant 0 : i32
      %dma_wait3A_1431 = tpu.memref_slice %arg6[%dma_wait3A_1417, %dma_wait3A_1429, %dma_wait3A_1430] : memref<4x200x64xf32, #tpu.memory_space<vmem>> -> memref<1x200x64xf32, #tpu.memory_space<vmem>>
      %dma_wait3A_1432 = tpu.memref_squeeze %dma_wait3A_1431 : memref<1x200x64xf32, #tpu.memory_space<vmem>> -> memref<200x64xf32, #tpu.memory_space<vmem>>
      %dma_wait3A_1433 = arith.constant 0 : i32
      %dma_wait3A_1434 = arith.constant 0 : i32
      %dma_wait3A_1435 = tpu.memref_slice %arg4[%mul3A_2, %dma_wait3A_1433, %dma_wait3A_1434] : memref<4096x200x64xf32, #tpu.memory_space<hbm>> -> memref<1x200x64xf32, #tpu.memory_space<hbm>>
      %dma_wait3A_1436 = tpu.memref_squeeze %dma_wait3A_1435 : memref<1x200x64xf32, #tpu.memory_space<hbm>> -> memref<200x64xf32, #tpu.memory_space<hbm>>
      tpu.wait_dma2 semaphore(%dma_wait3A_1428 : memref<!tpu.dma_semaphore, #tpu.memory_space<semaphore_mem>>) src(%dma_wait3A_1436 : memref<200x64xf32, #tpu.memory_space<hbm>>) dst(%dma_wait3A_1432 : memref<200x64xf32, #tpu.memory_space<vmem>>)
      %add3A_1437 = arith.constant 2 : i32
      %add3A_1438 = arith.addi %mul3A_1016, %add3A_1437 : i32
      %add3A_1439 = arith.addi %mul3A_2, %add3A_1438 : i32
      %dma_start3A_1440 = arith.constant 2 : i32
      %dma_start3A_1441 = arith.constant 2 : i32
      %dma_start3A_1442 = arith.constant 0 : i32
      %dma_start3A_1443 = arith.constant 0 : i32
      %dma_start3A_1444 = tpu.memref_slice %arg6[%dma_start3A_1440, %dma_start3A_1442, %dma_start3A_1443] : memref<4x200x64xf32, #tpu.memory_space<vmem>> -> memref<1x200x64xf32, #tpu.memory_space<vmem>>
      %dma_start3A_1445 = tpu.memref_squeeze %dma_start3A_1444 : memref<1x200x64xf32, #tpu.memory_space<vmem>> -> memref<200x64xf32, #tpu.memory_space<vmem>>
      %dma_start3A_1446 = arith.constant 0 : i32
      %dma_start3A_1447 = arith.constant 0 : i32
      %dma_start3A_1448 = tpu.memref_slice %arg4[%add3A_1439, %dma_start3A_1446, %dma_start3A_1447] : memref<4096x200x64xf32, #tpu.memory_space<hbm>> -> memref<1x200x64xf32, #tpu.memory_space<hbm>>
      %dma_start3A_1449 = tpu.memref_squeeze %dma_start3A_1448 : memref<1x200x64xf32, #tpu.memory_space<hbm>> -> memref<200x64xf32, #tpu.memory_space<hbm>>
      %dma_start3A_1450 = tpu.memref_slice %arg9[%dma_start3A_1441] : memref<4x!tpu.dma_semaphore, #tpu.memory_space<semaphore_mem>> -> memref<1x!tpu.dma_semaphore, #tpu.memory_space<semaphore_mem>>
      %dma_start3A_1451 = tpu.memref_squeeze %dma_start3A_1450 : memref<1x!tpu.dma_semaphore, #tpu.memory_space<semaphore_mem>> -> memref<!tpu.dma_semaphore, #tpu.memory_space<semaphore_mem>>
      %dma_start3A_1452 = arith.constant 0 : i32
      %dma_start3A_1453 = arith.constant 0 : i32
      %dma_start3A_1454 = tpu.memref_slice %arg4[%add3A_1439, %dma_start3A_1452, %dma_start3A_1453] : memref<4096x200x64xf32, #tpu.memory_space<hbm>> -> memref<1x200x64xf32, #tpu.memory_space<hbm>>
      %dma_start3A_1455 = tpu.memref_squeeze %dma_start3A_1454 : memref<1x200x64xf32, #tpu.memory_space<hbm>> -> memref<200x64xf32, #tpu.memory_space<hbm>>
      %dma_start3A_1456 = arith.constant 0 : i32
      %dma_start3A_1457 = arith.constant 0 : i32
      %dma_start3A_1458 = tpu.memref_slice %arg6[%dma_start3A_1440, %dma_start3A_1456, %dma_start3A_1457] : memref<4x200x64xf32, #tpu.memory_space<vmem>> -> memref<1x200x64xf32, #tpu.memory_space<vmem>>
      %dma_start3A_1459 = tpu.memref_squeeze %dma_start3A_1458 : memref<1x200x64xf32, #tpu.memory_space<vmem>> -> memref<200x64xf32, #tpu.memory_space<vmem>>
      tpu.enqueue_dma source(%dma_start3A_1459 : memref<200x64xf32, #tpu.memory_space<vmem>>) target(%dma_start3A_1455 : memref<200x64xf32, #tpu.memory_space<hbm>>) target_semaphore(%dma_start3A_1451 : memref<!tpu.dma_semaphore, #tpu.memory_space<semaphore_mem>>)
      %add3A_1460 = arith.constant 4 : i32
      %add3A_1461 = arith.addi %mul3A_1016, %add3A_1460 : i32
      %add3A_1462 = arith.constant 2 : i32
      %add3A_1463 = arith.addi %add3A_1461, %add3A_1462 : i32
      %add3A_1464 = arith.addi %mul3A_2, %add3A_1463 : i32
      %dma_start3A_1465 = arith.constant 2 : i32
      %dma_start3A_1466 = arith.constant 2 : i32
      %dma_start3A_1467 = arith.constant 0 : i32
      %dma_start3A_1468 = tpu.memref_slice %arg5[%dma_start3A_1465, %dma_start3A_1467] : memref<4x200xi32, #tpu.memory_space<vmem>> -> memref<1x200xi32, #tpu.memory_space<vmem>>
      %dma_start3A_1469 = tpu.memref_squeeze %dma_start3A_1468 : memref<1x200xi32, #tpu.memory_space<vmem>> -> memref<200xi32, #tpu.memory_space<vmem>>
      %dma_start3A_1470 = arith.constant 0 : i32
      %dma_start3A_1471 = tpu.memref_slice %arg3[%add3A_1464, %dma_start3A_1470] : memref<4096x200xi32, #tpu.memory_space<hbm>> -> memref<1x200xi32, #tpu.memory_space<hbm>>
      %dma_start3A_1472 = tpu.memref_squeeze %dma_start3A_1471 : memref<1x200xi32, #tpu.memory_space<hbm>> -> memref<200xi32, #tpu.memory_space<hbm>>
      %dma_start3A_1473 = tpu.memref_slice %arg7[%dma_start3A_1466] : memref<4x!tpu.dma_semaphore, #tpu.memory_space<semaphore_mem>> -> memref<1x!tpu.dma_semaphore, #tpu.memory_space<semaphore_mem>>
      %dma_start3A_1474 = tpu.memref_squeeze %dma_start3A_1473 : memref<1x!tpu.dma_semaphore, #tpu.memory_space<semaphore_mem>> -> memref<!tpu.dma_semaphore, #tpu.memory_space<semaphore_mem>>
      %dma_start3A_1475 = arith.constant 0 : i32
      %dma_start3A_1476 = tpu.memref_slice %arg5[%dma_start3A_1465, %dma_start3A_1475] : memref<4x200xi32, #tpu.memory_space<vmem>> -> memref<1x200xi32, #tpu.memory_space<vmem>>
      %dma_start3A_1477 = tpu.memref_squeeze %dma_start3A_1476 : memref<1x200xi32, #tpu.memory_space<vmem>> -> memref<200xi32, #tpu.memory_space<vmem>>
      %dma_start3A_1478 = arith.constant 0 : i32
      %dma_start3A_1479 = tpu.memref_slice %arg3[%add3A_1464, %dma_start3A_1478] : memref<4096x200xi32, #tpu.memory_space<hbm>> -> memref<1x200xi32, #tpu.memory_space<hbm>>
      %dma_start3A_1480 = tpu.memref_squeeze %dma_start3A_1479 : memref<1x200xi32, #tpu.memory_space<hbm>> -> memref<200xi32, #tpu.memory_space<hbm>>
      tpu.enqueue_dma source(%dma_start3A_1480 : memref<200xi32, #tpu.memory_space<hbm>>) target(%dma_start3A_1477 : memref<200xi32, #tpu.memory_space<vmem>>) target_semaphore(%dma_start3A_1474 : memref<!tpu.dma_semaphore, #tpu.memory_space<semaphore_mem>>)
      %dma_wait3A_1481 = arith.constant 3 : i32
      %dma_wait3A_1482 = arith.constant 3 : i32
      %dma_wait3A_1483 = arith.constant 0 : i32
      %dma_wait3A_1484 = arith.constant 0 : i32
      %dma_wait3A_1485 = tpu.memref_slice %arg6[%dma_wait3A_1481, %dma_wait3A_1483, %dma_wait3A_1484] : memref<4x200x64xf32, #tpu.memory_space<vmem>> -> memref<1x200x64xf32, #tpu.memory_space<vmem>>
      %dma_wait3A_1486 = tpu.memref_squeeze %dma_wait3A_1485 : memref<1x200x64xf32, #tpu.memory_space<vmem>> -> memref<200x64xf32, #tpu.memory_space<vmem>>
      %dma_wait3A_1487 = arith.constant 0 : i32
      %dma_wait3A_1488 = arith.constant 0 : i32
      %dma_wait3A_1489 = tpu.memref_slice %arg4[%mul3A_2, %dma_wait3A_1487, %dma_wait3A_1488] : memref<4096x200x64xf32, #tpu.memory_space<hbm>> -> memref<1x200x64xf32, #tpu.memory_space<hbm>>
      %dma_wait3A_1490 = tpu.memref_squeeze %dma_wait3A_1489 : memref<1x200x64xf32, #tpu.memory_space<hbm>> -> memref<200x64xf32, #tpu.memory_space<hbm>>
      %dma_wait3A_1491 = tpu.memref_slice %arg8[%dma_wait3A_1482] : memref<4x!tpu.dma_semaphore, #tpu.memory_space<semaphore_mem>> -> memref<1x!tpu.dma_semaphore, #tpu.memory_space<semaphore_mem>>
      %dma_wait3A_1492 = tpu.memref_squeeze %dma_wait3A_1491 : memref<1x!tpu.dma_semaphore, #tpu.memory_space<semaphore_mem>> -> memref<!tpu.dma_semaphore, #tpu.memory_space<semaphore_mem>>
      %dma_wait3A_1493 = arith.constant 0 : i32
      %dma_wait3A_1494 = arith.constant 0 : i32
      %dma_wait3A_1495 = tpu.memref_slice %arg6[%dma_wait3A_1481, %dma_wait3A_1493, %dma_wait3A_1494] : memref<4x200x64xf32, #tpu.memory_space<vmem>> -> memref<1x200x64xf32, #tpu.memory_space<vmem>>
      %dma_wait3A_1496 = tpu.memref_squeeze %dma_wait3A_1495 : memref<1x200x64xf32, #tpu.memory_space<vmem>> -> memref<200x64xf32, #tpu.memory_space<vmem>>
      %dma_wait3A_1497 = arith.constant 0 : i32
      %dma_wait3A_1498 = arith.constant 0 : i32
      %dma_wait3A_1499 = tpu.memref_slice %arg4[%mul3A_2, %dma_wait3A_1497, %dma_wait3A_1498] : memref<4096x200x64xf32, #tpu.memory_space<hbm>> -> memref<1x200x64xf32, #tpu.memory_space<hbm>>
      %dma_wait3A_1500 = tpu.memref_squeeze %dma_wait3A_1499 : memref<1x200x64xf32, #tpu.memory_space<hbm>> -> memref<200x64xf32, #tpu.memory_space<hbm>>
      tpu.wait_dma2 semaphore(%dma_wait3A_1492 : memref<!tpu.dma_semaphore, #tpu.memory_space<semaphore_mem>>) src(%dma_wait3A_1500 : memref<200x64xf32, #tpu.memory_space<hbm>>) dst(%dma_wait3A_1496 : memref<200x64xf32, #tpu.memory_space<vmem>>)
      %add3A_1501 = arith.constant 3 : i32
      %add3A_1502 = arith.addi %mul3A_1016, %add3A_1501 : i32
      %add3A_1503 = arith.addi %mul3A_2, %add3A_1502 : i32
      %dma_start3A_1504 = arith.constant 3 : i32
      %dma_start3A_1505 = arith.constant 3 : i32
      %dma_start3A_1506 = arith.constant 0 : i32
      %dma_start3A_1507 = arith.constant 0 : i32
      %dma_start3A_1508 = tpu.memref_slice %arg6[%dma_start3A_1504, %dma_start3A_1506, %dma_start3A_1507] : memref<4x200x64xf32, #tpu.memory_space<vmem>> -> memref<1x200x64xf32, #tpu.memory_space<vmem>>
      %dma_start3A_1509 = tpu.memref_squeeze %dma_start3A_1508 : memref<1x200x64xf32, #tpu.memory_space<vmem>> -> memref<200x64xf32, #tpu.memory_space<vmem>>
      %dma_start3A_1510 = arith.constant 0 : i32
      %dma_start3A_1511 = arith.constant 0 : i32
      %dma_start3A_1512 = tpu.memref_slice %arg4[%add3A_1503, %dma_start3A_1510, %dma_start3A_1511] : memref<4096x200x64xf32, #tpu.memory_space<hbm>> -> memref<1x200x64xf32, #tpu.memory_space<hbm>>
      %dma_start3A_1513 = tpu.memref_squeeze %dma_start3A_1512 : memref<1x200x64xf32, #tpu.memory_space<hbm>> -> memref<200x64xf32, #tpu.memory_space<hbm>>
      %dma_start3A_1514 = tpu.memref_slice %arg9[%dma_start3A_1505] : memref<4x!tpu.dma_semaphore, #tpu.memory_space<semaphore_mem>> -> memref<1x!tpu.dma_semaphore, #tpu.memory_space<semaphore_mem>>
      %dma_start3A_1515 = tpu.memref_squeeze %dma_start3A_1514 : memref<1x!tpu.dma_semaphore, #tpu.memory_space<semaphore_mem>> -> memref<!tpu.dma_semaphore, #tpu.memory_space<semaphore_mem>>
      %dma_start3A_1516 = arith.constant 0 : i32
      %dma_start3A_1517 = arith.constant 0 : i32
      %dma_start3A_1518 = tpu.memref_slice %arg4[%add3A_1503, %dma_start3A_1516, %dma_start3A_1517] : memref<4096x200x64xf32, #tpu.memory_space<hbm>> -> memref<1x200x64xf32, #tpu.memory_space<hbm>>
      %dma_start3A_1519 = tpu.memref_squeeze %dma_start3A_1518 : memref<1x200x64xf32, #tpu.memory_space<hbm>> -> memref<200x64xf32, #tpu.memory_space<hbm>>
      %dma_start3A_1520 = arith.constant 0 : i32
      %dma_start3A_1521 = arith.constant 0 : i32
      %dma_start3A_1522 = tpu.memref_slice %arg6[%dma_start3A_1504, %dma_start3A_1520, %dma_start3A_1521] : memref<4x200x64xf32, #tpu.memory_space<vmem>> -> memref<1x200x64xf32, #tpu.memory_space<vmem>>
      %dma_start3A_1523 = tpu.memref_squeeze %dma_start3A_1522 : memref<1x200x64xf32, #tpu.memory_space<vmem>> -> memref<200x64xf32, #tpu.memory_space<vmem>>
      tpu.enqueue_dma source(%dma_start3A_1523 : memref<200x64xf32, #tpu.memory_space<vmem>>) target(%dma_start3A_1519 : memref<200x64xf32, #tpu.memory_space<hbm>>) target_semaphore(%dma_start3A_1515 : memref<!tpu.dma_semaphore, #tpu.memory_space<semaphore_mem>>)
      %add3A_1524 = arith.constant 4 : i32
      %add3A_1525 = arith.addi %mul3A_1016, %add3A_1524 : i32
      %add3A_1526 = arith.constant 3 : i32
      %add3A_1527 = arith.addi %add3A_1525, %add3A_1526 : i32
      %add3A_1528 = arith.addi %mul3A_2, %add3A_1527 : i32
      %dma_start3A_1529 = arith.constant 3 : i32
      %dma_start3A_1530 = arith.constant 3 : i32
      %dma_start3A_1531 = arith.constant 0 : i32
      %dma_start3A_1532 = tpu.memref_slice %arg5[%dma_start3A_1529, %dma_start3A_1531] : memref<4x200xi32, #tpu.memory_space<vmem>> -> memref<1x200xi32, #tpu.memory_space<vmem>>
      %dma_start3A_1533 = tpu.memref_squeeze %dma_start3A_1532 : memref<1x200xi32, #tpu.memory_space<vmem>> -> memref<200xi32, #tpu.memory_space<vmem>>
      %dma_start3A_1534 = arith.constant 0 : i32
      %dma_start3A_1535 = tpu.memref_slice %arg3[%add3A_1528, %dma_start3A_1534] : memref<4096x200xi32, #tpu.memory_space<hbm>> -> memref<1x200xi32, #tpu.memory_space<hbm>>
      %dma_start3A_1536 = tpu.memref_squeeze %dma_start3A_1535 : memref<1x200xi32, #tpu.memory_space<hbm>> -> memref<200xi32, #tpu.memory_space<hbm>>
      %dma_start3A_1537 = tpu.memref_slice %arg7[%dma_start3A_1530] : memref<4x!tpu.dma_semaphore, #tpu.memory_space<semaphore_mem>> -> memref<1x!tpu.dma_semaphore, #tpu.memory_space<semaphore_mem>>
      %dma_start3A_1538 = tpu.memref_squeeze %dma_start3A_1537 : memref<1x!tpu.dma_semaphore, #tpu.memory_space<semaphore_mem>> -> memref<!tpu.dma_semaphore, #tpu.memory_space<semaphore_mem>>
      %dma_start3A_1539 = arith.constant 0 : i32
      %dma_start3A_1540 = tpu.memref_slice %arg5[%dma_start3A_1529, %dma_start3A_1539] : memref<4x200xi32, #tpu.memory_space<vmem>> -> memref<1x200xi32, #tpu.memory_space<vmem>>
      %dma_start3A_1541 = tpu.memref_squeeze %dma_start3A_1540 : memref<1x200xi32, #tpu.memory_space<vmem>> -> memref<200xi32, #tpu.memory_space<vmem>>
      %dma_start3A_1542 = arith.constant 0 : i32
      %dma_start3A_1543 = tpu.memref_slice %arg3[%add3A_1528, %dma_start3A_1542] : memref<4096x200xi32, #tpu.memory_space<hbm>> -> memref<1x200xi32, #tpu.memory_space<hbm>>
      %dma_start3A_1544 = tpu.memref_squeeze %dma_start3A_1543 : memref<1x200xi32, #tpu.memory_space<hbm>> -> memref<200xi32, #tpu.memory_space<hbm>>
      tpu.enqueue_dma source(%dma_start3A_1544 : memref<200xi32, #tpu.memory_space<hbm>>) target(%dma_start3A_1541 : memref<200xi32, #tpu.memory_space<vmem>>) target_semaphore(%dma_start3A_1538 : memref<!tpu.dma_semaphore, #tpu.memory_space<semaphore_mem>>)
    }
    %scan3A_501 = arith.constant 30 : i32
    %dma_wait3A_502 = arith.constant 0 : i32
    %dma_wait3A_503 = arith.constant 0 : i32
    %dma_wait3A_504 = arith.constant 0 : i32
    %dma_wait3A_505 = tpu.memref_slice %arg5[%dma_wait3A_502, %dma_wait3A_504] : memref<4x200xi32, #tpu.memory_space<vmem>> -> memref<1x200xi32, #tpu.memory_space<vmem>>
    %dma_wait3A_506 = tpu.memref_squeeze %dma_wait3A_505 : memref<1x200xi32, #tpu.memory_space<vmem>> -> memref<200xi32, #tpu.memory_space<vmem>>
    %dma_wait3A_507 = arith.constant 0 : i32
    %dma_wait3A_508 = tpu.memref_slice %arg3[%mul3A_2, %dma_wait3A_507] : memref<4096x200xi32, #tpu.memory_space<hbm>> -> memref<1x200xi32, #tpu.memory_space<hbm>>
    %dma_wait3A_509 = tpu.memref_squeeze %dma_wait3A_508 : memref<1x200xi32, #tpu.memory_space<hbm>> -> memref<200xi32, #tpu.memory_space<hbm>>
    %dma_wait3A_510 = tpu.memref_slice %arg7[%dma_wait3A_503] : memref<4x!tpu.dma_semaphore, #tpu.memory_space<semaphore_mem>> -> memref<1x!tpu.dma_semaphore, #tpu.memory_space<semaphore_mem>>
    %dma_wait3A_511 = tpu.memref_squeeze %dma_wait3A_510 : memref<1x!tpu.dma_semaphore, #tpu.memory_space<semaphore_mem>> -> memref<!tpu.dma_semaphore, #tpu.memory_space<semaphore_mem>>
    %dma_wait3A_512 = arith.constant 0 : i32
    %dma_wait3A_513 = tpu.memref_slice %arg5[%dma_wait3A_502, %dma_wait3A_512] : memref<4x200xi32, #tpu.memory_space<vmem>> -> memref<1x200xi32, #tpu.memory_space<vmem>>
    %dma_wait3A_514 = tpu.memref_squeeze %dma_wait3A_513 : memref<1x200xi32, #tpu.memory_space<vmem>> -> memref<200xi32, #tpu.memory_space<vmem>>
    %dma_wait3A_515 = arith.constant 0 : i32
    %dma_wait3A_516 = tpu.memref_slice %arg3[%mul3A_2, %dma_wait3A_515] : memref<4096x200xi32, #tpu.memory_space<hbm>> -> memref<1x200xi32, #tpu.memory_space<hbm>>
    %dma_wait3A_517 = tpu.memref_squeeze %dma_wait3A_516 : memref<1x200xi32, #tpu.memory_space<hbm>> -> memref<200xi32, #tpu.memory_space<hbm>>
    tpu.wait_dma2 semaphore(%dma_wait3A_511 : memref<!tpu.dma_semaphore, #tpu.memory_space<semaphore_mem>>) src(%dma_wait3A_517 : memref<200xi32, #tpu.memory_space<hbm>>) dst(%dma_wait3A_514 : memref<200xi32, #tpu.memory_space<vmem>>)
    %dma_wait3A_518 = arith.constant 0 : i32
    %dma_wait3A_519 = arith.constant 0 : i32
    %dma_wait3A_520 = arith.constant 0 : i32
    %dma_wait3A_521 = arith.constant 0 : i32
    %dma_wait3A_522 = tpu.memref_slice %arg6[%dma_wait3A_518, %dma_wait3A_520, %dma_wait3A_521] : memref<4x200x64xf32, #tpu.memory_space<vmem>> -> memref<1x200x64xf32, #tpu.memory_space<vmem>>
    %dma_wait3A_523 = tpu.memref_squeeze %dma_wait3A_522 : memref<1x200x64xf32, #tpu.memory_space<vmem>> -> memref<200x64xf32, #tpu.memory_space<vmem>>
    %dma_wait3A_524 = arith.constant 0 : i32
    %dma_wait3A_525 = arith.constant 0 : i32
    %dma_wait3A_526 = tpu.memref_slice %arg4[%mul3A_2, %dma_wait3A_524, %dma_wait3A_525] : memref<4096x200x64xf32, #tpu.memory_space<hbm>> -> memref<1x200x64xf32, #tpu.memory_space<hbm>>
    %dma_wait3A_527 = tpu.memref_squeeze %dma_wait3A_526 : memref<1x200x64xf32, #tpu.memory_space<hbm>> -> memref<200x64xf32, #tpu.memory_space<hbm>>
    %dma_wait3A_528 = tpu.memref_slice %arg9[%dma_wait3A_519] : memref<4x!tpu.dma_semaphore, #tpu.memory_space<semaphore_mem>> -> memref<1x!tpu.dma_semaphore, #tpu.memory_space<semaphore_mem>>
    %dma_wait3A_529 = tpu.memref_squeeze %dma_wait3A_528 : memref<1x!tpu.dma_semaphore, #tpu.memory_space<semaphore_mem>> -> memref<!tpu.dma_semaphore, #tpu.memory_space<semaphore_mem>>
    %dma_wait3A_530 = arith.constant 0 : i32
    %dma_wait3A_531 = arith.constant 0 : i32
    %dma_wait3A_532 = tpu.memref_slice %arg4[%mul3A_2, %dma_wait3A_530, %dma_wait3A_531] : memref<4096x200x64xf32, #tpu.memory_space<hbm>> -> memref<1x200x64xf32, #tpu.memory_space<hbm>>
    %dma_wait3A_533 = tpu.memref_squeeze %dma_wait3A_532 : memref<1x200x64xf32, #tpu.memory_space<hbm>> -> memref<200x64xf32, #tpu.memory_space<hbm>>
    %dma_wait3A_534 = arith.constant 0 : i32
    %dma_wait3A_535 = arith.constant 0 : i32
    %dma_wait3A_536 = tpu.memref_slice %arg6[%dma_wait3A_518, %dma_wait3A_534, %dma_wait3A_535] : memref<4x200x64xf32, #tpu.memory_space<vmem>> -> memref<1x200x64xf32, #tpu.memory_space<vmem>>
    %dma_wait3A_537 = tpu.memref_squeeze %dma_wait3A_536 : memref<1x200x64xf32, #tpu.memory_space<vmem>> -> memref<200x64xf32, #tpu.memory_space<vmem>>
    tpu.wait_dma2 semaphore(%dma_wait3A_529 : memref<!tpu.dma_semaphore, #tpu.memory_space<semaphore_mem>>) src(%dma_wait3A_537 : memref<200x64xf32, #tpu.memory_space<vmem>>) dst(%dma_wait3A_533 : memref<200x64xf32, #tpu.memory_space<hbm>>)
    %dma_start3A_538 = arith.constant 0 : i32
    %dma_start3A_539 = arith.constant 0 : i32
    %dma_start3A_540 = arith.constant 0 : i32
    %dma_start3A_541 = arith.constant 0 : i32
    %dma_start3A_542 = arith.constant 0 : i32
    %dma_start3A_543 = tpu.memref_slice %arg6[%dma_start3A_539, %dma_start3A_541, %dma_start3A_542] : memref<4x200x64xf32, #tpu.memory_space<vmem>> -> memref<1x128x64xf32, #tpu.memory_space<vmem>>
    %dma_start3A_544 = tpu.memref_squeeze %dma_start3A_543 : memref<1x128x64xf32, #tpu.memory_space<vmem>> -> memref<128x64xf32, #tpu.memory_space<vmem>>
    %dma_start3A_545 = arith.constant 0 : i32
    %dma_start3A_546 = tpu.memref_slice %arg5[%dma_start3A_538, %dma_start3A_545] : memref<4x200xi32, #tpu.memory_space<vmem>> -> memref<1x128xi32, #tpu.memory_space<vmem>>
    %dma_start3A_547 = tpu.memref_squeeze %dma_start3A_546 : memref<1x128xi32, #tpu.memory_space<vmem>> -> memref<128xi32, #tpu.memory_space<vmem>>
    %dma_start3A_548 = arith.constant 0 : i32
    %dma_start3A_549 = arith.constant 0 : i32
    %dma_start3A_550 = tpu.memref_slice %arg2[%dma_start3A_548, %dma_start3A_549] : memref<1000000x64xf32, #tpu.memory_space<hbm>> -> memref<1000000x64xf32, #tpu.memory_space<hbm>>
    %dma_start3A_551 = tpu.memref_slice %arg8[%dma_start3A_540] : memref<4x!tpu.dma_semaphore, #tpu.memory_space<semaphore_mem>> -> memref<1x!tpu.dma_semaphore, #tpu.memory_space<semaphore_mem>>
    %dma_start3A_552 = tpu.memref_squeeze %dma_start3A_551 : memref<1x!tpu.dma_semaphore, #tpu.memory_space<semaphore_mem>> -> memref<!tpu.dma_semaphore, #tpu.memory_space<semaphore_mem>>
    tpu.enqueue_indirect_dma source(%dma_start3A_550 : memref<1000000x64xf32, #tpu.memory_space<hbm>>) target(%dma_start3A_544 : memref<128x64xf32, #tpu.memory_space<vmem>>) offsets(%dma_start3A_547 : memref<128xi32, #tpu.memory_space<vmem>>) semaphore(%dma_start3A_552 : memref<!tpu.dma_semaphore, #tpu.memory_space<semaphore_mem>>)
    %dma_start3A_553 = arith.constant 0 : i32
    %dma_start3A_554 = arith.constant 0 : i32
    %dma_start3A_555 = arith.constant 0 : i32
    %dma_start3A_556 = arith.constant 128 : i32
    %dma_start3A_557 = arith.constant 0 : i32
    %dma_start3A_558 = tpu.memref_slice %arg6[%dma_start3A_554, %dma_start3A_556, %dma_start3A_557] : memref<4x200x64xf32, #tpu.memory_space<vmem>> -> memref<1x72x64xf32, #tpu.memory_space<vmem>>
    %dma_start3A_559 = tpu.memref_squeeze %dma_start3A_558 : memref<1x72x64xf32, #tpu.memory_space<vmem>> -> memref<72x64xf32, #tpu.memory_space<vmem>>
    %dma_start3A_560 = arith.constant 128 : i32
    %dma_start3A_561 = tpu.memref_slice %arg5[%dma_start3A_553, %dma_start3A_560] : memref<4x200xi32, #tpu.memory_space<vmem>> -> memref<1x72xi32, #tpu.memory_space<vmem>>
    %dma_start3A_562 = tpu.memref_squeeze %dma_start3A_561 : memref<1x72xi32, #tpu.memory_space<vmem>> -> memref<72xi32, #tpu.memory_space<vmem>>
    %dma_start3A_563 = arith.constant 0 : i32
    %dma_start3A_564 = arith.constant 0 : i32
    %dma_start3A_565 = tpu.memref_slice %arg2[%dma_start3A_563, %dma_start3A_564] : memref<1000000x64xf32, #tpu.memory_space<hbm>> -> memref<1000000x64xf32, #tpu.memory_space<hbm>>
    %dma_start3A_566 = tpu.memref_slice %arg8[%dma_start3A_555] : memref<4x!tpu.dma_semaphore, #tpu.memory_space<semaphore_mem>> -> memref<1x!tpu.dma_semaphore, #tpu.memory_space<semaphore_mem>>
    %dma_start3A_567 = tpu.memref_squeeze %dma_start3A_566 : memref<1x!tpu.dma_semaphore, #tpu.memory_space<semaphore_mem>> -> memref<!tpu.dma_semaphore, #tpu.memory_space<semaphore_mem>>
    tpu.enqueue_indirect_dma source(%dma_start3A_565 : memref<1000000x64xf32, #tpu.memory_space<hbm>>) target(%dma_start3A_559 : memref<72x64xf32, #tpu.memory_space<vmem>>) offsets(%dma_start3A_562 : memref<72xi32, #tpu.memory_space<vmem>>) semaphore(%dma_start3A_567 : memref<!tpu.dma_semaphore, #tpu.memory_space<semaphore_mem>>)
    %dma_wait3A_568 = arith.constant 1 : i32
    %dma_wait3A_569 = arith.constant 1 : i32
    %dma_wait3A_570 = arith.constant 0 : i32
    %dma_wait3A_571 = tpu.memref_slice %arg5[%dma_wait3A_568, %dma_wait3A_570] : memref<4x200xi32, #tpu.memory_space<vmem>> -> memref<1x200xi32, #tpu.memory_space<vmem>>
    %dma_wait3A_572 = tpu.memref_squeeze %dma_wait3A_571 : memref<1x200xi32, #tpu.memory_space<vmem>> -> memref<200xi32, #tpu.memory_space<vmem>>
    %dma_wait3A_573 = arith.constant 0 : i32
    %dma_wait3A_574 = tpu.memref_slice %arg3[%mul3A_2, %dma_wait3A_573] : memref<4096x200xi32, #tpu.memory_space<hbm>> -> memref<1x200xi32, #tpu.memory_space<hbm>>
    %dma_wait3A_575 = tpu.memref_squeeze %dma_wait3A_574 : memref<1x200xi32, #tpu.memory_space<hbm>> -> memref<200xi32, #tpu.memory_space<hbm>>
    %dma_wait3A_576 = tpu.memref_slice %arg7[%dma_wait3A_569] : memref<4x!tpu.dma_semaphore, #tpu.memory_space<semaphore_mem>> -> memref<1x!tpu.dma_semaphore, #tpu.memory_space<semaphore_mem>>
    %dma_wait3A_577 = tpu.memref_squeeze %dma_wait3A_576 : memref<1x!tpu.dma_semaphore, #tpu.memory_space<semaphore_mem>> -> memref<!tpu.dma_semaphore, #tpu.memory_space<semaphore_mem>>
    %dma_wait3A_578 = arith.constant 0 : i32
    %dma_wait3A_579 = tpu.memref_slice %arg5[%dma_wait3A_568, %dma_wait3A_578] : memref<4x200xi32, #tpu.memory_space<vmem>> -> memref<1x200xi32, #tpu.memory_space<vmem>>
    %dma_wait3A_580 = tpu.memref_squeeze %dma_wait3A_579 : memref<1x200xi32, #tpu.memory_space<vmem>> -> memref<200xi32, #tpu.memory_space<vmem>>
    %dma_wait3A_581 = arith.constant 0 : i32
    %dma_wait3A_582 = tpu.memref_slice %arg3[%mul3A_2, %dma_wait3A_581] : memref<4096x200xi32, #tpu.memory_space<hbm>> -> memref<1x200xi32, #tpu.memory_space<hbm>>
    %dma_wait3A_583 = tpu.memref_squeeze %dma_wait3A_582 : memref<1x200xi32, #tpu.memory_space<hbm>> -> memref<200xi32, #tpu.memory_space<hbm>>
    tpu.wait_dma2 semaphore(%dma_wait3A_577 : memref<!tpu.dma_semaphore, #tpu.memory_space<semaphore_mem>>) src(%dma_wait3A_583 : memref<200xi32, #tpu.memory_space<hbm>>) dst(%dma_wait3A_580 : memref<200xi32, #tpu.memory_space<vmem>>)
    %dma_wait3A_584 = arith.constant 1 : i32
    %dma_wait3A_585 = arith.constant 1 : i32
    %dma_wait3A_586 = arith.constant 0 : i32
    %dma_wait3A_587 = arith.constant 0 : i32
    %dma_wait3A_588 = tpu.memref_slice %arg6[%dma_wait3A_584, %dma_wait3A_586, %dma_wait3A_587] : memref<4x200x64xf32, #tpu.memory_space<vmem>> -> memref<1x200x64xf32, #tpu.memory_space<vmem>>
    %dma_wait3A_589 = tpu.memref_squeeze %dma_wait3A_588 : memref<1x200x64xf32, #tpu.memory_space<vmem>> -> memref<200x64xf32, #tpu.memory_space<vmem>>
    %dma_wait3A_590 = arith.constant 0 : i32
    %dma_wait3A_591 = arith.constant 0 : i32
    %dma_wait3A_592 = tpu.memref_slice %arg4[%mul3A_2, %dma_wait3A_590, %dma_wait3A_591] : memref<4096x200x64xf32, #tpu.memory_space<hbm>> -> memref<1x200x64xf32, #tpu.memory_space<hbm>>
    %dma_wait3A_593 = tpu.memref_squeeze %dma_wait3A_592 : memref<1x200x64xf32, #tpu.memory_space<hbm>> -> memref<200x64xf32, #tpu.memory_space<hbm>>
    %dma_wait3A_594 = tpu.memref_slice %arg9[%dma_wait3A_585] : memref<4x!tpu.dma_semaphore, #tpu.memory_space<semaphore_mem>> -> memref<1x!tpu.dma_semaphore, #tpu.memory_space<semaphore_mem>>
    %dma_wait3A_595 = tpu.memref_squeeze %dma_wait3A_594 : memref<1x!tpu.dma_semaphore, #tpu.memory_space<semaphore_mem>> -> memref<!tpu.dma_semaphore, #tpu.memory_space<semaphore_mem>>
    %dma_wait3A_596 = arith.constant 0 : i32
    %dma_wait3A_597 = arith.constant 0 : i32
    %dma_wait3A_598 = tpu.memref_slice %arg4[%mul3A_2, %dma_wait3A_596, %dma_wait3A_597] : memref<4096x200x64xf32, #tpu.memory_space<hbm>> -> memref<1x200x64xf32, #tpu.memory_space<hbm>>
    %dma_wait3A_599 = tpu.memref_squeeze %dma_wait3A_598 : memref<1x200x64xf32, #tpu.memory_space<hbm>> -> memref<200x64xf32, #tpu.memory_space<hbm>>
    %dma_wait3A_600 = arith.constant 0 : i32
    %dma_wait3A_601 = arith.constant 0 : i32
    %dma_wait3A_602 = tpu.memref_slice %arg6[%dma_wait3A_584, %dma_wait3A_600, %dma_wait3A_601] : memref<4x200x64xf32, #tpu.memory_space<vmem>> -> memref<1x200x64xf32, #tpu.memory_space<vmem>>
    %dma_wait3A_603 = tpu.memref_squeeze %dma_wait3A_602 : memref<1x200x64xf32, #tpu.memory_space<vmem>> -> memref<200x64xf32, #tpu.memory_space<vmem>>
    tpu.wait_dma2 semaphore(%dma_wait3A_595 : memref<!tpu.dma_semaphore, #tpu.memory_space<semaphore_mem>>) src(%dma_wait3A_603 : memref<200x64xf32, #tpu.memory_space<vmem>>) dst(%dma_wait3A_599 : memref<200x64xf32, #tpu.memory_space<hbm>>)
    %dma_start3A_604 = arith.constant 1 : i32
    %dma_start3A_605 = arith.constant 1 : i32
    %dma_start3A_606 = arith.constant 1 : i32
    %dma_start3A_607 = arith.constant 0 : i32
    %dma_start3A_608 = arith.constant 0 : i32
    %dma_start3A_609 = tpu.memref_slice %arg6[%dma_start3A_605, %dma_start3A_607, %dma_start3A_608] : memref<4x200x64xf32, #tpu.memory_space<vmem>> -> memref<1x128x64xf32, #tpu.memory_space<vmem>>
    %dma_start3A_610 = tpu.memref_squeeze %dma_start3A_609 : memref<1x128x64xf32, #tpu.memory_space<vmem>> -> memref<128x64xf32, #tpu.memory_space<vmem>>
    %dma_start3A_611 = arith.constant 0 : i32
    %dma_start3A_612 = tpu.memref_slice %arg5[%dma_start3A_604, %dma_start3A_611] : memref<4x200xi32, #tpu.memory_space<vmem>> -> memref<1x128xi32, #tpu.memory_space<vmem>>
    %dma_start3A_613 = tpu.memref_squeeze %dma_start3A_612 : memref<1x128xi32, #tpu.memory_space<vmem>> -> memref<128xi32, #tpu.memory_space<vmem>>
    %dma_start3A_614 = arith.constant 0 : i32
    %dma_start3A_615 = arith.constant 0 : i32
    %dma_start3A_616 = tpu.memref_slice %arg2[%dma_start3A_614, %dma_start3A_615] : memref<1000000x64xf32, #tpu.memory_space<hbm>> -> memref<1000000x64xf32, #tpu.memory_space<hbm>>
    %dma_start3A_617 = tpu.memref_slice %arg8[%dma_start3A_606] : memref<4x!tpu.dma_semaphore, #tpu.memory_space<semaphore_mem>> -> memref<1x!tpu.dma_semaphore, #tpu.memory_space<semaphore_mem>>
    %dma_start3A_618 = tpu.memref_squeeze %dma_start3A_617 : memref<1x!tpu.dma_semaphore, #tpu.memory_space<semaphore_mem>> -> memref<!tpu.dma_semaphore, #tpu.memory_space<semaphore_mem>>
    tpu.enqueue_indirect_dma source(%dma_start3A_616 : memref<1000000x64xf32, #tpu.memory_space<hbm>>) target(%dma_start3A_610 : memref<128x64xf32, #tpu.memory_space<vmem>>) offsets(%dma_start3A_613 : memref<128xi32, #tpu.memory_space<vmem>>) semaphore(%dma_start3A_618 : memref<!tpu.dma_semaphore, #tpu.memory_space<semaphore_mem>>)
    %dma_start3A_619 = arith.constant 1 : i32
    %dma_start3A_620 = arith.constant 1 : i32
    %dma_start3A_621 = arith.constant 1 : i32
    %dma_start3A_622 = arith.constant 128 : i32
    %dma_start3A_623 = arith.constant 0 : i32
    %dma_start3A_624 = tpu.memref_slice %arg6[%dma_start3A_620, %dma_start3A_622, %dma_start3A_623] : memref<4x200x64xf32, #tpu.memory_space<vmem>> -> memref<1x72x64xf32, #tpu.memory_space<vmem>>
    %dma_start3A_625 = tpu.memref_squeeze %dma_start3A_624 : memref<1x72x64xf32, #tpu.memory_space<vmem>> -> memref<72x64xf32, #tpu.memory_space<vmem>>
    %dma_start3A_626 = arith.constant 128 : i32
    %dma_start3A_627 = tpu.memref_slice %arg5[%dma_start3A_619, %dma_start3A_626] : memref<4x200xi32, #tpu.memory_space<vmem>> -> memref<1x72xi32, #tpu.memory_space<vmem>>
    %dma_start3A_628 = tpu.memref_squeeze %dma_start3A_627 : memref<1x72xi32, #tpu.memory_space<vmem>> -> memref<72xi32, #tpu.memory_space<vmem>>
    %dma_start3A_629 = arith.constant 0 : i32
    %dma_start3A_630 = arith.constant 0 : i32
    %dma_start3A_631 = tpu.memref_slice %arg2[%dma_start3A_629, %dma_start3A_630] : memref<1000000x64xf32, #tpu.memory_space<hbm>> -> memref<1000000x64xf32, #tpu.memory_space<hbm>>
    %dma_start3A_632 = tpu.memref_slice %arg8[%dma_start3A_621] : memref<4x!tpu.dma_semaphore, #tpu.memory_space<semaphore_mem>> -> memref<1x!tpu.dma_semaphore, #tpu.memory_space<semaphore_mem>>
    %dma_start3A_633 = tpu.memref_squeeze %dma_start3A_632 : memref<1x!tpu.dma_semaphore, #tpu.memory_space<semaphore_mem>> -> memref<!tpu.dma_semaphore, #tpu.memory_space<semaphore_mem>>
    tpu.enqueue_indirect_dma source(%dma_start3A_631 : memref<1000000x64xf32, #tpu.memory_space<hbm>>) target(%dma_start3A_625 : memref<72x64xf32, #tpu.memory_space<vmem>>) offsets(%dma_start3A_628 : memref<72xi32, #tpu.memory_space<vmem>>) semaphore(%dma_start3A_633 : memref<!tpu.dma_semaphore, #tpu.memory_space<semaphore_mem>>)
    %dma_wait3A_634 = arith.constant 2 : i32
    %dma_wait3A_635 = arith.constant 2 : i32
    %dma_wait3A_636 = arith.constant 0 : i32
    %dma_wait3A_637 = tpu.memref_slice %arg5[%dma_wait3A_634, %dma_wait3A_636] : memref<4x200xi32, #tpu.memory_space<vmem>> -> memref<1x200xi32, #tpu.memory_space<vmem>>
    %dma_wait3A_638 = tpu.memref_squeeze %dma_wait3A_637 : memref<1x200xi32, #tpu.memory_space<vmem>> -> memref<200xi32, #tpu.memory_space<vmem>>
    %dma_wait3A_639 = arith.constant 0 : i32
    %dma_wait3A_640 = tpu.memref_slice %arg3[%mul3A_2, %dma_wait3A_639] : memref<4096x200xi32, #tpu.memory_space<hbm>> -> memref<1x200xi32, #tpu.memory_space<hbm>>
    %dma_wait3A_641 = tpu.memref_squeeze %dma_wait3A_640 : memref<1x200xi32, #tpu.memory_space<hbm>> -> memref<200xi32, #tpu.memory_space<hbm>>
    %dma_wait3A_642 = tpu.memref_slice %arg7[%dma_wait3A_635] : memref<4x!tpu.dma_semaphore, #tpu.memory_space<semaphore_mem>> -> memref<1x!tpu.dma_semaphore, #tpu.memory_space<semaphore_mem>>
    %dma_wait3A_643 = tpu.memref_squeeze %dma_wait3A_642 : memref<1x!tpu.dma_semaphore, #tpu.memory_space<semaphore_mem>> -> memref<!tpu.dma_semaphore, #tpu.memory_space<semaphore_mem>>
    %dma_wait3A_644 = arith.constant 0 : i32
    %dma_wait3A_645 = tpu.memref_slice %arg5[%dma_wait3A_634, %dma_wait3A_644] : memref<4x200xi32, #tpu.memory_space<vmem>> -> memref<1x200xi32, #tpu.memory_space<vmem>>
    %dma_wait3A_646 = tpu.memref_squeeze %dma_wait3A_645 : memref<1x200xi32, #tpu.memory_space<vmem>> -> memref<200xi32, #tpu.memory_space<vmem>>
    %dma_wait3A_647 = arith.constant 0 : i32
    %dma_wait3A_648 = tpu.memref_slice %arg3[%mul3A_2, %dma_wait3A_647] : memref<4096x200xi32, #tpu.memory_space<hbm>> -> memref<1x200xi32, #tpu.memory_space<hbm>>
    %dma_wait3A_649 = tpu.memref_squeeze %dma_wait3A_648 : memref<1x200xi32, #tpu.memory_space<hbm>> -> memref<200xi32, #tpu.memory_space<hbm>>
    tpu.wait_dma2 semaphore(%dma_wait3A_643 : memref<!tpu.dma_semaphore, #tpu.memory_space<semaphore_mem>>) src(%dma_wait3A_649 : memref<200xi32, #tpu.memory_space<hbm>>) dst(%dma_wait3A_646 : memref<200xi32, #tpu.memory_space<vmem>>)
    %dma_wait3A_650 = arith.constant 2 : i32
    %dma_wait3A_651 = arith.constant 2 : i32
    %dma_wait3A_652 = arith.constant 0 : i32
    %dma_wait3A_653 = arith.constant 0 : i32
    %dma_wait3A_654 = tpu.memref_slice %arg6[%dma_wait3A_650, %dma_wait3A_652, %dma_wait3A_653] : memref<4x200x64xf32, #tpu.memory_space<vmem>> -> memref<1x200x64xf32, #tpu.memory_space<vmem>>
    %dma_wait3A_655 = tpu.memref_squeeze %dma_wait3A_654 : memref<1x200x64xf32, #tpu.memory_space<vmem>> -> memref<200x64xf32, #tpu.memory_space<vmem>>
    %dma_wait3A_656 = arith.constant 0 : i32
    %dma_wait3A_657 = arith.constant 0 : i32
    %dma_wait3A_658 = tpu.memref_slice %arg4[%mul3A_2, %dma_wait3A_656, %dma_wait3A_657] : memref<4096x200x64xf32, #tpu.memory_space<hbm>> -> memref<1x200x64xf32, #tpu.memory_space<hbm>>
    %dma_wait3A_659 = tpu.memref_squeeze %dma_wait3A_658 : memref<1x200x64xf32, #tpu.memory_space<hbm>> -> memref<200x64xf32, #tpu.memory_space<hbm>>
    %dma_wait3A_660 = tpu.memref_slice %arg9[%dma_wait3A_651] : memref<4x!tpu.dma_semaphore, #tpu.memory_space<semaphore_mem>> -> memref<1x!tpu.dma_semaphore, #tpu.memory_space<semaphore_mem>>
    %dma_wait3A_661 = tpu.memref_squeeze %dma_wait3A_660 : memref<1x!tpu.dma_semaphore, #tpu.memory_space<semaphore_mem>> -> memref<!tpu.dma_semaphore, #tpu.memory_space<semaphore_mem>>
    %dma_wait3A_662 = arith.constant 0 : i32
    %dma_wait3A_663 = arith.constant 0 : i32
    %dma_wait3A_664 = tpu.memref_slice %arg4[%mul3A_2, %dma_wait3A_662, %dma_wait3A_663] : memref<4096x200x64xf32, #tpu.memory_space<hbm>> -> memref<1x200x64xf32, #tpu.memory_space<hbm>>
    %dma_wait3A_665 = tpu.memref_squeeze %dma_wait3A_664 : memref<1x200x64xf32, #tpu.memory_space<hbm>> -> memref<200x64xf32, #tpu.memory_space<hbm>>
    %dma_wait3A_666 = arith.constant 0 : i32
    %dma_wait3A_667 = arith.constant 0 : i32
    %dma_wait3A_668 = tpu.memref_slice %arg6[%dma_wait3A_650, %dma_wait3A_666, %dma_wait3A_667] : memref<4x200x64xf32, #tpu.memory_space<vmem>> -> memref<1x200x64xf32, #tpu.memory_space<vmem>>
    %dma_wait3A_669 = tpu.memref_squeeze %dma_wait3A_668 : memref<1x200x64xf32, #tpu.memory_space<vmem>> -> memref<200x64xf32, #tpu.memory_space<vmem>>
    tpu.wait_dma2 semaphore(%dma_wait3A_661 : memref<!tpu.dma_semaphore, #tpu.memory_space<semaphore_mem>>) src(%dma_wait3A_669 : memref<200x64xf32, #tpu.memory_space<vmem>>) dst(%dma_wait3A_665 : memref<200x64xf32, #tpu.memory_space<hbm>>)
    %dma_start3A_670 = arith.constant 2 : i32
    %dma_start3A_671 = arith.constant 2 : i32
    %dma_start3A_672 = arith.constant 2 : i32
    %dma_start3A_673 = arith.constant 0 : i32
    %dma_start3A_674 = arith.constant 0 : i32
    %dma_start3A_675 = tpu.memref_slice %arg6[%dma_start3A_671, %dma_start3A_673, %dma_start3A_674] : memref<4x200x64xf32, #tpu.memory_space<vmem>> -> memref<1x128x64xf32, #tpu.memory_space<vmem>>
    %dma_start3A_676 = tpu.memref_squeeze %dma_start3A_675 : memref<1x128x64xf32, #tpu.memory_space<vmem>> -> memref<128x64xf32, #tpu.memory_space<vmem>>
    %dma_start3A_677 = arith.constant 0 : i32
    %dma_start3A_678 = tpu.memref_slice %arg5[%dma_start3A_670, %dma_start3A_677] : memref<4x200xi32, #tpu.memory_space<vmem>> -> memref<1x128xi32, #tpu.memory_space<vmem>>
    %dma_start3A_679 = tpu.memref_squeeze %dma_start3A_678 : memref<1x128xi32, #tpu.memory_space<vmem>> -> memref<128xi32, #tpu.memory_space<vmem>>
    %dma_start3A_680 = arith.constant 0 : i32
    %dma_start3A_681 = arith.constant 0 : i32
    %dma_start3A_682 = tpu.memref_slice %arg2[%dma_start3A_680, %dma_start3A_681] : memref<1000000x64xf32, #tpu.memory_space<hbm>> -> memref<1000000x64xf32, #tpu.memory_space<hbm>>
    %dma_start3A_683 = tpu.memref_slice %arg8[%dma_start3A_672] : memref<4x!tpu.dma_semaphore, #tpu.memory_space<semaphore_mem>> -> memref<1x!tpu.dma_semaphore, #tpu.memory_space<semaphore_mem>>
    %dma_start3A_684 = tpu.memref_squeeze %dma_start3A_683 : memref<1x!tpu.dma_semaphore, #tpu.memory_space<semaphore_mem>> -> memref<!tpu.dma_semaphore, #tpu.memory_space<semaphore_mem>>
    tpu.enqueue_indirect_dma source(%dma_start3A_682 : memref<1000000x64xf32, #tpu.memory_space<hbm>>) target(%dma_start3A_676 : memref<128x64xf32, #tpu.memory_space<vmem>>) offsets(%dma_start3A_679 : memref<128xi32, #tpu.memory_space<vmem>>) semaphore(%dma_start3A_684 : memref<!tpu.dma_semaphore, #tpu.memory_space<semaphore_mem>>)
    %dma_start3A_685 = arith.constant 2 : i32
    %dma_start3A_686 = arith.constant 2 : i32
    %dma_start3A_687 = arith.constant 2 : i32
    %dma_start3A_688 = arith.constant 128 : i32
    %dma_start3A_689 = arith.constant 0 : i32
    %dma_start3A_690 = tpu.memref_slice %arg6[%dma_start3A_686, %dma_start3A_688, %dma_start3A_689] : memref<4x200x64xf32, #tpu.memory_space<vmem>> -> memref<1x72x64xf32, #tpu.memory_space<vmem>>
    %dma_start3A_691 = tpu.memref_squeeze %dma_start3A_690 : memref<1x72x64xf32, #tpu.memory_space<vmem>> -> memref<72x64xf32, #tpu.memory_space<vmem>>
    %dma_start3A_692 = arith.constant 128 : i32
    %dma_start3A_693 = tpu.memref_slice %arg5[%dma_start3A_685, %dma_start3A_692] : memref<4x200xi32, #tpu.memory_space<vmem>> -> memref<1x72xi32, #tpu.memory_space<vmem>>
    %dma_start3A_694 = tpu.memref_squeeze %dma_start3A_693 : memref<1x72xi32, #tpu.memory_space<vmem>> -> memref<72xi32, #tpu.memory_space<vmem>>
    %dma_start3A_695 = arith.constant 0 : i32
    %dma_start3A_696 = arith.constant 0 : i32
    %dma_start3A_697 = tpu.memref_slice %arg2[%dma_start3A_695, %dma_start3A_696] : memref<1000000x64xf32, #tpu.memory_space<hbm>> -> memref<1000000x64xf32, #tpu.memory_space<hbm>>
    %dma_start3A_698 = tpu.memref_slice %arg8[%dma_start3A_687] : memref<4x!tpu.dma_semaphore, #tpu.memory_space<semaphore_mem>> -> memref<1x!tpu.dma_semaphore, #tpu.memory_space<semaphore_mem>>
    %dma_start3A_699 = tpu.memref_squeeze %dma_start3A_698 : memref<1x!tpu.dma_semaphore, #tpu.memory_space<semaphore_mem>> -> memref<!tpu.dma_semaphore, #tpu.memory_space<semaphore_mem>>
    tpu.enqueue_indirect_dma source(%dma_start3A_697 : memref<1000000x64xf32, #tpu.memory_space<hbm>>) target(%dma_start3A_691 : memref<72x64xf32, #tpu.memory_space<vmem>>) offsets(%dma_start3A_694 : memref<72xi32, #tpu.memory_space<vmem>>) semaphore(%dma_start3A_699 : memref<!tpu.dma_semaphore, #tpu.memory_space<semaphore_mem>>)
    %dma_wait3A_700 = arith.constant 3 : i32
    %dma_wait3A_701 = arith.constant 3 : i32
    %dma_wait3A_702 = arith.constant 0 : i32
    %dma_wait3A_703 = tpu.memref_slice %arg5[%dma_wait3A_700, %dma_wait3A_702] : memref<4x200xi32, #tpu.memory_space<vmem>> -> memref<1x200xi32, #tpu.memory_space<vmem>>
    %dma_wait3A_704 = tpu.memref_squeeze %dma_wait3A_703 : memref<1x200xi32, #tpu.memory_space<vmem>> -> memref<200xi32, #tpu.memory_space<vmem>>
    %dma_wait3A_705 = arith.constant 0 : i32
    %dma_wait3A_706 = tpu.memref_slice %arg3[%mul3A_2, %dma_wait3A_705] : memref<4096x200xi32, #tpu.memory_space<hbm>> -> memref<1x200xi32, #tpu.memory_space<hbm>>
    %dma_wait3A_707 = tpu.memref_squeeze %dma_wait3A_706 : memref<1x200xi32, #tpu.memory_space<hbm>> -> memref<200xi32, #tpu.memory_space<hbm>>
    %dma_wait3A_708 = tpu.memref_slice %arg7[%dma_wait3A_701] : memref<4x!tpu.dma_semaphore, #tpu.memory_space<semaphore_mem>> -> memref<1x!tpu.dma_semaphore, #tpu.memory_space<semaphore_mem>>
    %dma_wait3A_709 = tpu.memref_squeeze %dma_wait3A_708 : memref<1x!tpu.dma_semaphore, #tpu.memory_space<semaphore_mem>> -> memref<!tpu.dma_semaphore, #tpu.memory_space<semaphore_mem>>
    %dma_wait3A_710 = arith.constant 0 : i32
    %dma_wait3A_711 = tpu.memref_slice %arg5[%dma_wait3A_700, %dma_wait3A_710] : memref<4x200xi32, #tpu.memory_space<vmem>> -> memref<1x200xi32, #tpu.memory_space<vmem>>
    %dma_wait3A_712 = tpu.memref_squeeze %dma_wait3A_711 : memref<1x200xi32, #tpu.memory_space<vmem>> -> memref<200xi32, #tpu.memory_space<vmem>>
    %dma_wait3A_713 = arith.constant 0 : i32
    %dma_wait3A_714 = tpu.memref_slice %arg3[%mul3A_2, %dma_wait3A_713] : memref<4096x200xi32, #tpu.memory_space<hbm>> -> memref<1x200xi32, #tpu.memory_space<hbm>>
    %dma_wait3A_715 = tpu.memref_squeeze %dma_wait3A_714 : memref<1x200xi32, #tpu.memory_space<hbm>> -> memref<200xi32, #tpu.memory_space<hbm>>
    tpu.wait_dma2 semaphore(%dma_wait3A_709 : memref<!tpu.dma_semaphore, #tpu.memory_space<semaphore_mem>>) src(%dma_wait3A_715 : memref<200xi32, #tpu.memory_space<hbm>>) dst(%dma_wait3A_712 : memref<200xi32, #tpu.memory_space<vmem>>)
    %dma_wait3A_716 = arith.constant 3 : i32
    %dma_wait3A_717 = arith.constant 3 : i32
    %dma_wait3A_718 = arith.constant 0 : i32
    %dma_wait3A_719 = arith.constant 0 : i32
    %dma_wait3A_720 = tpu.memref_slice %arg6[%dma_wait3A_716, %dma_wait3A_718, %dma_wait3A_719] : memref<4x200x64xf32, #tpu.memory_space<vmem>> -> memref<1x200x64xf32, #tpu.memory_space<vmem>>
    %dma_wait3A_721 = tpu.memref_squeeze %dma_wait3A_720 : memref<1x200x64xf32, #tpu.memory_space<vmem>> -> memref<200x64xf32, #tpu.memory_space<vmem>>
    %dma_wait3A_722 = arith.constant 0 : i32
    %dma_wait3A_723 = arith.constant 0 : i32
    %dma_wait3A_724 = tpu.memref_slice %arg4[%mul3A_2, %dma_wait3A_722, %dma_wait3A_723] : memref<4096x200x64xf32, #tpu.memory_space<hbm>> -> memref<1x200x64xf32, #tpu.memory_space<hbm>>
    %dma_wait3A_725 = tpu.memref_squeeze %dma_wait3A_724 : memref<1x200x64xf32, #tpu.memory_space<hbm>> -> memref<200x64xf32, #tpu.memory_space<hbm>>
    %dma_wait3A_726 = tpu.memref_slice %arg9[%dma_wait3A_717] : memref<4x!tpu.dma_semaphore, #tpu.memory_space<semaphore_mem>> -> memref<1x!tpu.dma_semaphore, #tpu.memory_space<semaphore_mem>>
    %dma_wait3A_727 = tpu.memref_squeeze %dma_wait3A_726 : memref<1x!tpu.dma_semaphore, #tpu.memory_space<semaphore_mem>> -> memref<!tpu.dma_semaphore, #tpu.memory_space<semaphore_mem>>
    %dma_wait3A_728 = arith.constant 0 : i32
    %dma_wait3A_729 = arith.constant 0 : i32
    %dma_wait3A_730 = tpu.memref_slice %arg4[%mul3A_2, %dma_wait3A_728, %dma_wait3A_729] : memref<4096x200x64xf32, #tpu.memory_space<hbm>> -> memref<1x200x64xf32, #tpu.memory_space<hbm>>
    %dma_wait3A_731 = tpu.memref_squeeze %dma_wait3A_730 : memref<1x200x64xf32, #tpu.memory_space<hbm>> -> memref<200x64xf32, #tpu.memory_space<hbm>>
    %dma_wait3A_732 = arith.constant 0 : i32
    %dma_wait3A_733 = arith.constant 0 : i32
    %dma_wait3A_734 = tpu.memref_slice %arg6[%dma_wait3A_716, %dma_wait3A_732, %dma_wait3A_733] : memref<4x200x64xf32, #tpu.memory_space<vmem>> -> memref<1x200x64xf32, #tpu.memory_space<vmem>>
    %dma_wait3A_735 = tpu.memref_squeeze %dma_wait3A_734 : memref<1x200x64xf32, #tpu.memory_space<vmem>> -> memref<200x64xf32, #tpu.memory_space<vmem>>
    tpu.wait_dma2 semaphore(%dma_wait3A_727 : memref<!tpu.dma_semaphore, #tpu.memory_space<semaphore_mem>>) src(%dma_wait3A_735 : memref<200x64xf32, #tpu.memory_space<vmem>>) dst(%dma_wait3A_731 : memref<200x64xf32, #tpu.memory_space<hbm>>)
    %dma_start3A_736 = arith.constant 3 : i32
    %dma_start3A_737 = arith.constant 3 : i32
    %dma_start3A_738 = arith.constant 3 : i32
    %dma_start3A_739 = arith.constant 0 : i32
    %dma_start3A_740 = arith.constant 0 : i32
    %dma_start3A_741 = tpu.memref_slice %arg6[%dma_start3A_737, %dma_start3A_739, %dma_start3A_740] : memref<4x200x64xf32, #tpu.memory_space<vmem>> -> memref<1x128x64xf32, #tpu.memory_space<vmem>>
    %dma_start3A_742 = tpu.memref_squeeze %dma_start3A_741 : memref<1x128x64xf32, #tpu.memory_space<vmem>> -> memref<128x64xf32, #tpu.memory_space<vmem>>
    %dma_start3A_743 = arith.constant 0 : i32
    %dma_start3A_744 = tpu.memref_slice %arg5[%dma_start3A_736, %dma_start3A_743] : memref<4x200xi32, #tpu.memory_space<vmem>> -> memref<1x128xi32, #tpu.memory_space<vmem>>
    %dma_start3A_745 = tpu.memref_squeeze %dma_start3A_744 : memref<1x128xi32, #tpu.memory_space<vmem>> -> memref<128xi32, #tpu.memory_space<vmem>>
    %dma_start3A_746 = arith.constant 0 : i32
    %dma_start3A_747 = arith.constant 0 : i32
    %dma_start3A_748 = tpu.memref_slice %arg2[%dma_start3A_746, %dma_start3A_747] : memref<1000000x64xf32, #tpu.memory_space<hbm>> -> memref<1000000x64xf32, #tpu.memory_space<hbm>>
    %dma_start3A_749 = tpu.memref_slice %arg8[%dma_start3A_738] : memref<4x!tpu.dma_semaphore, #tpu.memory_space<semaphore_mem>> -> memref<1x!tpu.dma_semaphore, #tpu.memory_space<semaphore_mem>>
    %dma_start3A_750 = tpu.memref_squeeze %dma_start3A_749 : memref<1x!tpu.dma_semaphore, #tpu.memory_space<semaphore_mem>> -> memref<!tpu.dma_semaphore, #tpu.memory_space<semaphore_mem>>
    tpu.enqueue_indirect_dma source(%dma_start3A_748 : memref<1000000x64xf32, #tpu.memory_space<hbm>>) target(%dma_start3A_742 : memref<128x64xf32, #tpu.memory_space<vmem>>) offsets(%dma_start3A_745 : memref<128xi32, #tpu.memory_space<vmem>>) semaphore(%dma_start3A_750 : memref<!tpu.dma_semaphore, #tpu.memory_space<semaphore_mem>>)
    %dma_start3A_751 = arith.constant 3 : i32
    %dma_start3A_752 = arith.constant 3 : i32
    %dma_start3A_753 = arith.constant 3 : i32
    %dma_start3A_754 = arith.constant 128 : i32
    %dma_start3A_755 = arith.constant 0 : i32
    %dma_start3A_756 = tpu.memref_slice %arg6[%dma_start3A_752, %dma_start3A_754, %dma_start3A_755] : memref<4x200x64xf32, #tpu.memory_space<vmem>> -> memref<1x72x64xf32, #tpu.memory_space<vmem>>
    %dma_start3A_757 = tpu.memref_squeeze %dma_start3A_756 : memref<1x72x64xf32, #tpu.memory_space<vmem>> -> memref<72x64xf32, #tpu.memory_space<vmem>>
    %dma_start3A_758 = arith.constant 128 : i32
    %dma_start3A_759 = tpu.memref_slice %arg5[%dma_start3A_751, %dma_start3A_758] : memref<4x200xi32, #tpu.memory_space<vmem>> -> memref<1x72xi32, #tpu.memory_space<vmem>>
    %dma_start3A_760 = tpu.memref_squeeze %dma_start3A_759 : memref<1x72xi32, #tpu.memory_space<vmem>> -> memref<72xi32, #tpu.memory_space<vmem>>
    %dma_start3A_761 = arith.constant 0 : i32
    %dma_start3A_762 = arith.constant 0 : i32
    %dma_start3A_763 = tpu.memref_slice %arg2[%dma_start3A_761, %dma_start3A_762] : memref<1000000x64xf32, #tpu.memory_space<hbm>> -> memref<1000000x64xf32, #tpu.memory_space<hbm>>
    %dma_start3A_764 = tpu.memref_slice %arg8[%dma_start3A_753] : memref<4x!tpu.dma_semaphore, #tpu.memory_space<semaphore_mem>> -> memref<1x!tpu.dma_semaphore, #tpu.memory_space<semaphore_mem>>
    %dma_start3A_765 = tpu.memref_squeeze %dma_start3A_764 : memref<1x!tpu.dma_semaphore, #tpu.memory_space<semaphore_mem>> -> memref<!tpu.dma_semaphore, #tpu.memory_space<semaphore_mem>>
    tpu.enqueue_indirect_dma source(%dma_start3A_763 : memref<1000000x64xf32, #tpu.memory_space<hbm>>) target(%dma_start3A_757 : memref<72x64xf32, #tpu.memory_space<vmem>>) offsets(%dma_start3A_760 : memref<72xi32, #tpu.memory_space<vmem>>) semaphore(%dma_start3A_765 : memref<!tpu.dma_semaphore, #tpu.memory_space<semaphore_mem>>)
    %dma_wait3A_766 = arith.constant 0 : i32
    %dma_wait3A_767 = arith.constant 0 : i32
    %dma_wait3A_768 = arith.constant 0 : i32
    %dma_wait3A_769 = arith.constant 0 : i32
    %dma_wait3A_770 = tpu.memref_slice %arg6[%dma_wait3A_766, %dma_wait3A_768, %dma_wait3A_769] : memref<4x200x64xf32, #tpu.memory_space<vmem>> -> memref<1x200x64xf32, #tpu.memory_space<vmem>>
    %dma_wait3A_771 = tpu.memref_squeeze %dma_wait3A_770 : memref<1x200x64xf32, #tpu.memory_space<vmem>> -> memref<200x64xf32, #tpu.memory_space<vmem>>
    %dma_wait3A_772 = arith.constant 0 : i32
    %dma_wait3A_773 = arith.constant 0 : i32
    %dma_wait3A_774 = tpu.memref_slice %arg4[%mul3A_2, %dma_wait3A_772, %dma_wait3A_773] : memref<4096x200x64xf32, #tpu.memory_space<hbm>> -> memref<1x200x64xf32, #tpu.memory_space<hbm>>
    %dma_wait3A_775 = tpu.memref_squeeze %dma_wait3A_774 : memref<1x200x64xf32, #tpu.memory_space<hbm>> -> memref<200x64xf32, #tpu.memory_space<hbm>>
    %dma_wait3A_776 = tpu.memref_slice %arg8[%dma_wait3A_767] : memref<4x!tpu.dma_semaphore, #tpu.memory_space<semaphore_mem>> -> memref<1x!tpu.dma_semaphore, #tpu.memory_space<semaphore_mem>>
    %dma_wait3A_777 = tpu.memref_squeeze %dma_wait3A_776 : memref<1x!tpu.dma_semaphore, #tpu.memory_space<semaphore_mem>> -> memref<!tpu.dma_semaphore, #tpu.memory_space<semaphore_mem>>
    %dma_wait3A_778 = arith.constant 0 : i32
    %dma_wait3A_779 = arith.constant 0 : i32
    %dma_wait3A_780 = tpu.memref_slice %arg6[%dma_wait3A_766, %dma_wait3A_778, %dma_wait3A_779] : memref<4x200x64xf32, #tpu.memory_space<vmem>> -> memref<1x200x64xf32, #tpu.memory_space<vmem>>
    %dma_wait3A_781 = tpu.memref_squeeze %dma_wait3A_780 : memref<1x200x64xf32, #tpu.memory_space<vmem>> -> memref<200x64xf32, #tpu.memory_space<vmem>>
    %dma_wait3A_782 = arith.constant 0 : i32
    %dma_wait3A_783 = arith.constant 0 : i32
    %dma_wait3A_784 = tpu.memref_slice %arg4[%mul3A_2, %dma_wait3A_782, %dma_wait3A_783] : memref<4096x200x64xf32, #tpu.memory_space<hbm>> -> memref<1x200x64xf32, #tpu.memory_space<hbm>>
    %dma_wait3A_785 = tpu.memref_squeeze %dma_wait3A_784 : memref<1x200x64xf32, #tpu.memory_space<hbm>> -> memref<200x64xf32, #tpu.memory_space<hbm>>
    tpu.wait_dma2 semaphore(%dma_wait3A_777 : memref<!tpu.dma_semaphore, #tpu.memory_space<semaphore_mem>>) src(%dma_wait3A_785 : memref<200x64xf32, #tpu.memory_space<hbm>>) dst(%dma_wait3A_781 : memref<200x64xf32, #tpu.memory_space<vmem>>)
    %add3A_786 = arith.constant 124 : i32
    %add3A_787 = arith.addi %mul3A_2, %add3A_786 : i32
    %dma_start3A_788 = arith.constant 0 : i32
    %dma_start3A_789 = arith.constant 0 : i32
    %dma_start3A_790 = arith.constant 0 : i32
    %dma_start3A_791 = arith.constant 0 : i32
    %dma_start3A_792 = tpu.memref_slice %arg6[%dma_start3A_788, %dma_start3A_790, %dma_start3A_791] : memref<4x200x64xf32, #tpu.memory_space<vmem>> -> memref<1x200x64xf32, #tpu.memory_space<vmem>>
    %dma_start3A_793 = tpu.memref_squeeze %dma_start3A_792 : memref<1x200x64xf32, #tpu.memory_space<vmem>> -> memref<200x64xf32, #tpu.memory_space<vmem>>
    %dma_start3A_794 = arith.constant 0 : i32
    %dma_start3A_795 = arith.constant 0 : i32
    %dma_start3A_796 = tpu.memref_slice %arg4[%add3A_787, %dma_start3A_794, %dma_start3A_795] : memref<4096x200x64xf32, #tpu.memory_space<hbm>> -> memref<1x200x64xf32, #tpu.memory_space<hbm>>
    %dma_start3A_797 = tpu.memref_squeeze %dma_start3A_796 : memref<1x200x64xf32, #tpu.memory_space<hbm>> -> memref<200x64xf32, #tpu.memory_space<hbm>>
    %dma_start3A_798 = tpu.memref_slice %arg9[%dma_start3A_789] : memref<4x!tpu.dma_semaphore, #tpu.memory_space<semaphore_mem>> -> memref<1x!tpu.dma_semaphore, #tpu.memory_space<semaphore_mem>>
    %dma_start3A_799 = tpu.memref_squeeze %dma_start3A_798 : memref<1x!tpu.dma_semaphore, #tpu.memory_space<semaphore_mem>> -> memref<!tpu.dma_semaphore, #tpu.memory_space<semaphore_mem>>
    %dma_start3A_800 = arith.constant 0 : i32
    %dma_start3A_801 = arith.constant 0 : i32
    %dma_start3A_802 = tpu.memref_slice %arg4[%add3A_787, %dma_start3A_800, %dma_start3A_801] : memref<4096x200x64xf32, #tpu.memory_space<hbm>> -> memref<1x200x64xf32, #tpu.memory_space<hbm>>
    %dma_start3A_803 = tpu.memref_squeeze %dma_start3A_802 : memref<1x200x64xf32, #tpu.memory_space<hbm>> -> memref<200x64xf32, #tpu.memory_space<hbm>>
    %dma_start3A_804 = arith.constant 0 : i32
    %dma_start3A_805 = arith.constant 0 : i32
    %dma_start3A_806 = tpu.memref_slice %arg6[%dma_start3A_788, %dma_start3A_804, %dma_start3A_805] : memref<4x200x64xf32, #tpu.memory_space<vmem>> -> memref<1x200x64xf32, #tpu.memory_space<vmem>>
    %dma_start3A_807 = tpu.memref_squeeze %dma_start3A_806 : memref<1x200x64xf32, #tpu.memory_space<vmem>> -> memref<200x64xf32, #tpu.memory_space<vmem>>
    tpu.enqueue_dma source(%dma_start3A_807 : memref<200x64xf32, #tpu.memory_space<vmem>>) target(%dma_start3A_803 : memref<200x64xf32, #tpu.memory_space<hbm>>) target_semaphore(%dma_start3A_799 : memref<!tpu.dma_semaphore, #tpu.memory_space<semaphore_mem>>)
    %dma_wait3A_808 = arith.constant 1 : i32
    %dma_wait3A_809 = arith.constant 1 : i32
    %dma_wait3A_810 = arith.constant 0 : i32
    %dma_wait3A_811 = arith.constant 0 : i32
    %dma_wait3A_812 = tpu.memref_slice %arg6[%dma_wait3A_808, %dma_wait3A_810, %dma_wait3A_811] : memref<4x200x64xf32, #tpu.memory_space<vmem>> -> memref<1x200x64xf32, #tpu.memory_space<vmem>>
    %dma_wait3A_813 = tpu.memref_squeeze %dma_wait3A_812 : memref<1x200x64xf32, #tpu.memory_space<vmem>> -> memref<200x64xf32, #tpu.memory_space<vmem>>
    %dma_wait3A_814 = arith.constant 0 : i32
    %dma_wait3A_815 = arith.constant 0 : i32
    %dma_wait3A_816 = tpu.memref_slice %arg4[%mul3A_2, %dma_wait3A_814, %dma_wait3A_815] : memref<4096x200x64xf32, #tpu.memory_space<hbm>> -> memref<1x200x64xf32, #tpu.memory_space<hbm>>
    %dma_wait3A_817 = tpu.memref_squeeze %dma_wait3A_816 : memref<1x200x64xf32, #tpu.memory_space<hbm>> -> memref<200x64xf32, #tpu.memory_space<hbm>>
    %dma_wait3A_818 = tpu.memref_slice %arg8[%dma_wait3A_809] : memref<4x!tpu.dma_semaphore, #tpu.memory_space<semaphore_mem>> -> memref<1x!tpu.dma_semaphore, #tpu.memory_space<semaphore_mem>>
    %dma_wait3A_819 = tpu.memref_squeeze %dma_wait3A_818 : memref<1x!tpu.dma_semaphore, #tpu.memory_space<semaphore_mem>> -> memref<!tpu.dma_semaphore, #tpu.memory_space<semaphore_mem>>
    %dma_wait3A_820 = arith.constant 0 : i32
    %dma_wait3A_821 = arith.constant 0 : i32
    %dma_wait3A_822 = tpu.memref_slice %arg6[%dma_wait3A_808, %dma_wait3A_820, %dma_wait3A_821] : memref<4x200x64xf32, #tpu.memory_space<vmem>> -> memref<1x200x64xf32, #tpu.memory_space<vmem>>
    %dma_wait3A_823 = tpu.memref_squeeze %dma_wait3A_822 : memref<1x200x64xf32, #tpu.memory_space<vmem>> -> memref<200x64xf32, #tpu.memory_space<vmem>>
    %dma_wait3A_824 = arith.constant 0 : i32
    %dma_wait3A_825 = arith.constant 0 : i32
    %dma_wait3A_826 = tpu.memref_slice %arg4[%mul3A_2, %dma_wait3A_824, %dma_wait3A_825] : memref<4096x200x64xf32, #tpu.memory_space<hbm>> -> memref<1x200x64xf32, #tpu.memory_space<hbm>>
    %dma_wait3A_827 = tpu.memref_squeeze %dma_wait3A_826 : memref<1x200x64xf32, #tpu.memory_space<hbm>> -> memref<200x64xf32, #tpu.memory_space<hbm>>
    tpu.wait_dma2 semaphore(%dma_wait3A_819 : memref<!tpu.dma_semaphore, #tpu.memory_space<semaphore_mem>>) src(%dma_wait3A_827 : memref<200x64xf32, #tpu.memory_space<hbm>>) dst(%dma_wait3A_823 : memref<200x64xf32, #tpu.memory_space<vmem>>)
    %add3A_828 = arith.constant 125 : i32
    %add3A_829 = arith.addi %mul3A_2, %add3A_828 : i32
    %dma_start3A_830 = arith.constant 1 : i32
    %dma_start3A_831 = arith.constant 1 : i32
    %dma_start3A_832 = arith.constant 0 : i32
    %dma_start3A_833 = arith.constant 0 : i32
    %dma_start3A_834 = tpu.memref_slice %arg6[%dma_start3A_830, %dma_start3A_832, %dma_start3A_833] : memref<4x200x64xf32, #tpu.memory_space<vmem>> -> memref<1x200x64xf32, #tpu.memory_space<vmem>>
    %dma_start3A_835 = tpu.memref_squeeze %dma_start3A_834 : memref<1x200x64xf32, #tpu.memory_space<vmem>> -> memref<200x64xf32, #tpu.memory_space<vmem>>
    %dma_start3A_836 = arith.constant 0 : i32
    %dma_start3A_837 = arith.constant 0 : i32
    %dma_start3A_838 = tpu.memref_slice %arg4[%add3A_829, %dma_start3A_836, %dma_start3A_837] : memref<4096x200x64xf32, #tpu.memory_space<hbm>> -> memref<1x200x64xf32, #tpu.memory_space<hbm>>
    %dma_start3A_839 = tpu.memref_squeeze %dma_start3A_838 : memref<1x200x64xf32, #tpu.memory_space<hbm>> -> memref<200x64xf32, #tpu.memory_space<hbm>>
    %dma_start3A_840 = tpu.memref_slice %arg9[%dma_start3A_831] : memref<4x!tpu.dma_semaphore, #tpu.memory_space<semaphore_mem>> -> memref<1x!tpu.dma_semaphore, #tpu.memory_space<semaphore_mem>>
    %dma_start3A_841 = tpu.memref_squeeze %dma_start3A_840 : memref<1x!tpu.dma_semaphore, #tpu.memory_space<semaphore_mem>> -> memref<!tpu.dma_semaphore, #tpu.memory_space<semaphore_mem>>
    %dma_start3A_842 = arith.constant 0 : i32
    %dma_start3A_843 = arith.constant 0 : i32
    %dma_start3A_844 = tpu.memref_slice %arg4[%add3A_829, %dma_start3A_842, %dma_start3A_843] : memref<4096x200x64xf32, #tpu.memory_space<hbm>> -> memref<1x200x64xf32, #tpu.memory_space<hbm>>
    %dma_start3A_845 = tpu.memref_squeeze %dma_start3A_844 : memref<1x200x64xf32, #tpu.memory_space<hbm>> -> memref<200x64xf32, #tpu.memory_space<hbm>>
    %dma_start3A_846 = arith.constant 0 : i32
    %dma_start3A_847 = arith.constant 0 : i32
    %dma_start3A_848 = tpu.memref_slice %arg6[%dma_start3A_830, %dma_start3A_846, %dma_start3A_847] : memref<4x200x64xf32, #tpu.memory_space<vmem>> -> memref<1x200x64xf32, #tpu.memory_space<vmem>>
    %dma_start3A_849 = tpu.memref_squeeze %dma_start3A_848 : memref<1x200x64xf32, #tpu.memory_space<vmem>> -> memref<200x64xf32, #tpu.memory_space<vmem>>
    tpu.enqueue_dma source(%dma_start3A_849 : memref<200x64xf32, #tpu.memory_space<vmem>>) target(%dma_start3A_845 : memref<200x64xf32, #tpu.memory_space<hbm>>) target_semaphore(%dma_start3A_841 : memref<!tpu.dma_semaphore, #tpu.memory_space<semaphore_mem>>)
    %dma_wait3A_850 = arith.constant 2 : i32
    %dma_wait3A_851 = arith.constant 2 : i32
    %dma_wait3A_852 = arith.constant 0 : i32
    %dma_wait3A_853 = arith.constant 0 : i32
    %dma_wait3A_854 = tpu.memref_slice %arg6[%dma_wait3A_850, %dma_wait3A_852, %dma_wait3A_853] : memref<4x200x64xf32, #tpu.memory_space<vmem>> -> memref<1x200x64xf32, #tpu.memory_space<vmem>>
    %dma_wait3A_855 = tpu.memref_squeeze %dma_wait3A_854 : memref<1x200x64xf32, #tpu.memory_space<vmem>> -> memref<200x64xf32, #tpu.memory_space<vmem>>
    %dma_wait3A_856 = arith.constant 0 : i32
    %dma_wait3A_857 = arith.constant 0 : i32
    %dma_wait3A_858 = tpu.memref_slice %arg4[%mul3A_2, %dma_wait3A_856, %dma_wait3A_857] : memref<4096x200x64xf32, #tpu.memory_space<hbm>> -> memref<1x200x64xf32, #tpu.memory_space<hbm>>
    %dma_wait3A_859 = tpu.memref_squeeze %dma_wait3A_858 : memref<1x200x64xf32, #tpu.memory_space<hbm>> -> memref<200x64xf32, #tpu.memory_space<hbm>>
    %dma_wait3A_860 = tpu.memref_slice %arg8[%dma_wait3A_851] : memref<4x!tpu.dma_semaphore, #tpu.memory_space<semaphore_mem>> -> memref<1x!tpu.dma_semaphore, #tpu.memory_space<semaphore_mem>>
    %dma_wait3A_861 = tpu.memref_squeeze %dma_wait3A_860 : memref<1x!tpu.dma_semaphore, #tpu.memory_space<semaphore_mem>> -> memref<!tpu.dma_semaphore, #tpu.memory_space<semaphore_mem>>
    %dma_wait3A_862 = arith.constant 0 : i32
    %dma_wait3A_863 = arith.constant 0 : i32
    %dma_wait3A_864 = tpu.memref_slice %arg6[%dma_wait3A_850, %dma_wait3A_862, %dma_wait3A_863] : memref<4x200x64xf32, #tpu.memory_space<vmem>> -> memref<1x200x64xf32, #tpu.memory_space<vmem>>
    %dma_wait3A_865 = tpu.memref_squeeze %dma_wait3A_864 : memref<1x200x64xf32, #tpu.memory_space<vmem>> -> memref<200x64xf32, #tpu.memory_space<vmem>>
    %dma_wait3A_866 = arith.constant 0 : i32
    %dma_wait3A_867 = arith.constant 0 : i32
    %dma_wait3A_868 = tpu.memref_slice %arg4[%mul3A_2, %dma_wait3A_866, %dma_wait3A_867] : memref<4096x200x64xf32, #tpu.memory_space<hbm>> -> memref<1x200x64xf32, #tpu.memory_space<hbm>>
    %dma_wait3A_869 = tpu.memref_squeeze %dma_wait3A_868 : memref<1x200x64xf32, #tpu.memory_space<hbm>> -> memref<200x64xf32, #tpu.memory_space<hbm>>
    tpu.wait_dma2 semaphore(%dma_wait3A_861 : memref<!tpu.dma_semaphore, #tpu.memory_space<semaphore_mem>>) src(%dma_wait3A_869 : memref<200x64xf32, #tpu.memory_space<hbm>>) dst(%dma_wait3A_865 : memref<200x64xf32, #tpu.memory_space<vmem>>)
    %add3A_870 = arith.constant 126 : i32
    %add3A_871 = arith.addi %mul3A_2, %add3A_870 : i32
    %dma_start3A_872 = arith.constant 2 : i32
    %dma_start3A_873 = arith.constant 2 : i32
    %dma_start3A_874 = arith.constant 0 : i32
    %dma_start3A_875 = arith.constant 0 : i32
    %dma_start3A_876 = tpu.memref_slice %arg6[%dma_start3A_872, %dma_start3A_874, %dma_start3A_875] : memref<4x200x64xf32, #tpu.memory_space<vmem>> -> memref<1x200x64xf32, #tpu.memory_space<vmem>>
    %dma_start3A_877 = tpu.memref_squeeze %dma_start3A_876 : memref<1x200x64xf32, #tpu.memory_space<vmem>> -> memref<200x64xf32, #tpu.memory_space<vmem>>
    %dma_start3A_878 = arith.constant 0 : i32
    %dma_start3A_879 = arith.constant 0 : i32
    %dma_start3A_880 = tpu.memref_slice %arg4[%add3A_871, %dma_start3A_878, %dma_start3A_879] : memref<4096x200x64xf32, #tpu.memory_space<hbm>> -> memref<1x200x64xf32, #tpu.memory_space<hbm>>
    %dma_start3A_881 = tpu.memref_squeeze %dma_start3A_880 : memref<1x200x64xf32, #tpu.memory_space<hbm>> -> memref<200x64xf32, #tpu.memory_space<hbm>>
    %dma_start3A_882 = tpu.memref_slice %arg9[%dma_start3A_873] : memref<4x!tpu.dma_semaphore, #tpu.memory_space<semaphore_mem>> -> memref<1x!tpu.dma_semaphore, #tpu.memory_space<semaphore_mem>>
    %dma_start3A_883 = tpu.memref_squeeze %dma_start3A_882 : memref<1x!tpu.dma_semaphore, #tpu.memory_space<semaphore_mem>> -> memref<!tpu.dma_semaphore, #tpu.memory_space<semaphore_mem>>
    %dma_start3A_884 = arith.constant 0 : i32
    %dma_start3A_885 = arith.constant 0 : i32
    %dma_start3A_886 = tpu.memref_slice %arg4[%add3A_871, %dma_start3A_884, %dma_start3A_885] : memref<4096x200x64xf32, #tpu.memory_space<hbm>> -> memref<1x200x64xf32, #tpu.memory_space<hbm>>
    %dma_start3A_887 = tpu.memref_squeeze %dma_start3A_886 : memref<1x200x64xf32, #tpu.memory_space<hbm>> -> memref<200x64xf32, #tpu.memory_space<hbm>>
    %dma_start3A_888 = arith.constant 0 : i32
    %dma_start3A_889 = arith.constant 0 : i32
    %dma_start3A_890 = tpu.memref_slice %arg6[%dma_start3A_872, %dma_start3A_888, %dma_start3A_889] : memref<4x200x64xf32, #tpu.memory_space<vmem>> -> memref<1x200x64xf32, #tpu.memory_space<vmem>>
    %dma_start3A_891 = tpu.memref_squeeze %dma_start3A_890 : memref<1x200x64xf32, #tpu.memory_space<vmem>> -> memref<200x64xf32, #tpu.memory_space<vmem>>
    tpu.enqueue_dma source(%dma_start3A_891 : memref<200x64xf32, #tpu.memory_space<vmem>>) target(%dma_start3A_887 : memref<200x64xf32, #tpu.memory_space<hbm>>) target_semaphore(%dma_start3A_883 : memref<!tpu.dma_semaphore, #tpu.memory_space<semaphore_mem>>)
    %dma_wait3A_892 = arith.constant 3 : i32
    %dma_wait3A_893 = arith.constant 3 : i32
    %dma_wait3A_894 = arith.constant 0 : i32
    %dma_wait3A_895 = arith.constant 0 : i32
    %dma_wait3A_896 = tpu.memref_slice %arg6[%dma_wait3A_892, %dma_wait3A_894, %dma_wait3A_895] : memref<4x200x64xf32, #tpu.memory_space<vmem>> -> memref<1x200x64xf32, #tpu.memory_space<vmem>>
    %dma_wait3A_897 = tpu.memref_squeeze %dma_wait3A_896 : memref<1x200x64xf32, #tpu.memory_space<vmem>> -> memref<200x64xf32, #tpu.memory_space<vmem>>
    %dma_wait3A_898 = arith.constant 0 : i32
    %dma_wait3A_899 = arith.constant 0 : i32
    %dma_wait3A_900 = tpu.memref_slice %arg4[%mul3A_2, %dma_wait3A_898, %dma_wait3A_899] : memref<4096x200x64xf32, #tpu.memory_space<hbm>> -> memref<1x200x64xf32, #tpu.memory_space<hbm>>
    %dma_wait3A_901 = tpu.memref_squeeze %dma_wait3A_900 : memref<1x200x64xf32, #tpu.memory_space<hbm>> -> memref<200x64xf32, #tpu.memory_space<hbm>>
    %dma_wait3A_902 = tpu.memref_slice %arg8[%dma_wait3A_893] : memref<4x!tpu.dma_semaphore, #tpu.memory_space<semaphore_mem>> -> memref<1x!tpu.dma_semaphore, #tpu.memory_space<semaphore_mem>>
    %dma_wait3A_903 = tpu.memref_squeeze %dma_wait3A_902 : memref<1x!tpu.dma_semaphore, #tpu.memory_space<semaphore_mem>> -> memref<!tpu.dma_semaphore, #tpu.memory_space<semaphore_mem>>
    %dma_wait3A_904 = arith.constant 0 : i32
    %dma_wait3A_905 = arith.constant 0 : i32
    %dma_wait3A_906 = tpu.memref_slice %arg6[%dma_wait3A_892, %dma_wait3A_904, %dma_wait3A_905] : memref<4x200x64xf32, #tpu.memory_space<vmem>> -> memref<1x200x64xf32, #tpu.memory_space<vmem>>
    %dma_wait3A_907 = tpu.memref_squeeze %dma_wait3A_906 : memref<1x200x64xf32, #tpu.memory_space<vmem>> -> memref<200x64xf32, #tpu.memory_space<vmem>>
    %dma_wait3A_908 = arith.constant 0 : i32
    %dma_wait3A_909 = arith.constant 0 : i32
    %dma_wait3A_910 = tpu.memref_slice %arg4[%mul3A_2, %dma_wait3A_908, %dma_wait3A_909] : memref<4096x200x64xf32, #tpu.memory_space<hbm>> -> memref<1x200x64xf32, #tpu.memory_space<hbm>>
    %dma_wait3A_911 = tpu.memref_squeeze %dma_wait3A_910 : memref<1x200x64xf32, #tpu.memory_space<hbm>> -> memref<200x64xf32, #tpu.memory_space<hbm>>
    tpu.wait_dma2 semaphore(%dma_wait3A_903 : memref<!tpu.dma_semaphore, #tpu.memory_space<semaphore_mem>>) src(%dma_wait3A_911 : memref<200x64xf32, #tpu.memory_space<hbm>>) dst(%dma_wait3A_907 : memref<200x64xf32, #tpu.memory_space<vmem>>)
    %add3A_912 = arith.constant 127 : i32
    %add3A_913 = arith.addi %mul3A_2, %add3A_912 : i32
    %dma_start3A_914 = arith.constant 3 : i32
    %dma_start3A_915 = arith.constant 3 : i32
    %dma_start3A_916 = arith.constant 0 : i32
    %dma_start3A_917 = arith.constant 0 : i32
    %dma_start3A_918 = tpu.memref_slice %arg6[%dma_start3A_914, %dma_start3A_916, %dma_start3A_917] : memref<4x200x64xf32, #tpu.memory_space<vmem>> -> memref<1x200x64xf32, #tpu.memory_space<vmem>>
    %dma_start3A_919 = tpu.memref_squeeze %dma_start3A_918 : memref<1x200x64xf32, #tpu.memory_space<vmem>> -> memref<200x64xf32, #tpu.memory_space<vmem>>
    %dma_start3A_920 = arith.constant 0 : i32
    %dma_start3A_921 = arith.constant 0 : i32
    %dma_start3A_922 = tpu.memref_slice %arg4[%add3A_913, %dma_start3A_920, %dma_start3A_921] : memref<4096x200x64xf32, #tpu.memory_space<hbm>> -> memref<1x200x64xf32, #tpu.memory_space<hbm>>
    %dma_start3A_923 = tpu.memref_squeeze %dma_start3A_922 : memref<1x200x64xf32, #tpu.memory_space<hbm>> -> memref<200x64xf32, #tpu.memory_space<hbm>>
    %dma_start3A_924 = tpu.memref_slice %arg9[%dma_start3A_915] : memref<4x!tpu.dma_semaphore, #tpu.memory_space<semaphore_mem>> -> memref<1x!tpu.dma_semaphore, #tpu.memory_space<semaphore_mem>>
    %dma_start3A_925 = tpu.memref_squeeze %dma_start3A_924 : memref<1x!tpu.dma_semaphore, #tpu.memory_space<semaphore_mem>> -> memref<!tpu.dma_semaphore, #tpu.memory_space<semaphore_mem>>
    %dma_start3A_926 = arith.constant 0 : i32
    %dma_start3A_927 = arith.constant 0 : i32
    %dma_start3A_928 = tpu.memref_slice %arg4[%add3A_913, %dma_start3A_926, %dma_start3A_927] : memref<4096x200x64xf32, #tpu.memory_space<hbm>> -> memref<1x200x64xf32, #tpu.memory_space<hbm>>
    %dma_start3A_929 = tpu.memref_squeeze %dma_start3A_928 : memref<1x200x64xf32, #tpu.memory_space<hbm>> -> memref<200x64xf32, #tpu.memory_space<hbm>>
    %dma_start3A_930 = arith.constant 0 : i32
    %dma_start3A_931 = arith.constant 0 : i32
    %dma_start3A_932 = tpu.memref_slice %arg6[%dma_start3A_914, %dma_start3A_930, %dma_start3A_931] : memref<4x200x64xf32, #tpu.memory_space<vmem>> -> memref<1x200x64xf32, #tpu.memory_space<vmem>>
    %dma_start3A_933 = tpu.memref_squeeze %dma_start3A_932 : memref<1x200x64xf32, #tpu.memory_space<vmem>> -> memref<200x64xf32, #tpu.memory_space<vmem>>
    tpu.enqueue_dma source(%dma_start3A_933 : memref<200x64xf32, #tpu.memory_space<vmem>>) target(%dma_start3A_929 : memref<200x64xf32, #tpu.memory_space<hbm>>) target_semaphore(%dma_start3A_925 : memref<!tpu.dma_semaphore, #tpu.memory_space<semaphore_mem>>)
    %dma_wait3A_934 = arith.constant 0 : i32
    %dma_wait3A_935 = arith.constant 0 : i32
    %dma_wait3A_936 = arith.constant 0 : i32
    %dma_wait3A_937 = arith.constant 0 : i32
    %dma_wait3A_938 = tpu.memref_slice %arg6[%dma_wait3A_934, %dma_wait3A_936, %dma_wait3A_937] : memref<4x200x64xf32, #tpu.memory_space<vmem>> -> memref<1x200x64xf32, #tpu.memory_space<vmem>>
    %dma_wait3A_939 = tpu.memref_squeeze %dma_wait3A_938 : memref<1x200x64xf32, #tpu.memory_space<vmem>> -> memref<200x64xf32, #tpu.memory_space<vmem>>
    %dma_wait3A_940 = arith.constant 0 : i32
    %dma_wait3A_941 = arith.constant 0 : i32
    %dma_wait3A_942 = tpu.memref_slice %arg4[%mul3A_2, %dma_wait3A_940, %dma_wait3A_941] : memref<4096x200x64xf32, #tpu.memory_space<hbm>> -> memref<1x200x64xf32, #tpu.memory_space<hbm>>
    %dma_wait3A_943 = tpu.memref_squeeze %dma_wait3A_942 : memref<1x200x64xf32, #tpu.memory_space<hbm>> -> memref<200x64xf32, #tpu.memory_space<hbm>>
    %dma_wait3A_944 = tpu.memref_slice %arg9[%dma_wait3A_935] : memref<4x!tpu.dma_semaphore, #tpu.memory_space<semaphore_mem>> -> memref<1x!tpu.dma_semaphore, #tpu.memory_space<semaphore_mem>>
    %dma_wait3A_945 = tpu.memref_squeeze %dma_wait3A_944 : memref<1x!tpu.dma_semaphore, #tpu.memory_space<semaphore_mem>> -> memref<!tpu.dma_semaphore, #tpu.memory_space<semaphore_mem>>
    %dma_wait3A_946 = arith.constant 0 : i32
    %dma_wait3A_947 = arith.constant 0 : i32
    %dma_wait3A_948 = tpu.memref_slice %arg4[%mul3A_2, %dma_wait3A_946, %dma_wait3A_947] : memref<4096x200x64xf32, #tpu.memory_space<hbm>> -> memref<1x200x64xf32, #tpu.memory_space<hbm>>
    %dma_wait3A_949 = tpu.memref_squeeze %dma_wait3A_948 : memref<1x200x64xf32, #tpu.memory_space<hbm>> -> memref<200x64xf32, #tpu.memory_space<hbm>>
    %dma_wait3A_950 = arith.constant 0 : i32
    %dma_wait3A_951 = arith.constant 0 : i32
    %dma_wait3A_952 = tpu.memref_slice %arg6[%dma_wait3A_934, %dma_wait3A_950, %dma_wait3A_951] : memref<4x200x64xf32, #tpu.memory_space<vmem>> -> memref<1x200x64xf32, #tpu.memory_space<vmem>>
    %dma_wait3A_953 = tpu.memref_squeeze %dma_wait3A_952 : memref<1x200x64xf32, #tpu.memory_space<vmem>> -> memref<200x64xf32, #tpu.memory_space<vmem>>
    tpu.wait_dma2 semaphore(%dma_wait3A_945 : memref<!tpu.dma_semaphore, #tpu.memory_space<semaphore_mem>>) src(%dma_wait3A_953 : memref<200x64xf32, #tpu.memory_space<vmem>>) dst(%dma_wait3A_949 : memref<200x64xf32, #tpu.memory_space<hbm>>)
    %dma_wait3A_954 = arith.constant 1 : i32
    %dma_wait3A_955 = arith.constant 1 : i32
    %dma_wait3A_956 = arith.constant 0 : i32
    %dma_wait3A_957 = arith.constant 0 : i32
    %dma_wait3A_958 = tpu.memref_slice %arg6[%dma_wait3A_954, %dma_wait3A_956, %dma_wait3A_957] : memref<4x200x64xf32, #tpu.memory_space<vmem>> -> memref<1x200x64xf32, #tpu.memory_space<vmem>>
    %dma_wait3A_959 = tpu.memref_squeeze %dma_wait3A_958 : memref<1x200x64xf32, #tpu.memory_space<vmem>> -> memref<200x64xf32, #tpu.memory_space<vmem>>
    %dma_wait3A_960 = arith.constant 0 : i32
    %dma_wait3A_961 = arith.constant 0 : i32
    %dma_wait3A_962 = tpu.memref_slice %arg4[%mul3A_2, %dma_wait3A_960, %dma_wait3A_961] : memref<4096x200x64xf32, #tpu.memory_space<hbm>> -> memref<1x200x64xf32, #tpu.memory_space<hbm>>
    %dma_wait3A_963 = tpu.memref_squeeze %dma_wait3A_962 : memref<1x200x64xf32, #tpu.memory_space<hbm>> -> memref<200x64xf32, #tpu.memory_space<hbm>>
    %dma_wait3A_964 = tpu.memref_slice %arg9[%dma_wait3A_955] : memref<4x!tpu.dma_semaphore, #tpu.memory_space<semaphore_mem>> -> memref<1x!tpu.dma_semaphore, #tpu.memory_space<semaphore_mem>>
    %dma_wait3A_965 = tpu.memref_squeeze %dma_wait3A_964 : memref<1x!tpu.dma_semaphore, #tpu.memory_space<semaphore_mem>> -> memref<!tpu.dma_semaphore, #tpu.memory_space<semaphore_mem>>
    %dma_wait3A_966 = arith.constant 0 : i32
    %dma_wait3A_967 = arith.constant 0 : i32
    %dma_wait3A_968 = tpu.memref_slice %arg4[%mul3A_2, %dma_wait3A_966, %dma_wait3A_967] : memref<4096x200x64xf32, #tpu.memory_space<hbm>> -> memref<1x200x64xf32, #tpu.memory_space<hbm>>
    %dma_wait3A_969 = tpu.memref_squeeze %dma_wait3A_968 : memref<1x200x64xf32, #tpu.memory_space<hbm>> -> memref<200x64xf32, #tpu.memory_space<hbm>>
    %dma_wait3A_970 = arith.constant 0 : i32
    %dma_wait3A_971 = arith.constant 0 : i32
    %dma_wait3A_972 = tpu.memref_slice %arg6[%dma_wait3A_954, %dma_wait3A_970, %dma_wait3A_971] : memref<4x200x64xf32, #tpu.memory_space<vmem>> -> memref<1x200x64xf32, #tpu.memory_space<vmem>>
    %dma_wait3A_973 = tpu.memref_squeeze %dma_wait3A_972 : memref<1x200x64xf32, #tpu.memory_space<vmem>> -> memref<200x64xf32, #tpu.memory_space<vmem>>
    tpu.wait_dma2 semaphore(%dma_wait3A_965 : memref<!tpu.dma_semaphore, #tpu.memory_space<semaphore_mem>>) src(%dma_wait3A_973 : memref<200x64xf32, #tpu.memory_space<vmem>>) dst(%dma_wait3A_969 : memref<200x64xf32, #tpu.memory_space<hbm>>)
    %dma_wait3A_974 = arith.constant 2 : i32
    %dma_wait3A_975 = arith.constant 2 : i32
    %dma_wait3A_976 = arith.constant 0 : i32
    %dma_wait3A_977 = arith.constant 0 : i32
    %dma_wait3A_978 = tpu.memref_slice %arg6[%dma_wait3A_974, %dma_wait3A_976, %dma_wait3A_977] : memref<4x200x64xf32, #tpu.memory_space<vmem>> -> memref<1x200x64xf32, #tpu.memory_space<vmem>>
    %dma_wait3A_979 = tpu.memref_squeeze %dma_wait3A_978 : memref<1x200x64xf32, #tpu.memory_space<vmem>> -> memref<200x64xf32, #tpu.memory_space<vmem>>
    %dma_wait3A_980 = arith.constant 0 : i32
    %dma_wait3A_981 = arith.constant 0 : i32
    %dma_wait3A_982 = tpu.memref_slice %arg4[%mul3A_2, %dma_wait3A_980, %dma_wait3A_981] : memref<4096x200x64xf32, #tpu.memory_space<hbm>> -> memref<1x200x64xf32, #tpu.memory_space<hbm>>
    %dma_wait3A_983 = tpu.memref_squeeze %dma_wait3A_982 : memref<1x200x64xf32, #tpu.memory_space<hbm>> -> memref<200x64xf32, #tpu.memory_space<hbm>>
    %dma_wait3A_984 = tpu.memref_slice %arg9[%dma_wait3A_975] : memref<4x!tpu.dma_semaphore, #tpu.memory_space<semaphore_mem>> -> memref<1x!tpu.dma_semaphore, #tpu.memory_space<semaphore_mem>>
    %dma_wait3A_985 = tpu.memref_squeeze %dma_wait3A_984 : memref<1x!tpu.dma_semaphore, #tpu.memory_space<semaphore_mem>> -> memref<!tpu.dma_semaphore, #tpu.memory_space<semaphore_mem>>
    %dma_wait3A_986 = arith.constant 0 : i32
    %dma_wait3A_987 = arith.constant 0 : i32
    %dma_wait3A_988 = tpu.memref_slice %arg4[%mul3A_2, %dma_wait3A_986, %dma_wait3A_987] : memref<4096x200x64xf32, #tpu.memory_space<hbm>> -> memref<1x200x64xf32, #tpu.memory_space<hbm>>
    %dma_wait3A_989 = tpu.memref_squeeze %dma_wait3A_988 : memref<1x200x64xf32, #tpu.memory_space<hbm>> -> memref<200x64xf32, #tpu.memory_space<hbm>>
    %dma_wait3A_990 = arith.constant 0 : i32
    %dma_wait3A_991 = arith.constant 0 : i32
    %dma_wait3A_992 = tpu.memref_slice %arg6[%dma_wait3A_974, %dma_wait3A_990, %dma_wait3A_991] : memref<4x200x64xf32, #tpu.memory_space<vmem>> -> memref<1x200x64xf32, #tpu.memory_space<vmem>>
    %dma_wait3A_993 = tpu.memref_squeeze %dma_wait3A_992 : memref<1x200x64xf32, #tpu.memory_space<vmem>> -> memref<200x64xf32, #tpu.memory_space<vmem>>
    tpu.wait_dma2 semaphore(%dma_wait3A_985 : memref<!tpu.dma_semaphore, #tpu.memory_space<semaphore_mem>>) src(%dma_wait3A_993 : memref<200x64xf32, #tpu.memory_space<vmem>>) dst(%dma_wait3A_989 : memref<200x64xf32, #tpu.memory_space<hbm>>)
    %dma_wait3A_994 = arith.constant 3 : i32
    %dma_wait3A_995 = arith.constant 3 : i32
    %dma_wait3A_996 = arith.constant 0 : i32
    %dma_wait3A_997 = arith.constant 0 : i32
    %dma_wait3A_998 = tpu.memref_slice %arg6[%dma_wait3A_994, %dma_wait3A_996, %dma_wait3A_997] : memref<4x200x64xf32, #tpu.memory_space<vmem>> -> memref<1x200x64xf32, #tpu.memory_space<vmem>>
    %dma_wait3A_999 = tpu.memref_squeeze %dma_wait3A_998 : memref<1x200x64xf32, #tpu.memory_space<vmem>> -> memref<200x64xf32, #tpu.memory_space<vmem>>
    %dma_wait3A_1000 = arith.constant 0 : i32
    %dma_wait3A_1001 = arith.constant 0 : i32
    %dma_wait3A_1002 = tpu.memref_slice %arg4[%mul3A_2, %dma_wait3A_1000, %dma_wait3A_1001] : memref<4096x200x64xf32, #tpu.memory_space<hbm>> -> memref<1x200x64xf32, #tpu.memory_space<hbm>>
    %dma_wait3A_1003 = tpu.memref_squeeze %dma_wait3A_1002 : memref<1x200x64xf32, #tpu.memory_space<hbm>> -> memref<200x64xf32, #tpu.memory_space<hbm>>
    %dma_wait3A_1004 = tpu.memref_slice %arg9[%dma_wait3A_995] : memref<4x!tpu.dma_semaphore, #tpu.memory_space<semaphore_mem>> -> memref<1x!tpu.dma_semaphore, #tpu.memory_space<semaphore_mem>>
    %dma_wait3A_1005 = tpu.memref_squeeze %dma_wait3A_1004 : memref<1x!tpu.dma_semaphore, #tpu.memory_space<semaphore_mem>> -> memref<!tpu.dma_semaphore, #tpu.memory_space<semaphore_mem>>
    %dma_wait3A_1006 = arith.constant 0 : i32
    %dma_wait3A_1007 = arith.constant 0 : i32
    %dma_wait3A_1008 = tpu.memref_slice %arg4[%mul3A_2, %dma_wait3A_1006, %dma_wait3A_1007] : memref<4096x200x64xf32, #tpu.memory_space<hbm>> -> memref<1x200x64xf32, #tpu.memory_space<hbm>>
    %dma_wait3A_1009 = tpu.memref_squeeze %dma_wait3A_1008 : memref<1x200x64xf32, #tpu.memory_space<hbm>> -> memref<200x64xf32, #tpu.memory_space<hbm>>
    %dma_wait3A_1010 = arith.constant 0 : i32
    %dma_wait3A_1011 = arith.constant 0 : i32
    %dma_wait3A_1012 = tpu.memref_slice %arg6[%dma_wait3A_994, %dma_wait3A_1010, %dma_wait3A_1011] : memref<4x200x64xf32, #tpu.memory_space<vmem>> -> memref<1x200x64xf32, #tpu.memory_space<vmem>>
    %dma_wait3A_1013 = tpu.memref_squeeze %dma_wait3A_1012 : memref<1x200x64xf32, #tpu.memory_space<vmem>> -> memref<200x64xf32, #tpu.memory_space<vmem>>
    tpu.wait_dma2 semaphore(%dma_wait3A_1005 : memref<!tpu.dma_semaphore, #tpu.memory_space<semaphore_mem>>) src(%dma_wait3A_1013 : memref<200x64xf32, #tpu.memory_space<vmem>>) dst(%dma_wait3A_1009 : memref<200x64xf32, #tpu.memory_space<hbm>>)
    return
  }
}

</mosaic_0001>

<sc_bundles>
// kernel: kernel.3.cloned.1.call-start
scs
__scs_entry_jumppad:
0x0: {  	(pc) =	sbr.rel $0x88, $3  }
0x1: {  	(tag) =	ssettag $0x0;
	lr =	simm.s32 $0x1  }
0x2: {  	[smem:$0x3F9F] =	sst lr;
	_ =	strace $0xD0000000  }
0x3: {  	_ = 	snop  }
0x4: {  	_ = 	snop  }
0x5: {  	_ = 	snop  }
0x6: {  	_ = 	snop  }
0x7: {  	_ = 	snop  }
__scs_overlays_trampoline_lowered:
0x8: {  	[smem:$0x3FAE] =	sst s0  }
0x9: {  	[smem:$0x3FAF] =	sst s1  }
0xa: {  	[smem:$0x3FB0] =	sst s2  }
0xb: {  	[smem:$0x3FB1] =	sst s3  }
0xc: {  	[smem:$0x3FB2] =	sst s4  }
0xd: {  	[smem:$0x3FB3] =	sst s5  }
0xe: {  	[smem:$0x3FB4] =	sst s6  }
0xf: {  	[smem:$0x3FB5] =	sst s7  }
0x10: {  	[smem:$0x3FB6] =	sst s8  }
0x11: {  	[smem:$0x3FB7] =	sst s9;
	s0 =	simm.s32 @!p0 $0x0  }
0x12: {  	s1 =	sld [smem:$0x3F9D];
	s0 =	simm.s32 @p0 $0x1  }
0x13: {  	[smem:$0x3FB8] =	sst s0;
	s0 =	simm.s32 @!p1 $0x0  }
0x14: {  	s2 =	sld [smem:$0x3F9C];
	s0 =	simm.s32 @p1 $0x1  }
0x15: {  	[smem:$0x3FB9] =	sst s0;
	s0 =	simm.s32 @!p2 $0x0  }
0x16: {  	s3 =	sld [smem:$0x3FDB];
	s0 =	simm.s32 @p2 $0x1  }
0x17: {  	s4 =	simm.s32 $0x1BF5;
	[smem:$0x3FBB] =	sst s0  }
0x18: {  	s0 =	sld [smem:$0x3F9E];
	_ =	swait.ge [sflag:s4], $0x0  }
0x19: {  	s7 =	sld [smem:$0x3F9F]  }
0x1a: {  	s8 =	sadd.s32 $0xFFFFE003, lr  }
0x1b: {  	s9 =	sadd.s32 $0xFFFFFEF7, lr;
	s5 =	simm.s32 $0xFFFFFFFF;
	p2 =	slt.u32 s8, $0xFFFFF086  }
0x1c: {  	p1 =	slt.u32 s9, $0xF7A;
	s5 =	simm.s32 @!p2 $0x0  }
0x1d: {  	s5 =	simm.s32 @p1 $0x1;
	p0 =	seq.s32 s7, s2  }
0x1e: {  	s7 =	smul.u32 @!p0 $0xF7A, s2;
	p2 =	seq.s32 @!p0 s5, $0x0  }
0x1f: {  	s9 =	smul.u32 $0xF7A, s1;
	s8 =	simm.s32 @!p0 $0x1BF5;
	p2 =	por !p2, p0  }
0x20: {  	[sflag:s8] =	ssyncset.s32 @!p0 $0xFFFFF086;
	s6 =	sadd.s32 @!p0 s3, s7;
	s7 =	simm.s32 @!p0 $0x108  }
0x21: {  	s3 =	sadd.s32 s3, s9;
	s6 =	sadd.s32 @!p0 $0x88, s6;
	s7 =	simm.s32 @p2 $0x1082  }
0x22: {  	[simem:s7], [sflag:s8] =	dma.local @!p0 [hbm:s6], $0xF7A  }
0x23: {  	s9 =	sor.u32 $0xD0000000, s2;
	s6 =	simm.s32 $0x108;
	_ =	swait.ge @!p0 [sflag:s8], $0x0  }
0x24: {  	s3 =	sadd.s32 $0x88, s3;
	s6 =	simm.s32 @!p1 $0x1082;
	[sflag:s4] =	ssyncset.s32 $0xFFFFF086  }
0x25: {  	[simem:s6], [sflag:s4] =	dma.local [hbm:s3], $0xF7A  }
0x26: {  	[smem:$0x3F9F] =	sst s1;
	(tag) =	ssettag s2;
	_ =	strace s9  }
0x27: {  	s1 =	sld [smem:$0x3FAF]  }
0x28: {  	s2 =	sld [smem:$0x3FB0]  }
0x29: {  	s4 =	sld [smem:$0x3FB2]  }
0x2a: {  	p0 =	seq.s32 s5, $0x0;
	s5 =	sld [smem:$0x3FB3]  }
0x2b: {  	s6 =	sld [smem:$0x3FB4]  }
0x2c: {  	s7 =	sld [smem:$0x3FB5]  }
0x2d: {  	s3 =	simm.s32 $0x108;
	s8 =	sld [smem:$0x3FB6]  }
0x2e: {  	s3 =	simm.s32 @!p0 $0x1082;
	s9 =	sld [smem:$0x3FB7]  }
0x2f: {  	lr =	sadd.s32 s0, s3;
	s0 =	sld [smem:$0x3FAE]  }
0x30: {  	s3 =	sld [smem:$0x3FB1]  }
0x31: {  	[smem:$0x3FBA] =	sst s10  }
0x32: {  	s10 =	sld [smem:$0x3FB8];
	_ =	sdelay $0x3  }
0x33: {  	p0 =	seq.s32 s10, $0x1;
	s10 =	sld [smem:$0x3FBA];
	_ =	sdelay $0x3  }
0x34: {  	[smem:$0x3FBA] =	sst s10  }
0x35: {  	s10 =	sld [smem:$0x3FB9];
	_ =	sdelay $0x3  }
0x36: {  	p1 =	seq.s32 s10, $0x1;
	s10 =	sld [smem:$0x3FBA];
	_ =	sdelay $0x3  }
0x37: {  	[smem:$0x3FBA] =	sst s10  }
0x38: {  	s10 =	sld [smem:$0x3FBB]  }
0x39: {  	_ = 	snop;
	(pc) =	sbr.ind lr, $3  }
0x3a: {  	_ = 	snop  }
0x3b: {  	_ = 	snop  }
0x3c: {  	p2 =	seq.s32 s10, $0x1;
	s10 =	sld [smem:$0x3FBA]  }
0x3d: {  	_ =	shalt  }
0x3e: {  	_ =	shalt  }
0x3f: {  	_ =	shalt  }
0x40: {  	_ =	shalt  }
0x41: {  	_ =	shalt  }
0x42: {  	_ =	shalt  }
0x43: {  	_ =	shalt  }
0x44: {  	_ =	shalt  }
0x45: {  	_ =	shalt  }
0x46: {  	_ =	shalt  }
0x47: {  	_ =	shalt  }
0x48: {  	_ =	shalt  }
0x49: {  	_ =	shalt  }
0x4a: {  	_ =	shalt  }
0x4b: {  	_ =	shalt  }
0x4c: {  	_ =	shalt  }
0x4d: {  	_ =	shalt  }
0x4e: {  	_ =	shalt  }
0x4f: {  	_ =	shalt  }
0x50: {  	_ =	shalt  }
0x51: {  	_ =	shalt  }
0x52: {  	_ =	shalt  }
0x53: {  	_ =	shalt  }
0x54: {  	_ =	shalt  }
0x55: {  	_ =	shalt  }
0x56: {  	_ =	shalt  }
0x57: {  	_ =	shalt  }
0x58: {  	_ =	shalt  }
0x59: {  	_ =	shalt  }
0x5a: {  	_ =	shalt  }
0x5b: {  	_ =	shalt  }
0x5c: {  	_ =	shalt  }
0x5d: {  	_ =	shalt  }
0x5e: {  	_ =	shalt  }
0x5f: {  	_ =	shalt  }
0x60: {  	_ =	shalt  }
0x61: {  	_ =	shalt  }
0x62: {  	_ =	shalt  }
0x63: {  	_ =	shalt  }
0x64: {  	_ =	shalt  }
0x65: {  	_ =	shalt  }
0x66: {  	_ =	shalt  }
0x67: {  	_ =	shalt  }
0x68: {  	_ =	shalt  }
0x69: {  	_ =	shalt  }
0x6a: {  	_ =	shalt  }
0x6b: {  	_ =	shalt  }
0x6c: {  	_ =	shalt  }
0x6d: {  	_ =	shalt  }
0x6e: {  	_ =	shalt  }
0x6f: {  	_ =	shalt  }
0x70: {  	_ =	shalt  }
0x71: {  	_ =	shalt  }
0x72: {  	_ =	shalt  }
0x73: {  	_ =	shalt  }
0x74: {  	_ =	shalt  }
0x75: {  	_ =	shalt  }
0x76: {  	_ =	shalt  }
0x77: {  	_ =	shalt  }
0x78: {  	_ =	shalt  }
0x79: {  	_ =	shalt  }
0x7a: {  	_ =	shalt  }
0x7b: {  	_ =	shalt  }
0x7c: {  	_ =	shalt  }
0x7d: {  	_ =	shalt  }
0x7e: {  	_ =	shalt  }
0x7f: {  	_ =	shalt  }
0x80: {  	_ =	shalt  }
0x81: {  	_ =	shalt  }
0x82: {  	_ =	shalt  }
0x83: {  	_ =	shalt  }
0x84: {  	_ =	shalt  }
0x85: {  	_ =	shalt  }
0x86: {  	_ =	shalt  }
0x87: {  	_ =	shalt  }
.Lfunc_end0:
.L_simem_size_0:
called_computation.1_lowered:
.L_overlay_start_0:
0x88: {  	s2 =	sld [smem:$0x3FD9]  }
0x89: {  	s3 =	sld [smem:$0x3FFE];
	_ =	sdelay $0x1  }
0x8a: {  	s1 =	srdreg.scid  }
0x8b: {  	s0 =	sand.u32 $0x1, s1  }
0x8c: {  	s17 =	sshll.u32 s0, $0xA;
	s2 =	sadd.s32 s3, s2  }
0x8d: {  	s2 =	sadd.s32 s2, s17  }
0x8e: {  	[smem:$0x3FC6] =	sst s2  }
0x8f: {  	_ = 	snop  }
0x90: {  	s2 =	sld [smem:$0x3FD0];
	(tm) =	ssettm $0x1  }
0x91: {  	s18 =	sld [smem:$0x3FFB];
	_ =	sdelay $0x3  }
0x92: {  	_ =	strace s18  }
0x93: {  	s3 =	sld [smem:$0x3FFC];
	_ =	sdelay $0x3  }
0x94: {  	_ =	strace s3  }
0x95: {  	s3 =	sld [smem:$0x3FFD];
	_ =	sdelay $0x3  }
0x96: {  	_ =	strace s3  }
0x97: {  	_ =	strace $0x8FFFFFFF  }
0x98: {  	s19 =	sld [smem:$0x3FDB];
	_ =	sdelay $0x1  }
0x99: {  	s4 =	simm.s32 $_scs_section_size  }
0x9a: {  	s5 =	simm.s32 $_size__tile_overlayer_lowered;
	s6 =	simm.s32 $_tile_overlayer_lowered  }
0x9b: {  	s22 =	simm.s32 $0x1BFF;
	s21 =	sshll.u32 s6, $0x1;
	s3 =	sadd.s32 s4, s19  }
0x9c: {  	s7 =	simm.s32 $0x0;
	s20 =	sshll.u32 s5, $0x1;
	s5 =	sadd.s32 s21, s3  }
0x9d: {  	[timem:s7], [sflag:s22] =	dma.local [hbm:s5], s20  }
0x9e: {  	_ =	swait.ge [sflag:s22], s20  }
0x9f: {  	s4 =	ssub.s32 $0x0, s20;
	[sflag:s22] =	ssyncset.done $0x0  }
0xa0: {  	[sflag:s22] =	ssyncadd.s32 s4;
	_ =	sdelay $0x1  }
0xa1: {  	s23 =	simm.s32 $0x1B8B  }
0xa2: {  	_ =	swait.ge [sflag:s23], $0x1  }
0xa3: {  	[sflag:s23] =	ssyncset.done $0x0  }
0xa4: {  	s25 =	simm.s32 $0x1B8E;
	s24 =	sld [smem:$0x3FFE];
	[sflag:s23] =	ssyncadd.s32 $0xFFFFFFFF  }
0xa5: {  	s26 =	simm.s32 $execute0_lowered;
	[smem:$0x3FD2] =	sst s25  }
0xa6: {  	s5 =	sshll.u32 s26, $0x1;
	_ =	strace $0x80000046;
	[dreg:$0x1] =	wrdreg $0xFFFFFFFF  }
0xa7: {  	s28 =	simm.s32 $_size_execute0_lowered;
	s3 =	sadd.s32 s3, s5;
	[dreg:$0x0] =	wrdreg $0x0  }
0xa8: {  	s5 =	sshll.u32 s28, $0x1;
	[dreg:$0x2] =	wrdreg s3  }
0xa9: {  	[dreg:$0x3] =	wrdreg s5  }
0xaa: {  	[dreg:$0x4] =	wrdreg $0xC0  }
0xab: {  	_ =	task [dreg:s7], $0x5FFFF  }
0xac: {  	[dreg:$0x1] =	wrdreg $0xFFFFFFFF  }
0xad: {  	[dreg:$0x0] =	wrdreg $0x60  }
0xae: {  	[dreg:$0x2] =	wrdreg s24  }
0xaf: {  	[dreg:$0x3] =	wrdreg s2  }
0xb0: {  	[dreg:$0x4] =	wrdreg $0x9  }
0xb1: {  	_ =	task.clear_ibuf [dreg:s7], $0x5FFFF;
	_ =	strace $0x90000046  }
0xb2: {  	s29 =	simm.s32 $0x9;
	_ =	strace $0x80000048  }
0xb3: {  	_ =	swait.ge [sflag:s29], $0x1  }
0xb4: {  	[sflag:s29] =	ssyncadd.s32 $0xFFFFFFFF  }
0xb5: {  	_ =	strace $0x90000048  }
0xb6: {  	_ =	sfence  }
0xb7: {  	s30 =	sld [smem:$0x0];
	_ =	sdelay $0x2  }
0xb8: {  	s31 =	sshll.u32 s1, $0xD;
	s1 =	sshrl.u32 s1, $0x2  }
0xb9: {  	s3 =	sand.u32 $0x4000, s31;
	s1 =	sadd.s32 s1, s30  }
0xba: {  	s0 =	sor.u32 s3, s0;
	s1 =	sshll.u32 s1, $0x11  }
0xbb: {  	s0 =	sor.u32 s1, s0  }
0xbc: {  	s0 =	sadd.s32 $0x8F2B, s0  }
0xbd: {  	[sflag:s0] =	ssyncadd.remote.s32 $0x1  }
0xbe: {  	_ =	sfence.sel $0xFFFF  }
0xbf: {  	[dreg:$0x0] =	wrdreg $0xFFFFFFFF;
	(pc) =	sbr.abs _section_cstart, $3  }
0xc0: {  	[dreg:$0x1] =	wrdreg $0xFFFFFFFF  }
0xc1: {  	_ =	task.clear_ibuf [dreg:s7], $0x2FFFF;
	_ =	strace $0x9FFFFFFF  }
0xc2: {  	(tm) =	ssettm $0x7FFFFFFF  }
0xc3: {  	_ =	shalt  }
tec
execute0_lowered:
.L_overlay_start_1:
0x0: {  	(tag) =	ssettag $0x1  }
0x1: {  	s2 =	srdreg.scid;
	s15 =	stileid.u32  }
0x2: {  	s4 =	sand.u32 $0x1, s2;
	s20 =	smul.u32 $0x1900, s15  }
0x3: {  	s3 =	sshll.u32 s15, $0x8;
	s5 =	sshll.u32 s4, $0x7;
	s21 =	smul.u32 $0xC80, s4  }
0x4: {  	s10 =	ssub.s32 $0x2, s4;
	s4 =	smul.u32 $0x32000, s4;
	s5 =	sor.u32 s5, s3  }
0x5: {  	s0 =	rddreg [dreg:$0x0];
	s6 =	smul.u32 $0x19, s5  }
0x6: {  	s1 =	rddreg [dreg:$0x1];
	s23 =	smul.u32 $0x640, s5  }
0x7: {  	s2 =	simm.s32 $0x0;
	s7 =	sor.u32 $0x1, s5;
	s26 =	smul.u32 $0xC8, s5  }
0x8: {  	s9 =	sor.u32 $0x2, s5;
	s12 =	sor.u32 $0x3, s5;
	s5 =	smul.u32 $0x3200, s5  }
0x9: {  	s28 =	simm.s32 $0x320;
	[smem:$0x7FF] =	sst s2;
	s8 =	smul.u32 $0x19, s7  }
0xa: {  	s29 =	simm.s32 $0x48;
	_ =	strace $0x80000047;
	s11 =	smul.u32 $0x19, s9  }
0xb: {  	s31 =	simm.s32 $0x2;
	s3 =	sadd.s32 $0xF42E00, s0;
	s14 =	smul.u32 $0x19, s12  }
0xc: {  	s0 =	sadd.s32 $0xA00, s0;
	s13 =	sshrl.u32 s10, $0x1;
	s7 =	smul.u32 $0x640, s7  }
0xd: {  	s10 =	ssub.s32 s10, s13;
	s13 =	simm.s32 $0x5520;
	s17 =	smul.u32 $0x640, s12  }
0xe: {  	s12 =	simm.s32 $0x148;
	s22 =	sadd.s32 s0, s6;
	s6 =	sadd.s32 s1, s23  }
0xf: {  	s16 =	sshrl.u32 s26, $0x3;
	s5 =	sshrl.u32 s5, $0x3;
	[dreg:$0x8] =	wrdreg s6  }
0x10: {  	s8 =	sadd.s32 s0, s8;
	s24 =	sadd.s32 s0, s11;
	[dreg:$0x4] =	wrdreg s22  }
0x11: {  	s25 =	sadd.s32 s0, s14;
	s30 =	sadd.s32 $0x64, s22;
	[dreg:$0x5] =	wrdreg s8  }
0x12: {  	s7 =	sadd.s32 s1, s7;
	s11 =	smul.u32 $0x640, s9;
	[dreg:$0x6] =	wrdreg s24  }
0x13: {  	s14 =	sadd.s32 $0x7D, s22;
	s18 =	sadd.s32 s0, s16;
	[dreg:$0x7] =	wrdreg s25  }
0x14: {  	s19 =	sadd.s32 s1, s17;
	s6 =	sadd.s32 $0x578, s26;
	[dreg:$0x9] =	wrdreg s30  }
0x15: {  	s5 =	sadd.s32 s1, s5;
	s26 =	smax.u32 s10, $0x1;
	[dreg:$0xa] =	wrdreg s7  }
0x16: {  	s10 =	simm.s32 $0x4;
	s16 =	simm.s32 $0x8;
	[dreg:$0xb] =	wrdreg s14  }
0x17: {  	s17 =	simm.s32 $0x9;
	[dreg:$0xe] =	wrdreg s19;
	s6 =	sshrl.u32 s6, $0x3  }
0x18: {  	s22 =	sadd.s32 $0x30700, s5;
	s23 =	sadd.s32 $0x30D40, s5;
	s24 =	smul.u32 $0x64000, s15  }
0x19: {  	s25 =	sadd.s32 $0x31380, s5;
	s5 =	sadd.s32 $0x319C0, s5;
	[dreg:$0x14] =	wrdreg s26  }
0x1a: {  	s26 =	simm.s32 $0x80;
	s14 =	simm.s32 $0x5;
	[dreg:$0x10] =	wrdreg s22  }
0x1b: {  	s15 =	simm.s32 $0x7;
	s19 =	simm.s32 $0xB;
	[dreg:$0x11] =	wrdreg s23  }
0x1c: {  	s7 =	sadd.s32 s1, s11;
	s6 =	sadd.s32 s0, s6;
	[dreg:$0x12] =	wrdreg s25  }
0x1d: {  	s0 =	sadd.s32 s20, s0;
	[dreg:$0x13] =	wrdreg s5;
	s22 =	simm.s32 $0xC8  }
0x1e: {  	s23 =	simm.s32 $0x190;
	s25 =	simm.s32 $0x1;
	s11 =	simm.s32 $0x9920  }
0x1f: {  	s20 =	simm.s32 $0xC;
	s5 =	simm.s32 $0x0;
	[dreg:$0xc] =	wrdreg s7  }
0x20: {  	s7 =	sadd.s32 $0x96, s18;
	[dreg:$0xf] =	wrdreg s6;
	s0 =	sadd.s32 s21, s0  }
0x21: {  	s1 =	sadd.s32 s24, s1;
	s24 =	simm.s32 $0x258;
	s6 =	simm.s32 $0x3  }
0x22: {  	s18 =	simm.s32 $0xA;
	[dreg:$0xd] =	wrdreg s7;
	s30 =	sadd.s32 s4, s1  }
0x23: {  	[dreg:$0x3] =	wrdreg s0;
	s7 =	simm.s32 $0x6720;
	s0 =	sadd.s32 $0x1900, s30  }
0x24: {  	s4 =	simm.s32 $0x6;
	[dreg:$0x15] =	wrdreg s0;
	s0 =	simm.s32 $0x3520  }
.LBB2_1:
0x25: {  	[dreg:$0x16] =	wrdreg s5  }
0x26: {  	s1 =	rddreg [dreg:$0x4]  }
0x27: {  	[tilespmem:s2], [sflag:$0x1] =	stream.linear.gather [hbm4b:s1+s2], $0xC8, $0x38;
	[tilespmem:$0xCB20] =	vst v63  }
0x28: {  	s21 =	rddreg [dreg:$0x5]  }
0x29: {  	[tilespmem:s22], [sflag:$0x2] =	stream.linear.gather [hbm4b:s21+s2], $0xC8, $0x38;
	[tilespmem:$0xCB20] =	vst v63  }
0x2a: {  	s5 =	rddreg [dreg:$0x6]  }
0x2b: {  	[tilespmem:s23], [sflag:$0x3] =	stream.linear.gather [hbm4b:s5+s2], $0xC8, $0x38;
	[tilespmem:$0xCB20] =	vst v63  }
0x2c: {  	s8 =	rddreg [dreg:$0x7]  }
0x2d: {  	[tilespmem:s24], [sflag:$0x4] =	stream.linear.gather [hbm4b:s8+s2], $0xC8, $0x38;
	[tilespmem:$0xCB20] =	vst v63  }
0x2e: {  	_ =	swait.ge [sflag:s25], $0xC8  }
0x2f: {  	[sflag:s25] =	ssyncset.done $0x0  }
0x30: {  	[sflag:s25] =	ssyncadd.s32 $0xFFFFFF38  }
0x31: {  	[tilespmem:s28], [sflag:$0x5] =	stream.indirect.gather [hbm4b:s3+s26], $0x40, s2, s26, $0xb8;
	[tilespmem:$0xCB20] =	vst v63  }
0x32: {  	s5 =	simm.s32 $0x2320  }
0x33: {  	[tilespmem:s5], [sflag:$0x5] =	stream.indirect.gather [hbm4b:s3+s29], $0x40, s26, s29, $0xb8;
	[tilespmem:$0xCB20] =	vst v63  }
0x34: {  	_ =	swait.ge [sflag:s31], $0xC8  }
0x35: {  	[sflag:s31] =	ssyncset.done $0x0  }
0x36: {  	[sflag:s31] =	ssyncadd.s32 $0xFFFFFF38  }
0x37: {  	[tilespmem:s0], [sflag:$0x6] =	stream.indirect.gather [hbm4b:s3+s26], $0x40, s22, s26, $0xb8;
	[tilespmem:$0xCB20] =	vst v63  }
0x38: {  	s21 =	simm.s32 $0x5520;
	s8 =	simm.s32 $0x148  }
0x39: {  	[tilespmem:s21], [sflag:$0x6] =	stream.indirect.gather [hbm4b:s3+s29], $0x40, s8, s29, $0xb8;
	[tilespmem:$0xCB20] =	vst v63  }
0x3a: {  	_ =	swait.ge [sflag:s6], $0xC8  }
0x3b: {  	[sflag:s6] =	ssyncset.done $0x0  }
0x3c: {  	[sflag:s6] =	ssyncadd.s32 $0xFFFFFF38  }
0x3d: {  	[tilespmem:s7], [sflag:$0x7] =	stream.indirect.gather [hbm4b:s3+s26], $0x40, s23, s26, $0xb8;
	[tilespmem:$0xCB20] =	vst v63  }
0x3e: {  	s9 =	simm.s32 $0x210;
	s30 =	simm.s32 $0x8720  }
0x3f: {  	[tilespmem:s30], [sflag:$0x7] =	stream.indirect.gather [hbm4b:s3+s29], $0x40, s9, s29, $0xb8;
	[tilespmem:$0xCB20] =	vst v63  }
0x40: {  	_ =	swait.ge [sflag:s10], $0xC8  }
0x41: {  	[sflag:s10] =	ssyncset.done $0x0  }
0x42: {  	[sflag:s10] =	ssyncadd.s32 $0xFFFFFF38  }
0x43: {  	[tilespmem:s11], [sflag:$0x8] =	stream.indirect.gather [hbm4b:s3+s26], $0x40, s24, s26, $0xb8;
	[tilespmem:$0xCB20] =	vst v63  }
0x44: {  	s1 =	simm.s32 $0x2D8;
	s9 =	simm.s32 $0xB920  }
0x45: {  	[tilespmem:s9], [sflag:$0x8] =	stream.indirect.gather [hbm4b:s3+s29], $0x40, s1, s29, $0xb8;
	[tilespmem:$0xCB20] =	vst v63  }
0x46: {  	_ =	swait.ge [sflag:s14], $0x3200  }
0x47: {  	[sflag:s14] =	ssyncset.done $0x0  }
0x48: {  	s9 =	rddreg [dreg:$0x8];
	[sflag:s14] =	ssyncadd.s32 $0xFFFFCE00  }
0x49: {  	[hbm4b:s9+s2] =	stream.linear.scatter [tilespmem:s28], [sflag:$0x9], $0x3200, $0x38;
	[tilespmem:$0xCB20] =	vst v63  }
0x4a: {  	s9 =	rddreg [dreg:$0x9]  }
0x4b: {  	[tilespmem:s2], [sflag:$0x1] =	stream.linear.gather [hbm4b:s9+s2], $0xC8, $0x38;
	[tilespmem:$0xCB20] =	vst v63  }
0x4c: {  	_ =	swait.ge [sflag:s4], $0x3200  }
0x4d: {  	[sflag:s4] =	ssyncset.done $0x0  }
0x4e: {  	s9 =	rddreg [dreg:$0xa];
	[sflag:s4] =	ssyncadd.s32 $0xFFFFCE00  }
0x4f: {  	[hbm4b:s9+s2] =	stream.linear.scatter [tilespmem:s0], [sflag:$0xA], $0x3200, $0x38;
	[tilespmem:$0xCB20] =	vst v63  }
0x50: {  	s9 =	rddreg [dreg:$0xb]  }
0x51: {  	[tilespmem:s22], [sflag:$0x2] =	stream.linear.gather [hbm4b:s9+s2], $0xC8, $0x38;
	[tilespmem:$0xCB20] =	vst v63  }
0x52: {  	_ =	swait.ge [sflag:s15], $0x3200  }
0x53: {  	[sflag:s15] =	ssyncset.done $0x0  }
0x54: {  	s9 =	rddreg [dreg:$0xc];
	[sflag:s15] =	ssyncadd.s32 $0xFFFFCE00  }
0x55: {  	[hbm4b:s9+s2] =	stream.linear.scatter [tilespmem:s7], [sflag:$0xB], $0x3200, $0x38;
	[tilespmem:$0xCB20] =	vst v63  }
0x56: {  	s9 =	rddreg [dreg:$0xd]  }
0x57: {  	[tilespmem:s23], [sflag:$0x3] =	stream.linear.gather [hbm4b:s9+s2], $0xC8, $0x38;
	[tilespmem:$0xCB20] =	vst v63  }
0x58: {  	_ =	swait.ge [sflag:s16], $0x3200  }
0x59: {  	[sflag:s16] =	ssyncset.done $0x0  }
0x5a: {  	s9 =	rddreg [dreg:$0xe];
	[sflag:s16] =	ssyncadd.s32 $0xFFFFCE00  }
0x5b: {  	[hbm4b:s9+s2] =	stream.linear.scatter [tilespmem:s11], [sflag:$0xC], $0x3200, $0x38;
	[tilespmem:$0xCB20] =	vst v63  }
0x5c: {  	s9 =	rddreg [dreg:$0xf]  }
0x5d: {  	[tilespmem:s24], [sflag:$0x4] =	stream.linear.gather [hbm4b:s9+s2], $0xC8, $0x38;
	[tilespmem:$0xCB20] =	vst v63  }
0x5e: {  	_ =	swait.ge [sflag:s25], $0xC8  }
0x5f: {  	[sflag:s25] =	ssyncset.done $0x0  }
0x60: {  	[sflag:s25] =	ssyncadd.s32 $0xFFFFFF38  }
0x61: {  	_ =	swait.ge [sflag:s17], $0x3200  }
0x62: {  	[sflag:s17] =	ssyncset.done $0x0  }
0x63: {  	[sflag:s17] =	ssyncadd.s32 $0xFFFFCE00  }
0x64: {  	[tilespmem:s28], [sflag:$0x5] =	stream.indirect.gather [hbm4b:s3+s26], $0x40, s2, s26, $0xb8;
	[tilespmem:$0xCB20] =	vst v63  }
0x65: {  	_ = 	snop  }
0x66: {  	[tilespmem:s5], [sflag:$0x5] =	stream.indirect.gather [hbm4b:s3+s29], $0x40, s26, s29, $0xb8;
	[tilespmem:$0xCB20] =	vst v63  }
0x67: {  	_ =	swait.ge [sflag:s31], $0xC8  }
0x68: {  	[sflag:s31] =	ssyncset.done $0x0  }
0x69: {  	[sflag:s31] =	ssyncadd.s32 $0xFFFFFF38  }
0x6a: {  	_ =	swait.ge [sflag:s18], $0x3200  }
0x6b: {  	[sflag:s18] =	ssyncset.done $0x0  }
0x6c: {  	[sflag:s18] =	ssyncadd.s32 $0xFFFFCE00  }
0x6d: {  	[tilespmem:s0], [sflag:$0x6] =	stream.indirect.gather [hbm4b:s3+s26], $0x40, s22, s26, $0xb8;
	[tilespmem:$0xCB20] =	vst v63  }
0x6e: {  	_ = 	snop  }
0x6f: {  	[tilespmem:s21], [sflag:$0x6] =	stream.indirect.gather [hbm4b:s3+s29], $0x40, s8, s29, $0xb8;
	[tilespmem:$0xCB20] =	vst v63  }
0x70: {  	_ =	swait.ge [sflag:s6], $0xC8  }
0x71: {  	[sflag:s6] =	ssyncset.done $0x0  }
0x72: {  	[sflag:s6] =	ssyncadd.s32 $0xFFFFFF38  }
0x73: {  	_ =	swait.ge [sflag:s19], $0x3200  }
0x74: {  	[sflag:s19] =	ssyncset.done $0x0  }
0x75: {  	[sflag:s19] =	ssyncadd.s32 $0xFFFFCE00  }
0x76: {  	[tilespmem:s7], [sflag:$0x7] =	stream.indirect.gather [hbm4b:s3+s26], $0x40, s23, s26, $0xb8;
	[tilespmem:$0xCB20] =	vst v63  }
0x77: {  	s5 =	simm.s32 $0x210  }
0x78: {  	[tilespmem:s30], [sflag:$0x7] =	stream.indirect.gather [hbm4b:s3+s29], $0x40, s5, s29, $0xb8;
	[tilespmem:$0xCB20] =	vst v63  }
0x79: {  	_ =	swait.ge [sflag:s10], $0xC8  }
0x7a: {  	[sflag:s10] =	ssyncset.done $0x0  }
0x7b: {  	[sflag:s10] =	ssyncadd.s32 $0xFFFFFF38  }
0x7c: {  	_ =	swait.ge [sflag:s20], $0x3200  }
0x7d: {  	[sflag:s20] =	ssyncset.done $0x0  }
0x7e: {  	[sflag:s20] =	ssyncadd.s32 $0xFFFFCE00  }
0x7f: {  	[tilespmem:s11], [sflag:$0x8] =	stream.indirect.gather [hbm4b:s3+s26], $0x40, s24, s26, $0xb8;
	[tilespmem:$0xCB20] =	vst v63  }
0x80: {  	s8 =	simm.s32 $0xB920;
	s21 =	simm.s32 $0x2D8  }
0x81: {  	[tilespmem:s8], [sflag:$0x8] =	stream.indirect.gather [hbm4b:s3+s29], $0x40, s21, s29, $0xb8;
	[tilespmem:$0xCB20] =	vst v63  }
0x82: {  	_ =	swait.ge [sflag:s14], $0x3200  }
0x83: {  	[sflag:s14] =	ssyncset.done $0x0;
	s5 =	rddreg [dreg:$0x3]  }
0x84: {  	s30 =	rddreg [dreg:$0x15];
	[sflag:s14] =	ssyncadd.s32 $0xFFFFCE00;
	s1 =	sadd.s32 $0x0, s5  }
0x85: {  	[hbm4b:s30+s2] =	stream.linear.scatter [tilespmem:s28], [sflag:$0x9], $0x3200, $0x38;
	[tilespmem:$0xCB20] =	vst v63  }
0x86: {  	s8 =	sadd.s32 $0xC8, s1  }
0x87: {  	[tilespmem:s2], [sflag:$0x1] =	stream.linear.gather [hbm4b:s8+s2], $0xC8, $0x38;
	[tilespmem:$0xCB20] =	vst v63  }
0x88: {  	_ =	swait.ge [sflag:s4], $0x3200  }
0x89: {  	[sflag:s4] =	ssyncset.done $0x0  }
0x8a: {  	s21 =	sadd.s32 $0x640, s30;
	[sflag:s4] =	ssyncadd.s32 $0xFFFFCE00  }
0x8b: {  	[hbm4b:s21+s2] =	stream.linear.scatter [tilespmem:s0], [sflag:$0xA], $0x3200, $0x38;
	[tilespmem:$0xCB20] =	vst v63  }
0x8c: {  	s8 =	sadd.s32 $0xE1, s1  }
0x8d: {  	[tilespmem:s22], [sflag:$0x2] =	stream.linear.gather [hbm4b:s8+s2], $0xC8, $0x38;
	[tilespmem:$0xCB20] =	vst v63  }
0x8e: {  	_ =	swait.ge [sflag:s15], $0x3200  }
0x8f: {  	[sflag:s15] =	ssyncset.done $0x0  }
0x90: {  	s21 =	sadd.s32 $0xC80, s30;
	[sflag:s15] =	ssyncadd.s32 $0xFFFFCE00  }
0x91: {  	[hbm4b:s21+s2] =	stream.linear.scatter [tilespmem:s7], [sflag:$0xB], $0x3200, $0x38;
	[tilespmem:$0xCB20] =	vst v63  }
0x92: {  	s8 =	sadd.s32 $0xFA, s1  }
0x93: {  	[tilespmem:s23], [sflag:$0x3] =	stream.linear.gather [hbm4b:s8+s2], $0xC8, $0x38;
	[tilespmem:$0xCB20] =	vst v63  }
0x94: {  	_ =	swait.ge [sflag:s16], $0x3200  }
0x95: {  	[sflag:s16] =	ssyncset.done $0x0  }
0x96: {  	s21 =	sadd.s32 $0x12C0, s30;
	[sflag:s16] =	ssyncadd.s32 $0xFFFFCE00  }
0x97: {  	[hbm4b:s21+s2] =	stream.linear.scatter [tilespmem:s11], [sflag:$0xC], $0x3200, $0x38;
	[tilespmem:$0xCB20] =	vst v63  }
0x98: {  	s9 =	simm.s32 $0x2320;
	s5 =	sadd.s32 $0x113, s1;
	s21 =	simm.s32 $0x64  }
.LBB2_2:
0x99: {  	[tilespmem:s24], [sflag:$0x4] =	stream.linear.gather [hbm4b:s5+s2], $0xC8, $0x38;
	[tilespmem:$0xCB20] =	vst v63  }
0x9a: {  	_ =	swait.ge [sflag:s25], $0xC8  }
0x9b: {  	[sflag:s25] =	ssyncset.done $0x0  }
0x9c: {  	[sflag:s25] =	ssyncadd.s32 $0xFFFFFF38  }
0x9d: {  	_ =	swait.ge [sflag:s17], $0x3200  }
0x9e: {  	[sflag:s17] =	ssyncset.done $0x0  }
0x9f: {  	[sflag:s17] =	ssyncadd.s32 $0xFFFFCE00  }
0xa0: {  	[tilespmem:s28], [sflag:$0x5] =	stream.indirect.gather [hbm4b:s3+s26], $0x40, s2, s26, $0xb8;
	[tilespmem:$0xCB20] =	vst v63  }
0xa1: {  	_ = 	snop  }
0xa2: {  	[tilespmem:s9], [sflag:$0x5] =	stream.indirect.gather [hbm4b:s3+s29], $0x40, s26, s29, $0xb8;
	[tilespmem:$0xCB20] =	vst v63  }
0xa3: {  	_ =	swait.ge [sflag:s31], $0xC8  }
0xa4: {  	[sflag:s31] =	ssyncset.done $0x0  }
0xa5: {  	[sflag:s31] =	ssyncadd.s32 $0xFFFFFF38  }
0xa6: {  	_ =	swait.ge [sflag:s18], $0x3200  }
0xa7: {  	[sflag:s18] =	ssyncset.done $0x0  }
0xa8: {  	[sflag:s18] =	ssyncadd.s32 $0xFFFFCE00  }
0xa9: {  	[tilespmem:s0], [sflag:$0x6] =	stream.indirect.gather [hbm4b:s3+s26], $0x40, s22, s26, $0xb8;
	[tilespmem:$0xCB20] =	vst v63  }
0xaa: {  	_ = 	snop  }
0xab: {  	[tilespmem:s13], [sflag:$0x6] =	stream.indirect.gather [hbm4b:s3+s29], $0x40, s12, s29, $0xb8;
	[tilespmem:$0xCB20] =	vst v63  }
0xac: {  	_ =	swait.ge [sflag:s6], $0xC8  }
0xad: {  	[sflag:s6] =	ssyncset.done $0x0  }
0xae: {  	[sflag:s6] =	ssyncadd.s32 $0xFFFFFF38  }
0xaf: {  	_ =	swait.ge [sflag:s19], $0x3200  }
0xb0: {  	[sflag:s19] =	ssyncset.done $0x0  }
0xb1: {  	[sflag:s19] =	ssyncadd.s32 $0xFFFFCE00  }
0xb2: {  	[tilespmem:s7], [sflag:$0x7] =	stream.indirect.gather [hbm4b:s3+s26], $0x40, s23, s26, $0xb8;
	[tilespmem:$0xCB20] =	vst v63  }
0xb3: {  	s5 =	simm.s32 $0x210;
	s8 =	simm.s32 $0x8720  }
0xb4: {  	[tilespmem:s8], [sflag:$0x7] =	stream.indirect.gather [hbm4b:s3+s29], $0x40, s5, s29, $0xb8;
	[tilespmem:$0xCB20] =	vst v63  }
0xb5: {  	_ =	swait.ge [sflag:s10], $0xC8  }
0xb6: {  	[sflag:s10] =	ssyncset.done $0x0  }
0xb7: {  	[sflag:s10] =	ssyncadd.s32 $0xFFFFFF38  }
0xb8: {  	_ =	swait.ge [sflag:s20], $0x3200  }
0xb9: {  	[sflag:s20] =	ssyncset.done $0x0  }
0xba: {  	[sflag:s20] =	ssyncadd.s32 $0xFFFFCE00  }
0xbb: {  	[tilespmem:s11], [sflag:$0x8] =	stream.indirect.gather [hbm4b:s3+s26], $0x40, s24, s26, $0xb8;
	[tilespmem:$0xCB20] =	vst v63  }
0xbc: {  	s5 =	simm.s32 $0x2D8;
	s8 =	simm.s32 $0xB920  }
0xbd: {  	[tilespmem:s8], [sflag:$0x8] =	stream.indirect.gather [hbm4b:s3+s29], $0x40, s5, s29, $0xb8;
	[tilespmem:$0xCB20] =	vst v63  }
0xbe: {  	_ =	swait.ge [sflag:s14], $0x3200  }
0xbf: {  	s1 =	smov.u32 s21;
	[sflag:s14] =	ssyncset.done $0x0;
	s8 =	rddreg [dreg:$0x3]  }
0xc0: {  	s30 =	sadd.s32 $0x1900, s30;
	[sflag:s14] =	ssyncadd.s32 $0xFFFFCE00;
	s1 =	sadd.s32 s1, s8  }
0xc1: {  	[hbm4b:s30+s2] =	stream.linear.scatter [tilespmem:s28], [sflag:$0x9], $0x3200, $0x38;
	[tilespmem:$0xCB20] =	vst v63  }
0xc2: {  	s5 =	sadd.s32 $0xC8, s1  }
0xc3: {  	[tilespmem:s2], [sflag:$0x1] =	stream.linear.gather [hbm4b:s5+s2], $0xC8, $0x38;
	[tilespmem:$0xCB20] =	vst v63  }
0xc4: {  	_ =	swait.ge [sflag:s4], $0x3200  }
0xc5: {  	[sflag:s4] =	ssyncset.done $0x0  }
0xc6: {  	s5 =	sadd.s32 $0x640, s30;
	[sflag:s4] =	ssyncadd.s32 $0xFFFFCE00  }
0xc7: {  	[hbm4b:s5+s2] =	stream.linear.scatter [tilespmem:s0], [sflag:$0xA], $0x3200, $0x38;
	[tilespmem:$0xCB20] =	vst v63  }
0xc8: {  	s8 =	sadd.s32 $0xE1, s1  }
0xc9: {  	[tilespmem:s22], [sflag:$0x2] =	stream.linear.gather [hbm4b:s8+s2], $0xC8, $0x38;
	[tilespmem:$0xCB20] =	vst v63  }
0xca: {  	_ =	swait.ge [sflag:s15], $0x3200  }
0xcb: {  	[sflag:s15] =	ssyncset.done $0x0  }
0xcc: {  	s5 =	sadd.s32 $0xC80, s30;
	[sflag:s15] =	ssyncadd.s32 $0xFFFFCE00  }
0xcd: {  	[hbm4b:s5+s2] =	stream.linear.scatter [tilespmem:s7], [sflag:$0xB], $0x3200, $0x38;
	[tilespmem:$0xCB20] =	vst v63  }
0xce: {  	p0 =	sne.s32 s21, $0xB54;
	s8 =	sadd.s32 $0xFA, s1  }
0xcf: {  	[tilespmem:s23], [sflag:$0x3] =	stream.linear.gather [hbm4b:s8+s2], $0xC8, $0x38;
	[tilespmem:$0xCB20] =	vst v63  }
.Ltmp0:
0xd0: {  	_ = 	snop;
	(pc) =	sbr.rel @p0 .LBB2_2-.Ltmp0, $4  }
0xd1: {  	_ =	swait.ge [sflag:s16], $0x3200  }
0xd2: {  	s21 =	sadd.s32 $0x64, s21;
	[sflag:s16] =	ssyncset.done $0x0  }
0xd3: {  	s5 =	sadd.s32 $0x113, s1;
	s8 =	sadd.s32 $0x12C0, s30;
	[sflag:s16] =	ssyncadd.s32 $0xFFFFCE00  }
0xd4: {  	[hbm4b:s8+s2] =	stream.linear.scatter [tilespmem:s11], [sflag:$0xC], $0x3200, $0x38;
	[tilespmem:$0xCB20] =	vst v63  }
0xd5: {  	[tilespmem:s24], [sflag:$0x4] =	stream.linear.gather [hbm4b:s5+s2], $0xC8, $0x38;
	[tilespmem:$0xCB20] =	vst v63  }
0xd6: {  	_ =	swait.ge [sflag:s25], $0xC8  }
0xd7: {  	[sflag:s25] =	ssyncset.done $0x0  }
0xd8: {  	[sflag:s25] =	ssyncadd.s32 $0xFFFFFF38  }
0xd9: {  	_ =	swait.ge [sflag:s17], $0x3200  }
0xda: {  	[sflag:s17] =	ssyncset.done $0x0  }
0xdb: {  	[sflag:s17] =	ssyncadd.s32 $0xFFFFCE00  }
0xdc: {  	[tilespmem:s28], [sflag:$0x5] =	stream.indirect.gather [hbm4b:s3+s26], $0x40, s2, s26, $0xb8;
	[tilespmem:$0xCB20] =	vst v63  }
0xdd: {  	_ = 	snop  }
0xde: {  	[tilespmem:s9], [sflag:$0x5] =	stream.indirect.gather [hbm4b:s3+s29], $0x40, s26, s29, $0xb8;
	[tilespmem:$0xCB20] =	vst v63  }
0xdf: {  	_ =	swait.ge [sflag:s31], $0xC8  }
0xe0: {  	[sflag:s31] =	ssyncset.done $0x0  }
0xe1: {  	[sflag:s31] =	ssyncadd.s32 $0xFFFFFF38  }
0xe2: {  	_ =	swait.ge [sflag:s18], $0x3200  }
0xe3: {  	[sflag:s18] =	ssyncset.done $0x0  }
0xe4: {  	[sflag:s18] =	ssyncadd.s32 $0xFFFFCE00  }
0xe5: {  	[tilespmem:s0], [sflag:$0x6] =	stream.indirect.gather [hbm4b:s3+s26], $0x40, s22, s26, $0xb8;
	[tilespmem:$0xCB20] =	vst v63  }
0xe6: {  	_ = 	snop  }
0xe7: {  	[tilespmem:s13], [sflag:$0x6] =	stream.indirect.gather [hbm4b:s3+s29], $0x40, s12, s29, $0xb8;
	[tilespmem:$0xCB20] =	vst v63  }
0xe8: {  	_ =	swait.ge [sflag:s6], $0xC8  }
0xe9: {  	[sflag:s6] =	ssyncset.done $0x0  }
0xea: {  	[sflag:s6] =	ssyncadd.s32 $0xFFFFFF38  }
0xeb: {  	_ =	swait.ge [sflag:s19], $0x3200  }
0xec: {  	[sflag:s19] =	ssyncset.done $0x0  }
0xed: {  	[sflag:s19] =	ssyncadd.s32 $0xFFFFCE00  }
0xee: {  	[tilespmem:s7], [sflag:$0x7] =	stream.indirect.gather [hbm4b:s3+s26], $0x40, s23, s26, $0xb8;
	[tilespmem:$0xCB20] =	vst v63  }
0xef: {  	s1 =	simm.s32 $0x210;
	s8 =	simm.s32 $0x8720  }
0xf0: {  	[tilespmem:s8], [sflag:$0x7] =	stream.indirect.gather [hbm4b:s3+s29], $0x40, s1, s29, $0xb8;
	[tilespmem:$0xCB20] =	vst v63  }
0xf1: {  	_ =	swait.ge [sflag:s10], $0xC8  }
0xf2: {  	[sflag:s10] =	ssyncset.done $0x0  }
0xf3: {  	[sflag:s10] =	ssyncadd.s32 $0xFFFFFF38  }
0xf4: {  	_ =	swait.ge [sflag:s20], $0x3200  }
0xf5: {  	[sflag:s20] =	ssyncset.done $0x0  }
0xf6: {  	[sflag:s20] =	ssyncadd.s32 $0xFFFFCE00  }
0xf7: {  	[tilespmem:s11], [sflag:$0x8] =	stream.indirect.gather [hbm4b:s3+s26], $0x40, s24, s26, $0xb8;
	[tilespmem:$0xCB20] =	vst v63  }
0xf8: {  	s21 =	simm.s32 $0xB920;
	s9 =	simm.s32 $0x2D8  }
0xf9: {  	[tilespmem:s21], [sflag:$0x8] =	stream.indirect.gather [hbm4b:s3+s29], $0x40, s9, s29, $0xb8;
	[tilespmem:$0xCB20] =	vst v63  }
0xfa: {  	_ =	swait.ge [sflag:s14], $0x3200  }
0xfb: {  	[sflag:s14] =	ssyncset.done $0x0  }
0xfc: {  	s30 =	rddreg [dreg:$0x10];
	[sflag:s14] =	ssyncadd.s32 $0xFFFFCE00  }
0xfd: {  	[hbm4b:s30+s2] =	stream.linear.scatter [tilespmem:s28], [sflag:$0x9], $0x3200, $0x38;
	[tilespmem:$0xCB20] =	vst v63  }
0xfe: {  	_ =	swait.ge [sflag:s4], $0x3200  }
0xff: {  	[sflag:s4] =	ssyncset.done $0x0  }
0x100: {  	s5 =	rddreg [dreg:$0x11];
	[sflag:s4] =	ssyncadd.s32 $0xFFFFCE00  }
0x101: {  	[hbm4b:s5+s2] =	stream.linear.scatter [tilespmem:s0], [sflag:$0xA], $0x3200, $0x38;
	[tilespmem:$0xCB20] =	vst v63  }
0x102: {  	_ =	swait.ge [sflag:s15], $0x3200  }
0x103: {  	[sflag:s15] =	ssyncset.done $0x0  }
0x104: {  	s8 =	rddreg [dreg:$0x12];
	[sflag:s15] =	ssyncadd.s32 $0xFFFFCE00  }
0x105: {  	[hbm4b:s8+s2] =	stream.linear.scatter [tilespmem:s7], [sflag:$0xB], $0x3200, $0x38;
	[tilespmem:$0xCB20] =	vst v63  }
0x106: {  	_ =	swait.ge [sflag:s16], $0x3200  }
0x107: {  	[sflag:s16] =	ssyncset.done $0x0  }
0x108: {  	s9 =	rddreg [dreg:$0x13];
	[sflag:s16] =	ssyncadd.s32 $0xFFFFCE00  }
0x109: {  	[hbm4b:s9+s2] =	stream.linear.scatter [tilespmem:s11], [sflag:$0xC], $0x3200, $0x38;
	[tilespmem:$0xCB20] =	vst v63  }
0x10a: {  	_ =	swait.ge [sflag:s17], $0x3200  }
0x10b: {  	[sflag:s17] =	ssyncset.done $0x0  }
0x10c: {  	[sflag:s17] =	ssyncadd.s32 $0xFFFFCE00  }
0x10d: {  	_ =	swait.ge [sflag:s18], $0x3200  }
0x10e: {  	[sflag:s18] =	ssyncset.done $0x0  }
0x10f: {  	[sflag:s18] =	ssyncadd.s32 $0xFFFFCE00  }
0x110: {  	_ =	swait.ge [sflag:s19], $0x3200  }
0x111: {  	[sflag:s19] =	ssyncset.done $0x0  }
0x112: {  	[sflag:s19] =	ssyncadd.s32 $0xFFFFCE00  }
0x113: {  	_ =	swait.ge [sflag:s20], $0x3200  }
0x114: {  	s21 =	rddreg [dreg:$0x16]  }
0x115: {  	s30 =	rddreg [dreg:$0x14];
	s5 =	sadd.s32 $0x1, s21  }
0x116: {  	p0 =	sne.s32 s5, s30  }
.Ltmp1:
0x117: {  	_ = 	snop;
	(pc) =	sbr.rel @p0 .LBB2_1-.Ltmp1, $3  }
0x118: {  	_ =	sdelay $0x1  }
0x119: {  	[sflag:s20] =	ssyncset.done $0x0  }
0x11a: {  	[sflag:s20] =	ssyncadd.s32 $0xFFFFCE00  }
0x11b: {  	_ =	sfence.sel $0x180000  }
0x11c: {  	[bflag:$0x0] =	sbarrier.arrive $0xFFFF  }
0x11d: {  	_ =	strace $0x90000047  }
0x11e: {  	s0 =	stileid.u32;
	[bflag:$0x2] =	sbarrier.arrive $0xFFFF  }
0x11f: {  	p0 =	sne.s32 s0, $0x0;
	s0 =	rddreg [dreg:$0x2]  }
0x120: {  	s0 =	sadd.s32 @!p0 $0x100000, s0  }
0x121: {  	[sflag:s0] =	ssyncadd.tile.s32 @!p0 $0x1;
	_ =	shalt  }
.Lfunc_end2:
_tile_overlayer_lowered:
.L_overlay_start_2:
0x122: {  	(tag) =	ssettag $0x2  }
0x123: {  	s0 =	rddreg [dreg:$0x0];
	s2 =	stileid.u32  }
0x124: {  	s1 =	rddreg [dreg:$0x1];
	p0 =	sne.s32 s2, $0x0  }
0x125: {  	s3 =	rddreg [dreg:$0x2];
	[bflag:$0x3] =	sbarrier.arrive $0xFFFF;
	s2 =	simm.s32 @!p0 $0x1C0D  }
0x126: {  	[timem:s3], [sflag:s2] =	dma.local @!p0 [hbm:s0], s1  }
0x127: {  	s0 =	simm.s32 @!p0 $0xD  }
0x128: {  	_ =	swait.ge @!p0 [sflag:s0], s1  }
0x129: {  	s1 =	ssub.s32 @!p0 $0x0, s1;
	[sflag:s0] =	ssyncset.done @!p0 $0x0  }
0x12a: {  	[sflag:s0] =	ssyncadd.s32 @!p0 s1  }
0x12b: {  	[bflag:$0x3] =	sbarrier.arrive $0xFFFF  }
0x12c: {  	_ =	shalt  }

// kernel: sparse-core-data-format-call.cloned.1.call-start
scs
called_computation_lowered:
.L_overlay_start_0:
0x0: {  	s2 =	sld [smem:$0x3FD9]  }
0x1: {  	s3 =	sld [smem:$0x3FFE];
	_ =	sdelay $0x1  }
0x2: {  	s1 =	srdreg.scid  }
0x3: {  	s0 =	sand.u32 $0x1, s1  }
0x4: {  	s18 =	sshll.u32 s0, $0xA;
	s2 =	sadd.s32 s3, s2  }
0x5: {  	s2 =	sadd.s32 s2, s18  }
0x6: {  	[smem:$0x3FC6] =	sst s2  }
0x7: {  	_ = 	snop  }
0x8: {  	s2 =	sld [smem:$0x3FD0];
	(tm) =	ssettm $0x1  }
0x9: {  	s19 =	sld [smem:$0x3FFB];
	_ =	sdelay $0x3  }
0xa: {  	_ =	strace s19  }
0xb: {  	s3 =	sld [smem:$0x3FFC];
	_ =	sdelay $0x3  }
0xc: {  	_ =	strace s3  }
0xd: {  	s3 =	sld [smem:$0x3FFD];
	_ =	sdelay $0x3  }
0xe: {  	_ =	strace s3  }
0xf: {  	_ =	strace $0x8FFFFFFF  }
0x10: {  	s20 =	sld [smem:$0x3FDB];
	_ =	sdelay $0x1  }
0x11: {  	s4 =	simm.s32 $_scs_section_size  }
0x12: {  	s5 =	simm.s32 $_size__tile_overlayer_lowered;
	s6 =	simm.s32 $_tile_overlayer_lowered  }
0x13: {  	s23 =	simm.s32 $0x1BFF;
	s22 =	sshll.u32 s6, $0x1;
	s3 =	sadd.s32 s4, s20  }
0x14: {  	s7 =	simm.s32 $0x0;
	s21 =	sshll.u32 s5, $0x1;
	s5 =	sadd.s32 s22, s3  }
0x15: {  	[timem:s7], [sflag:s23] =	dma.local [hbm:s5], s21  }
0x16: {  	_ =	swait.ge [sflag:s23], s21  }
0x17: {  	s4 =	ssub.s32 $0x0, s21;
	[sflag:s23] =	ssyncset.done $0x0  }
0x18: {  	[sflag:s23] =	ssyncadd.s32 s4;
	_ =	sdelay $0x1  }
0x19: {  	s24 =	simm.s32 $0x1B8B  }
0x1a: {  	_ =	swait.ge [sflag:s24], $0x1  }
0x1b: {  	[sflag:s24] =	ssyncset.done $0x0  }
0x1c: {  	s26 =	simm.s32 $0x1B8E;
	s25 =	sld [smem:$0x3FFE];
	[sflag:s24] =	ssyncadd.s32 $0xFFFFFFFF  }
0x1d: {  	s27 =	simm.s32 $execute0_lowered;
	[smem:$0x3FD2] =	sst s26  }
0x1e: {  	s5 =	sshll.u32 s27, $0x1;
	_ =	strace $0x80000049;
	[dreg:$0x1] =	wrdreg $0xFFFFFFFF  }
0x1f: {  	s28 =	simm.s32 $_size_execute0_lowered;
	s3 =	sadd.s32 s3, s5;
	[dreg:$0x0] =	wrdreg $0x0  }
0x20: {  	s5 =	sshll.u32 s28, $0x1;
	[dreg:$0x2] =	wrdreg s3  }
0x21: {  	[dreg:$0x3] =	wrdreg s5  }
0x22: {  	[dreg:$0x4] =	wrdreg $0xC0  }
0x23: {  	_ =	task [dreg:s7], $0x5FFFF  }
0x24: {  	[dreg:$0x1] =	wrdreg $0xFFFFFFFF  }
0x25: {  	[dreg:$0x0] =	wrdreg $0x60  }
0x26: {  	[dreg:$0x2] =	wrdreg s25  }
0x27: {  	[dreg:$0x3] =	wrdreg s2  }
0x28: {  	[dreg:$0x4] =	wrdreg $0x9  }
0x29: {  	_ =	task.clear_ibuf [dreg:s7], $0x5FFFF;
	_ =	strace $0x90000049  }
0x2a: {  	s29 =	simm.s32 $0x9;
	_ =	strace $0x8000004B  }
0x2b: {  	_ =	swait.ge [sflag:s29], $0x1  }
0x2c: {  	[sflag:s29] =	ssyncadd.s32 $0xFFFFFFFF  }
0x2d: {  	_ =	strace $0x9000004B  }
0x2e: {  	_ =	sfence  }
0x2f: {  	s30 =	sld [smem:$0x0];
	_ =	sdelay $0x2  }
0x30: {  	s31 =	sshll.u32 s1, $0xD;
	s1 =	sshrl.u32 s1, $0x2  }
0x31: {  	s3 =	sand.u32 $0x4000, s31;
	s1 =	sadd.s32 s1, s30  }
0x32: {  	s0 =	sor.u32 s3, s0;
	s1 =	sshll.u32 s1, $0x11  }
0x33: {  	s0 =	sor.u32 s1, s0  }
0x34: {  	s0 =	sadd.s32 $0x8F2B, s0  }
0x35: {  	[sflag:s0] =	ssyncadd.remote.s32 $0x1  }
0x36: {  	_ =	sfence.sel $0xFFFF  }
0x37: {  	[dreg:$0x0] =	wrdreg $0xFFFFFFFF;
	(pc) =	sbr.abs _section_cstart, $3  }
0x38: {  	[dreg:$0x1] =	wrdreg $0xFFFFFFFF  }
0x39: {  	_ =	task.clear_ibuf [dreg:s7], $0x2FFFF;
	_ =	strace $0x9FFFFFFF  }
0x3a: {  	(tm) =	ssettm $0x7FFFFFFF  }
0x3b: {  	_ =	shalt  }
tec
execute0_lowered:
.L_overlay_start_1:
0x0: {  	(tag) =	ssettag $0x1  }
0x1: {  	s0 =	srdreg.scid  }
0x2: {  	s1 =	sshll.u32 s0, $0x4  }
0x3: {  	s0 =	stileid.u32;
	s1 =	sand.u32 $0x10, s1  }
0x4: {  	s1 =	sor.u32 s0, s1  }
0x5: {  	s6 =	rddreg [dreg:$0x0];
	s4 =	simm.s32 $0x1;
	s2 =	sshll.u32 s1, $0x7  }
0x6: {  	s7 =	simm.s32 $0x2;
	s12 =	simm.s32 $0x0;
	s1 =	ssub.s32 $0x1000, s2  }
0x7: {  	s8 =	simm.s32 $0x8000;
	s13 =	simm.s32 $0x0;
	s3 =	sand.u32 $0xF80, s1  }
0x8: {  	s9 =	simm.s32 $0x0;
	s5 =	sshrl.u32 s1, $0xC;
	p0 =	sne.s32 s3, $0x0  }
.Ltmp0:
0x9: {  	s1 =	rddreg [dreg:$0x2];
	s4 =	simm.s32 @!p0 $0x0;
	(pc) =	sbr.rel .LBB1_1-.Ltmp0, $4  }
0xa: {  	s11 =	simm.s32 $0x0;
	s3 =	rddreg [dreg:$0x1];
	s5 =	sadd.s32 s4, s5  }
0xb: {  	_ =	strace $0x8000004A;
	s4 =	simm.s32 $0x1;
	s5 =	smul.u32 $0xC8, s5  }
0xc: {  	s6 =	sadd.s32 $0xA00, s6;
	s10 =	smov.u32 s2;
	[sflag:s4] =	ssyncpa.u1 $0x0  }
0xd: {  	p0 =	por $0x0, $0x0;
	[sflag:s7] =	ssyncpa.u1 $0x0;
	s7 =	sor.u32 $0x1, s5  }
.LBB1_4:
0xe: {  	s16 =	sshll.u32 s13, $0x3;
	s17 =	sand.u32 $0x78, s13  }
0xf: {  	s30 =	sand.u32 $0x7E00, s13;
	s12 =	sshll.u32 s12, $0xF;
	s16 =	sand.u32 $0xC00, s16  }
0x10: {  	[tilespmem:s15+$0x810 ss:$0x81] =	vst.msk $0xffff, v2;
	s31 =	sand.u32 $0x7, s13;
	s16 =	sor.u32 s17, s16;
	s17 =	sadd.s32 s3, s30  }
0x11: {  	[tilespmem:s15+$0x1020 ss:$0x81] =	vst.msk $0xffff, v0;
	s13 =	sshll.u32 s31, $0x12;
	s12 =	sadd.s32 s12, s17;
	s16 =	sshrl.u32 s16, $0x3  }
0x12: {  	[tilespmem:s15+$0x0 ss:$0x81] =	vst.msk $0xffff, v1;
	s13 =	sor.u32 $0x400, s13;
	s12 =	sadd.s32 s16, s12  }
0x13: {  	[hbm4b:s12+s13] =	stream.strided.scatter [tilespmem:s14], [sflag:$0x2], $0x2000, s8, s13, $0x20;
	[tilespmem:$0x8080] =	vst v63  }
.LBB1_5:
0x14: {  	s14 =	sadd.s32 $0x1, s9  }
0x15: {  	s12 =	sadd.s32 $0x1000, s10;
	s16 =	smov.u32 s10;
	p2 =	sgt.s32 s14, $0xC7  }
0x16: {  	s16 =	smov.u32 @p2 s12  }
0x17: {  	s14 =	simm.s32 @p2 $0x0;
	p2 =	sgt.s32 s16, $0xFFF  }
0x18: {  	s16 =	smov.u32 @p2 s2;
	p2 =	sne.s32 s11, s7  }
.Ltmp1:
0x19: {  	p1 =	slt.u32 s11, $0x2;
	(pc) =	sbr.rel @!p2 .LBB1_6-.Ltmp1, $4  }
0x1a: {  	s15 =	simm.s32 @!p1 $0x2  }
0x1b: {  	s13 =	smov.u32 s10;
	p0 =	por !p0, !p0;
	_ =	swait.ge @!p1 [sflag:s15], $0x2000  }
0x1c: {  	s12 =	smov.u32 s9;
	[sflag:s15] =	ssyncset.done @!p1 $0x0;
	s9 =	smov.u32 s14  }
0x1d: {  	s11 =	sadd.s32 $0x1, s11;
	[sflag:s15] =	ssyncadd.s32 @!p1 $0xFFFFE000;
	s10 =	smov.u32 s16  }
.LBB1_1:
0x1e: {  	p1 =	sge.u32 s11, s5  }
0x1f: {  	s14 =	sand.u32 @!p1 $0x1FFFFFF, s9  }
0x20: {  	s15 =	smulhi.u32 @!p1 $0x147AE15, s14;
	_ =	sdelay $0x1  }
0x21: {  	s15 =	smul.u32 @!p1 $0xC8, s15  }
0x22: {  	s16 =	sxor.u32 @!p1 $0xFFFFFFFF, s11;
	s17 =	smul.u32 @!p1 $0xC80, s10  }
0x23: {  	s31 =	sadd.s32 $0xFFFFFFFF, s11;
	s16 =	sshll.u32 @!p1 s16, $0xD;
	s14 =	ssub.s32 @!p1 s14, s15  }
0x24: {  	s15 =	sand.u32 @!p1 $0x2000, s16;
	s16 =	sadd.s32 @!p1 s6, s17;
	s14 =	sshll.u32 @!p1 s14, $0x4  }
0x25: {  	s17 =	simm.s32 @!p1 $0x6400;
	s14 =	sadd.s32 @!p1 s14, s16;
	s16 =	simm.s32 @!p1 $0x40  }
0x26: {  	[tilespmem:s15], [sflag:$0x1] =	stream.strided.gather @!p1 [hbm4b:s14+s16], $0x2000, s17, s16, $0x38;
	[tilespmem:$0x8080] =	vst v63  }
0x27: {  	p1 =	sge.u32 s31, s5  }
.Ltmp2:
0x28: {  	_ = 	snop;
	(pc) =	sbr.rel @p1 .LBB1_5-.Ltmp2, $1  }
0x29: {  	_ =	sdelay $0x3  }
0x2a: {  	s14 =	simm.s32 $0x1  }
0x2b: {  	_ =	swait.ge [sflag:s4], $0x2000;
	s14 =	simm.s32 @!p0 $0x0  }
0x2c: {  	[sflag:s4] =	ssyncset.done $0x0;
	s15 =	sshll.u32 s14, $0xD  }
0x2d: {  	[sflag:s4] =	ssyncadd.s32 $0xFFFFE000;
	s18 =	sor.u32 $0x20, s15  }
0x2e: {  	s14 =	smul.u32 $0x8100, s14;
	v3 =	vld [tilespmem:s18+$0x10]  }
0x2f: {  	s30 =	sand.u32 $0x1, s11;
	v2 =	vld [tilespmem:s18+$0xFFFFFFF0]  }
0x30: {  	s15 =	smul.u32 $0x8100, s30;
	s14 =	sshrl.u32 s14, $0x2;
	v0 =	vld [tilespmem:s18+$0x0]  }
0x31: {  	v1 =	vld [tilespmem:s18+$0xFFFFFFE0];
	s16 =	sor.u32 $0x4000, s14  }
0x32: {  	s31 =	sshrl.u32 s15, $0x2;
	s15 =	sadd.s32 $0x0, s16  }
0x33: {  	s17 =	simm.s32 $0x4;
	s18 =	sadd.s32 $0x40, s18;
	s14 =	sor.u32 $0x4000, s31;
	[tilespmem:s15+$0x1830 ss:$0x81] =	vst.msk $0xffff, v3  }
.LBB1_3:
0x34: {  	v3 =	vld [tilespmem:s18+$0x10];
	p1 =	sne.s32 s17, $0x1FC;
	[tilespmem:s15+$0x810 ss:$0x81] =	vst.msk $0xffff, v2;
	s19 =	smov.u32 s17;
	s17 =	sadd.s32 $0x4, s17  }
.Ltmp3:
0x35: {  	v2 =	vld [tilespmem:s18+$0xFFFFFFF0];
	[tilespmem:s15+$0x1020 ss:$0x81] =	vst.msk $0xffff, v0;
	(pc) =	sbr.rel @p1 .LBB1_3-.Ltmp3, $4  }
0x36: {  	v0 =	vld [tilespmem:s18+$0x0];
	[tilespmem:s15+$0x0 ss:$0x81] =	vst.msk $0xffff, v1  }
0x37: {  	s15 =	sshra.s32 s19, $0x2;
	v1 =	vld [tilespmem:s18+$0xFFFFFFE0]  }
0x38: {  	s15 =	sadd.s32 s15, s16  }
0x39: {  	s18 =	sadd.s32 $0x40, s18;
	[tilespmem:s15+$0x1830 ss:$0x81] =	vst.msk $0xffff, v3  }
.Ltmp4:
0x3a: {  	_ = 	snop;
	(pc) =	sbr.rel .LBB1_4-.Ltmp4, $1  }
0x3b: {  	_ =	sdelay $0x3  }
.LBB1_6:
0x3c: {  	_ =	sfence.sel $0x180000  }
0x3d: {  	s2 =	simm.s32 $0x1;
	[bflag:$0x0] =	sbarrier.arrive $0xFFFF  }
0x3e: {  	s31 =	simm.s32 $0x2;
	[sflag:s2] =	ssyncpa.u1 $0x1  }
0x3f: {  	[sflag:s31] =	ssyncpa.u1 $0x1  }
0x40: {  	p0 =	sne.s32 s0, $0x0;
	_ =	strace $0x9000004A  }
0x41: {  	s0 =	sadd.s32 @!p0 $0x100000, s1;
	[bflag:$0x2] =	sbarrier.arrive $0xFFFF  }
0x42: {  	[sflag:s0] =	ssyncadd.tile.s32 @!p0 $0x1;
	_ =	shalt  }
.Lfunc_end1:
_tile_overlayer_lowered:
.L_overlay_start_2:
0x43: {  	(tag) =	ssettag $0x2  }
0x44: {  	s0 =	rddreg [dreg:$0x0];
	s2 =	stileid.u32  }
0x45: {  	s1 =	rddreg [dreg:$0x1];
	p0 =	sne.s32 s2, $0x0  }
0x46: {  	s3 =	rddreg [dreg:$0x2];
	[bflag:$0x3] =	sbarrier.arrive $0xFFFF;
	s2 =	simm.s32 @!p0 $0x1C01  }
0x47: {  	[timem:s3], [sflag:s2] =	dma.local @!p0 [hbm:s0], s1  }
0x48: {  	s0 =	simm.s32 @!p0 $0x1  }
0x49: {  	_ =	swait.ge @!p0 [sflag:s0], s1  }
0x4a: {  	s1 =	ssub.s32 @!p0 $0x0, s1;
	[sflag:s0] =	ssyncset.done @!p0 $0x0  }
0x4b: {  	[sflag:s0] =	ssyncadd.s32 @!p0 s1  }
0x4c: {  	[bflag:$0x3] =	sbarrier.arrive $0xFFFF  }
0x4d: {  	_ =	shalt  }

</sc_bundles>
